<compile_context>
chip_gen: v7x
topology: tpu7x:2x2x1
jax: 0.10.2.dev20260603
libtpu: 0.0.44.dev20260713+nightly
codegen_flags: <defaults>
</compile_context>

<pallas_src>
import functools

import jax
import jax.numpy as jnp
from jax import lax
from jax.experimental import pallas as pl
from jax.experimental.pallas import tpu as pltpu
import jax.experimental.pallas.tpu_sc as plsc

N_NODES_R = 10000
NFEAT = 128
HW = NFEAT // 2
N_EDGES_R = 320000

NC = 2
NS = 16
NW = NC * NS
CHUNK = 128
CPW = 80
E_PAD = NW * CPW * CHUNK
N_PAD = 10240
RPT = N_PAD // NS

_mesh = lambda: plsc.VectorSubcoreMesh(core_axis_name="c", subcore_axis_name="s")


@functools.partial(
    pl.kernel,
    out_type=jax.ShapeDtypeStruct((NC, N_PAD), jnp.float32),
    mesh=_mesh(),
    scratch_types=[
        pltpu.VMEM((CPW, CHUNK), jnp.int32),
        pltpu.VMEM((CHUNK,), jnp.float32),
        pltpu.VMEM((RPT,), jnp.float32),
        pltpu.VMEM_SHARED((N_PAD,), jnp.float32),
    ],
)
def _deg_kernel(dst_hbm, out_hbm, dst_v, ones_v, zbuf, acc):
    c = lax.axis_index("c")
    s = lax.axis_index("s")
    wid = s * NC + c

    pltpu.sync_copy(dst_hbm.at[pl.ds(wid * CPW, CPW)], dst_v)

    one16 = jnp.ones((16,), jnp.float32)
    zero16 = jnp.zeros((16,), jnp.float32)
    for k in range(CHUNK // 16):
        ones_v[pl.ds(k * 16, 16)] = one16

    def zb(i, carry):
        zbuf[pl.ds(i * 16, 16)] = zero16
        return carry
    lax.fori_loop(0, RPT // 16, zb, 0)
    pltpu.sync_copy(zbuf, acc.at[pl.ds(s * RPT, RPT)])
    plsc.subcore_barrier()

    def body(j, carry):
        pltpu.sync_copy(ones_v, acc.at[dst_v.at[j]], add=True)
        return carry
    lax.fori_loop(0, CPW, body, 0)
    plsc.subcore_barrier()

    pltpu.sync_copy(acc.at[pl.ds(s * RPT, RPT)], out_hbm.at[c, pl.ds(s * RPT, RPT)])


_NBUF = 2
CPW0 = 152
CPW1 = 160 - CPW0
_STAGES0 = (56, 56, 40)
_STAGES1 = (8,)
_SMAX = 56


@functools.partial(
    pl.kernel,
    out_type=jax.ShapeDtypeStruct((NC, N_PAD, NFEAT), jnp.float32),
    mesh=_mesh(),
    scratch_types=[
        pltpu.VMEM((_SMAX, CHUNK), jnp.int32),
        pltpu.VMEM((_SMAX, CHUNK), jnp.int32),
        pltpu.VMEM((CHUNK, NFEAT), jnp.float32),
        pltpu.VMEM((CHUNK, NFEAT), jnp.float32),
        pltpu.VMEM_SHARED((N_PAD, NFEAT), jnp.float32),
        pltpu.SemaphoreType.DMA,
        pltpu.SemaphoreType.DMA,
    ],
)
def _agg_kernel(y_hbm, src_hbm, dst_hbm, out_hbm, src_v, dst_v, rows0, rows1,
                acc, gsem0, gsem1):
    rows = (rows0, rows1)
    gsem = (gsem0, gsem1)
    c = lax.axis_index("c")
    s = lax.axis_index("s")

    zero16 = jnp.zeros((16,), jnp.float32)
    def zrow(i, carry):
        for k in range(NFEAT // 16):
            rows[0][i, pl.ds(k * 16, 16)] = zero16
        return carry
    lax.fori_loop(0, CHUNK, zrow, 0)
    for t in range(RPT // CHUNK):
        pltpu.sync_copy(rows[0], acc.at[pl.ds(s * RPT + t * CHUNK, CHUNK)])
    plsc.subcore_barrier()

    def run_edges(row_base, stage_sizes):
        off = 0
        for sz in stage_sizes:
            pltpu.sync_copy(src_hbm.at[pl.ds(row_base + off, sz)],
                            src_v.at[pl.ds(0, sz)])
            pltpu.sync_copy(dst_hbm.at[pl.ds(row_base + off, sz)],
                            dst_v.at[pl.ds(0, sz)])
            for b in range(_NBUF):
                pltpu.async_copy(y_hbm.at[src_v.at[b]], rows[b], gsem[b])

            def body(q, carry):
                j0 = q * _NBUF
                for b in range(_NBUF):
                    pltpu.make_async_copy(y_hbm.at[src_v.at[j0 + b]], rows[b],
                                          gsem[b]).wait()
                    pltpu.sync_copy(rows[b], acc.at[dst_v.at[j0 + b]],
                                    add=True)
                    @pl.when(j0 + b + _NBUF < sz)
                    def _():
                        pltpu.async_copy(y_hbm.at[src_v.at[j0 + b + _NBUF]],
                                         rows[b], gsem[b])
                return carry
            lax.fori_loop(0, sz // _NBUF, body, 0)
            off += sz

    @pl.when(c == 0)
    def _():
        run_edges(s * CPW0, _STAGES0)

    @pl.when(c == 1)
    def _():
        run_edges(NS * CPW0 + s * CPW1, _STAGES1)

    plsc.subcore_barrier()

    pltpu.sync_copy(acc.at[pl.ds(s * RPT, RPT)],
                    out_hbm.at[c, pl.ds(s * RPT, RPT)])


_BLK = 640
_GRID = N_PAD // _BLK


def _row_mask(i):
    rid = i * _BLK + lax.broadcasted_iota(jnp.int32, (_BLK, 1), 0)
    return rid < N_NODES_R


def _tc1_body(x_ref, w1_ref, da_ref, db_ref, y1_ref, dinv_ref):
    i = pl.program_id(0)
    d = da_ref[...] + db_ref[...] + 1.0
    r = jnp.where(_row_mask(i), lax.rsqrt(d), 0.0)
    xw = jnp.dot(x_ref[...], w1_ref[...], preferred_element_type=jnp.float32)
    y1_ref[...] = r * xw
    dinv_ref[...] = r


def _tc2_body(y1_ref, aa_ref, ab_ref, dinv_ref, b1_ref, w2_ref, y2_ref):
    r = dinv_ref[...]
    a = aa_ref[...] + ab_ref[...] + y1_ref[...]
    h = jnp.maximum(r * a + b1_ref[...], 0.0)
    y2_ref[...] = r * jnp.dot(h, w2_ref[...], preferred_element_type=jnp.float32)


def _tc3_body(y2_ref, aa_ref, ab_ref, dinv_ref, b2_ref, wfc_ref, bfc_ref,
              h2_ref, lg_ref):
    r = dinv_ref[...]
    h2 = r * (aa_ref[...] + ab_ref[...] + y2_ref[...]) + b2_ref[...]
    h2_ref[...] = h2
    lg_ref[...] = jnp.dot(h2, wfc_ref[...], preferred_element_type=jnp.float32) + bfc_ref[...]


def _rows_spec(width=NFEAT):
    return pl.BlockSpec((_BLK, width), lambda i: (i, 0))


def _full_spec(shape):
    return pl.BlockSpec(shape, lambda i: tuple(0 for _ in shape))


def kernel(x, edge_index, W1, b1, W2, b2, Wfc, bfc):
    f32 = jnp.float32
    src = edge_index[0].astype(jnp.int32)
    dst = edge_index[1].astype(jnp.int32)
    pad_e = E_PAD - src.shape[0]
    fill = jnp.full((pad_e,), N_NODES_R, jnp.int32)
    src2 = jnp.concatenate([src, fill]).reshape(NW * CPW, CHUNK)
    dst2 = jnp.concatenate([dst, fill]).reshape(NW * CPW, CHUNK)

    x_pad = jnp.pad(x.astype(f32), ((0, N_PAD - N_NODES_R), (0, 0)))

    deg = _deg_kernel(dst2)
    degA = deg[0].reshape(N_PAD, 1)
    degB = deg[1].reshape(N_PAD, 1)

    y1, dinv = pl.pallas_call(
        _tc1_body,
        grid=(_GRID,),
        in_specs=[_rows_spec(), _full_spec((NFEAT, NFEAT)),
                  _rows_spec(1), _rows_spec(1)],
        out_specs=[_rows_spec(), _rows_spec(1)],
        out_shape=[jax.ShapeDtypeStruct((N_PAD, NFEAT), f32),
                   jax.ShapeDtypeStruct((N_PAD, 1), f32)],
    )(x_pad, W1.astype(f32), degA, degB)

    agg1 = _agg_kernel(y1, src2, dst2)

    y2 = pl.pallas_call(
        _tc2_body,
        grid=(_GRID,),
        in_specs=[_rows_spec(), _rows_spec(), _rows_spec(), _rows_spec(1),
                  _full_spec((1, NFEAT)), _full_spec((NFEAT, NFEAT))],
        out_specs=_rows_spec(),
        out_shape=jax.ShapeDtypeStruct((N_PAD, NFEAT), f32),
    )(y1, agg1[0], agg1[1], dinv, b1.astype(f32).reshape(1, NFEAT),
      W2.astype(f32))

    agg2 = _agg_kernel(y2, src2, dst2)

    ncls = Wfc.shape[1]
    wfc_pad = jnp.pad(Wfc.astype(f32), ((0, 0), (0, NFEAT - ncls)))
    bfc_pad = jnp.pad(bfc.astype(f32), (0, NFEAT - ncls)).reshape(1, NFEAT)

    h2, logits = pl.pallas_call(
        _tc3_body,
        grid=(_GRID,),
        in_specs=[_rows_spec(), _rows_spec(), _rows_spec(), _rows_spec(1),
                  _full_spec((1, NFEAT)), _full_spec((NFEAT, NFEAT)),
                  _full_spec((1, NFEAT))],
        out_specs=[_rows_spec(), _rows_spec()],
        out_shape=[jax.ShapeDtypeStruct((N_PAD, NFEAT), f32),
                   jax.ShapeDtypeStruct((N_PAD, NFEAT), f32)],
    )(y2, agg2[0], agg2[1], dinv, b2.astype(f32).reshape(1, NFEAT),
      wfc_pad, bfc_pad)

    return (h2[:N_NODES_R], logits[:N_NODES_R, :ncls])

# --- scband reference (transcript-rebuilt; emitter-appended) ---
"""Pipeline reference for scband-gcn-83013127897500 (READ-ONLY COPY).

The authoritative reference and input builder live on the scoring server;
editing this copy changes nothing except your own understanding.
"""

import jax, jax.numpy as jnp
import numpy as np

N_NODES = 10000
NFEAT = 128
NHID = 128
NCLASS = 8
N_EDGES = 320000


def gcn_conv(x, edge_index, W, b, num_nodes):
    # PyG GCNConv: add self-loops, symmetric normalization, x @ W, scatter-add aggregate, + bias
    src = edge_index[0]
    dst = edge_index[1]
    loop = jnp.arange(num_nodes, dtype=edge_index.dtype)
    src = jnp.concatenate([src, loop])
    dst = jnp.concatenate([dst, loop])
    ones = jnp.ones(src.shape[0], dtype=x.dtype)
    deg = jnp.zeros((num_nodes,), dtype=x.dtype).at[dst].add(ones)
    dinv = jnp.where(deg > 0, deg ** -0.5, 0.0)
    norm = dinv[src] * dinv[dst]
    xw = x @ W
    msgs = xw[src] * norm[:, None]
    out = jnp.zeros((num_nodes, xw.shape[1]), dtype=x.dtype).at[dst].add(msgs)
    return out + b


def setup_inputs(seed: int = 0) -> dict:
    key = jax.random.key(seed)
    ks = jax.random.split(key, 8)
    x = jax.random.normal(ks[0], (N_NODES, NFEAT), dtype=jnp.float32)
    edge_index = jax.random.randint(ks[1], (2, N_EDGES), 0, N_NODES, dtype=jnp.int64)
    # glorot-style init scales
    W1 = jax.random.normal(ks[2], (NFEAT, NHID), dtype=jnp.float32) * (2.0 / (NFEAT + NHID)) ** 0.5
    b1 = jnp.zeros((NHID,), dtype=jnp.float32)
    W2 = jax.random.normal(ks[3], (NHID, NHID), dtype=jnp.float32) * (2.0 / (NHID + NHID)) ** 0.5
    b2 = jnp.zeros((NHID,), dtype=jnp.float32)
    Wfc = jax.random.normal(ks[4], (NHID, NCLASS), dtype=jnp.float32) * (2.0 / (NHID + NCLASS)) ** 0.5
    bfc = jnp.zeros((NCLASS,), dtype=jnp.float32)
    return {"x": x, "edge_index": edge_index, "W1": W1, "b1": b1, "W2": W2, "b2": b2, "Wfc": Wfc, "bfc": bfc}


def reference(x, edge_index, W1, b1, W2, b2, Wfc, bfc):
    # GCN_Body (eval mode: dropout is identity)
    h = gcn_conv(x, edge_index, W1, b1, N_NODES)
    h = jax.nn.relu(h)
    h = gcn_conv(h, edge_index, W2, b2, N_NODES)
    # final linear classifier
    logits = h @ Wfc + bfc
    return (h, logits)

if __name__ == "__main__":
    import jax
    _d = setup_inputs()
    print(jax.jit(kernel)(*tuple(_d.values())))

</pallas_src>

<mosaic_0001>
#map = affine_map<(d0, d1) -> (0, 0)>
#map1 = affine_map<(d0, d1) -> (0, 0, 0)>
module attributes {stable_mosaic.version = 14 : i64} {
  func.func @_agg_kernel(%arg0: i32, %arg1: i32, %arg2: memref<10240x128xf32, #tpu.memory_space<hbm>>, %arg3: memref<2560x128xi32, #tpu.memory_space<hbm>>, %arg4: memref<2560x128xi32, #tpu.memory_space<hbm>>, %arg5: memref<2x10240x128xf32, #tpu.memory_space<hbm>>, %arg6: memref<56x128xi32, #tpu.memory_space<vmem>>, %arg7: memref<56x128xi32, #tpu.memory_space<vmem>>, %arg8: memref<128x128xf32, #tpu.memory_space<vmem>>, %arg9: memref<128x128xf32, #tpu.memory_space<vmem>>, %arg10: memref<10240x128xf32, #tpu.memory_space<vmem_shared>>, %arg11: memref<!tpu.dma_semaphore, #tpu.memory_space<semaphore_mem>>, %arg12: memref<!tpu.dma_semaphore, #tpu.memory_space<semaphore_mem>>) attributes {dimension_semantics = [#tpu.dimension_semantics<core_parallel>, #tpu.dimension_semantics<subcore_parallel>], iteration_bounds = array<i64: 2, 16>, scalar_prefetch = 0 : i64, scratch_operands = 7 : i64, tpu.core_type = #tpu.core_type<sc_vector_subcore>, window_params = [{transform_indices = #map}, {transform_indices = #map}, {transform_indices = #map}, {transform_indices = #map1}]} {
    %broadcast_in_dim3A = arith.constant 0.000000e+00 : f32
    %broadcast_in_dim3A_0 = vector.broadcast %broadcast_in_dim3A : f32 to vector<16xf32>
    %scan3A = arith.constant 0 : i32
    %scan3A_1 = arith.constant 0 : i32
    %scan3A_2 = arith.constant 128 : i32
    %scan3A_3 = arith.addi %scan3A_1, %scan3A_2 : i32
    %scan3A_4 = arith.constant 1 : i32
    scf.for %scan3A_36 = %scan3A_1 to %scan3A_3 step %scan3A_4  : i32 {
      %swap3A = arith.index_cast %scan3A_36 : i32 to index
      %swap3A_37 = arith.constant 0 : index
      %swap3A_38 = tpu.vector_load %arg8[%swap3A, %swap3A_37] {strides = array<i32>} : memref<128x128xf32, #tpu.memory_space<vmem>>, vector<1x16xf32>,
      %swap3A_39 = vector.shape_cast %swap3A_38 : vector<1x16xf32> to vector<16xf32>
      %swap3A_40 = vector.shape_cast %broadcast_in_dim3A_0 : vector<16xf32> to vector<1x16xf32>
      tpu.vector_store %arg8[%swap3A, %swap3A_37], %swap3A_40 {strides = array<i32>} : memref<128x128xf32, #tpu.memory_space<vmem>>, vector<1x16xf32>,
      %swap3A_41 = arith.index_cast %scan3A_36 : i32 to index
      %swap3A_42 = arith.constant 16 : index
      %swap3A_43 = tpu.vector_load %arg8[%swap3A_41, %swap3A_42] {strides = array<i32>} : memref<128x128xf32, #tpu.memory_space<vmem>>, vector<1x16xf32>,
      %swap3A_44 = vector.shape_cast %swap3A_43 : vector<1x16xf32> to vector<16xf32>
      %swap3A_45 = vector.shape_cast %broadcast_in_dim3A_0 : vector<16xf32> to vector<1x16xf32>
      tpu.vector_store %arg8[%swap3A_41, %swap3A_42], %swap3A_45 {strides = array<i32>} : memref<128x128xf32, #tpu.memory_space<vmem>>, vector<1x16xf32>,
      %swap3A_46 = arith.index_cast %scan3A_36 : i32 to index
      %swap3A_47 = arith.constant 32 : index
      %swap3A_48 = tpu.vector_load %arg8[%swap3A_46, %swap3A_47] {strides = array<i32>} : memref<128x128xf32, #tpu.memory_space<vmem>>, vector<1x16xf32>,
      %swap3A_49 = vector.shape_cast %swap3A_48 : vector<1x16xf32> to vector<16xf32>
      %swap3A_50 = vector.shape_cast %broadcast_in_dim3A_0 : vector<16xf32> to vector<1x16xf32>
      tpu.vector_store %arg8[%swap3A_46, %swap3A_47], %swap3A_50 {strides = array<i32>} : memref<128x128xf32, #tpu.memory_space<vmem>>, vector<1x16xf32>,
      %swap3A_51 = arith.index_cast %scan3A_36 : i32 to index
      %swap3A_52 = arith.constant 48 : index
      %swap3A_53 = tpu.vector_load %arg8[%swap3A_51, %swap3A_52] {strides = array<i32>} : memref<128x128xf32, #tpu.memory_space<vmem>>, vector<1x16xf32>,
      %swap3A_54 = vector.shape_cast %swap3A_53 : vector<1x16xf32> to vector<16xf32>
      %swap3A_55 = vector.shape_cast %broadcast_in_dim3A_0 : vector<16xf32> to vector<1x16xf32>
      tpu.vector_store %arg8[%swap3A_51, %swap3A_52], %swap3A_55 {strides = array<i32>} : memref<128x128xf32, #tpu.memory_space<vmem>>, vector<1x16xf32>,
      %swap3A_56 = arith.index_cast %scan3A_36 : i32 to index
      %swap3A_57 = arith.constant 64 : index
      %swap3A_58 = tpu.vector_load %arg8[%swap3A_56, %swap3A_57] {strides = array<i32>} : memref<128x128xf32, #tpu.memory_space<vmem>>, vector<1x16xf32>,
      %swap3A_59 = vector.shape_cast %swap3A_58 : vector<1x16xf32> to vector<16xf32>
      %swap3A_60 = vector.shape_cast %broadcast_in_dim3A_0 : vector<16xf32> to vector<1x16xf32>
      tpu.vector_store %arg8[%swap3A_56, %swap3A_57], %swap3A_60 {strides = array<i32>} : memref<128x128xf32, #tpu.memory_space<vmem>>, vector<1x16xf32>,
      %swap3A_61 = arith.index_cast %scan3A_36 : i32 to index
      %swap3A_62 = arith.constant 80 : index
      %swap3A_63 = tpu.vector_load %arg8[%swap3A_61, %swap3A_62] {strides = array<i32>} : memref<128x128xf32, #tpu.memory_space<vmem>>, vector<1x16xf32>,
      %swap3A_64 = vector.shape_cast %swap3A_63 : vector<1x16xf32> to vector<16xf32>
      %swap3A_65 = vector.shape_cast %broadcast_in_dim3A_0 : vector<16xf32> to vector<1x16xf32>
      tpu.vector_store %arg8[%swap3A_61, %swap3A_62], %swap3A_65 {strides = array<i32>} : memref<128x128xf32, #tpu.memory_space<vmem>>, vector<1x16xf32>,
      %swap3A_66 = arith.index_cast %scan3A_36 : i32 to index
      %swap3A_67 = arith.constant 96 : index
      %swap3A_68 = tpu.vector_load %arg8[%swap3A_66, %swap3A_67] {strides = array<i32>} : memref<128x128xf32, #tpu.memory_space<vmem>>, vector<1x16xf32>,
      %swap3A_69 = vector.shape_cast %swap3A_68 : vector<1x16xf32> to vector<16xf32>
      %swap3A_70 = vector.shape_cast %broadcast_in_dim3A_0 : vector<16xf32> to vector<1x16xf32>
      tpu.vector_store %arg8[%swap3A_66, %swap3A_67], %swap3A_70 {strides = array<i32>} : memref<128x128xf32, #tpu.memory_space<vmem>>, vector<1x16xf32>,
      %swap3A_71 = arith.index_cast %scan3A_36 : i32 to index
      %swap3A_72 = arith.constant 112 : index
      %swap3A_73 = tpu.vector_load %arg8[%swap3A_71, %swap3A_72] {strides = array<i32>} : memref<128x128xf32, #tpu.memory_space<vmem>>, vector<1x16xf32>,
      %swap3A_74 = vector.shape_cast %swap3A_73 : vector<1x16xf32> to vector<16xf32>
      %swap3A_75 = vector.shape_cast %broadcast_in_dim3A_0 : vector<16xf32> to vector<1x16xf32>
      tpu.vector_store %arg8[%swap3A_71, %swap3A_72], %swap3A_75 {strides = array<i32>} : memref<128x128xf32, #tpu.memory_space<vmem>>, vector<1x16xf32>,
    }
    %scan3A_5 = arith.constant 128 : i32
    %mul3A = arith.constant 640 : i32
    %mul3A_6 = arith.muli %arg1, %mul3A : i32
    %add3A = arith.constant 0 : i32
    %add3A_7 = arith.addi %mul3A_6, %add3A : i32
    "tpu.region"() ({
      %run_scoped3A = tpu.sem_alloc : memref<!tpu.dma_semaphore, #tpu.memory_space<semaphore_mem>>
      %dma_start3A = arith.constant 0 : i32
      %dma_start3A_36 = tpu.memref_slice %arg10[%add3A_7, %dma_start3A] : memref<10240x128xf32, #tpu.memory_space<vmem_shared>> -> memref<128x128xf32, #tpu.memory_space<vmem_shared>>
      %dma_start3A_37 = arith.constant 0 : i32
      %dma_start3A_38 = tpu.memref_slice %arg10[%add3A_7, %dma_start3A_37] : memref<10240x128xf32, #tpu.memory_space<vmem_shared>> -> memref<128x128xf32, #tpu.memory_space<vmem_shared>>
      tpu.enqueue_dma source(%arg8 : memref<128x128xf32, #tpu.memory_space<vmem>>) target(%dma_start3A_38 : memref<128x128xf32, #tpu.memory_space<vmem_shared>>) target_semaphore(%run_scoped3A : memref<!tpu.dma_semaphore, #tpu.memory_space<semaphore_mem>>)
      %dma_wait3A = arith.constant 0 : i32
      %dma_wait3A_39 = tpu.memref_slice %arg10[%add3A_7, %dma_wait3A] : memref<10240x128xf32, #tpu.memory_space<vmem_shared>> -> memref<128x128xf32, #tpu.memory_space<vmem_shared>>
      %dma_wait3A_40 = arith.constant 0 : i32
      %dma_wait3A_41 = tpu.memref_slice %arg10[%add3A_7, %dma_wait3A_40] : memref<10240x128xf32, #tpu.memory_space<vmem_shared>> -> memref<128x128xf32, #tpu.memory_space<vmem_shared>>
      tpu.wait_dma2 semaphore(%run_scoped3A : memref<!tpu.dma_semaphore, #tpu.memory_space<semaphore_mem>>) src(%arg8 : memref<128x128xf32, #tpu.memory_space<vmem>>) dst(%dma_wait3A_41 : memref<128x128xf32, #tpu.memory_space<vmem_shared>>)
      tpu.yield
    }) : () -> ()
    %mul3A_8 = arith.constant 640 : i32
    %mul3A_9 = arith.muli %arg1, %mul3A_8 : i32
    %add3A_10 = arith.constant 128 : i32
    %add3A_11 = arith.addi %mul3A_9, %add3A_10 : i32
    "tpu.region"() ({
      %run_scoped3A = tpu.sem_alloc : memref<!tpu.dma_semaphore, #tpu.memory_space<semaphore_mem>>
      %dma_start3A = arith.constant 0 : i32
      %dma_start3A_36 = tpu.memref_slice %arg10[%add3A_11, %dma_start3A] : memref<10240x128xf32, #tpu.memory_space<vmem_shared>> -> memref<128x128xf32, #tpu.memory_space<vmem_shared>>
      %dma_start3A_37 = arith.constant 0 : i32
      %dma_start3A_38 = tpu.memref_slice %arg10[%add3A_11, %dma_start3A_37] : memref<10240x128xf32, #tpu.memory_space<vmem_shared>> -> memref<128x128xf32, #tpu.memory_space<vmem_shared>>
      tpu.enqueue_dma source(%arg8 : memref<128x128xf32, #tpu.memory_space<vmem>>) target(%dma_start3A_38 : memref<128x128xf32, #tpu.memory_space<vmem_shared>>) target_semaphore(%run_scoped3A : memref<!tpu.dma_semaphore, #tpu.memory_space<semaphore_mem>>)
      %dma_wait3A = arith.constant 0 : i32
      %dma_wait3A_39 = tpu.memref_slice %arg10[%add3A_11, %dma_wait3A] : memref<10240x128xf32, #tpu.memory_space<vmem_shared>> -> memref<128x128xf32, #tpu.memory_space<vmem_shared>>
      %dma_wait3A_40 = arith.constant 0 : i32
      %dma_wait3A_41 = tpu.memref_slice %arg10[%add3A_11, %dma_wait3A_40] : memref<10240x128xf32, #tpu.memory_space<vmem_shared>> -> memref<128x128xf32, #tpu.memory_space<vmem_shared>>
      tpu.wait_dma2 semaphore(%run_scoped3A : memref<!tpu.dma_semaphore, #tpu.memory_space<semaphore_mem>>) src(%arg8 : memref<128x128xf32, #tpu.memory_space<vmem>>) dst(%dma_wait3A_41 : memref<128x128xf32, #tpu.memory_space<vmem_shared>>)
      tpu.yield
    }) : () -> ()
    %mul3A_12 = arith.constant 640 : i32
    %mul3A_13 = arith.muli %arg1, %mul3A_12 : i32
    %add3A_14 = arith.constant 256 : i32
    %add3A_15 = arith.addi %mul3A_13, %add3A_14 : i32
    "tpu.region"() ({
      %run_scoped3A = tpu.sem_alloc : memref<!tpu.dma_semaphore, #tpu.memory_space<semaphore_mem>>
      %dma_start3A = arith.constant 0 : i32
      %dma_start3A_36 = tpu.memref_slice %arg10[%add3A_15, %dma_start3A] : memref<10240x128xf32, #tpu.memory_space<vmem_shared>> -> memref<128x128xf32, #tpu.memory_space<vmem_shared>>
      %dma_start3A_37 = arith.constant 0 : i32
      %dma_start3A_38 = tpu.memref_slice %arg10[%add3A_15, %dma_start3A_37] : memref<10240x128xf32, #tpu.memory_space<vmem_shared>> -> memref<128x128xf32, #tpu.memory_space<vmem_shared>>
      tpu.enqueue_dma source(%arg8 : memref<128x128xf32, #tpu.memory_space<vmem>>) target(%dma_start3A_38 : memref<128x128xf32, #tpu.memory_space<vmem_shared>>) target_semaphore(%run_scoped3A : memref<!tpu.dma_semaphore, #tpu.memory_space<semaphore_mem>>)
      %dma_wait3A = arith.constant 0 : i32
      %dma_wait3A_39 = tpu.memref_slice %arg10[%add3A_15, %dma_wait3A] : memref<10240x128xf32, #tpu.memory_space<vmem_shared>> -> memref<128x128xf32, #tpu.memory_space<vmem_shared>>
      %dma_wait3A_40 = arith.constant 0 : i32
      %dma_wait3A_41 = tpu.memref_slice %arg10[%add3A_15, %dma_wait3A_40] : memref<10240x128xf32, #tpu.memory_space<vmem_shared>> -> memref<128x128xf32, #tpu.memory_space<vmem_shared>>
      tpu.wait_dma2 semaphore(%run_scoped3A : memref<!tpu.dma_semaphore, #tpu.memory_space<semaphore_mem>>) src(%arg8 : memref<128x128xf32, #tpu.memory_space<vmem>>) dst(%dma_wait3A_41 : memref<128x128xf32, #tpu.memory_space<vmem_shared>>)
      tpu.yield
    }) : () -> ()
    %mul3A_16 = arith.constant 640 : i32
    %mul3A_17 = arith.muli %arg1, %mul3A_16 : i32
    %add3A_18 = arith.constant 384 : i32
    %add3A_19 = arith.addi %mul3A_17, %add3A_18 : i32
    "tpu.region"() ({
      %run_scoped3A = tpu.sem_alloc : memref<!tpu.dma_semaphore, #tpu.memory_space<semaphore_mem>>
      %dma_start3A = arith.constant 0 : i32
      %dma_start3A_36 = tpu.memref_slice %arg10[%add3A_19, %dma_start3A] : memref<10240x128xf32, #tpu.memory_space<vmem_shared>> -> memref<128x128xf32, #tpu.memory_space<vmem_shared>>
      %dma_start3A_37 = arith.constant 0 : i32
      %dma_start3A_38 = tpu.memref_slice %arg10[%add3A_19, %dma_start3A_37] : memref<10240x128xf32, #tpu.memory_space<vmem_shared>> -> memref<128x128xf32, #tpu.memory_space<vmem_shared>>
      tpu.enqueue_dma source(%arg8 : memref<128x128xf32, #tpu.memory_space<vmem>>) target(%dma_start3A_38 : memref<128x128xf32, #tpu.memory_space<vmem_shared>>) target_semaphore(%run_scoped3A : memref<!tpu.dma_semaphore, #tpu.memory_space<semaphore_mem>>)
      %dma_wait3A = arith.constant 0 : i32
      %dma_wait3A_39 = tpu.memref_slice %arg10[%add3A_19, %dma_wait3A] : memref<10240x128xf32, #tpu.memory_space<vmem_shared>> -> memref<128x128xf32, #tpu.memory_space<vmem_shared>>
      %dma_wait3A_40 = arith.constant 0 : i32
      %dma_wait3A_41 = tpu.memref_slice %arg10[%add3A_19, %dma_wait3A_40] : memref<10240x128xf32, #tpu.memory_space<vmem_shared>> -> memref<128x128xf32, #tpu.memory_space<vmem_shared>>
      tpu.wait_dma2 semaphore(%run_scoped3A : memref<!tpu.dma_semaphore, #tpu.memory_space<semaphore_mem>>) src(%arg8 : memref<128x128xf32, #tpu.memory_space<vmem>>) dst(%dma_wait3A_41 : memref<128x128xf32, #tpu.memory_space<vmem_shared>>)
      tpu.yield
    }) : () -> ()
    %mul3A_20 = arith.constant 640 : i32
    %mul3A_21 = arith.muli %arg1, %mul3A_20 : i32
    %add3A_22 = arith.constant 512 : i32
    %add3A_23 = arith.addi %mul3A_21, %add3A_22 : i32
    "tpu.region"() ({
      %run_scoped3A = tpu.sem_alloc : memref<!tpu.dma_semaphore, #tpu.memory_space<semaphore_mem>>
      %dma_start3A = arith.constant 0 : i32
      %dma_start3A_36 = tpu.memref_slice %arg10[%add3A_23, %dma_start3A] : memref<10240x128xf32, #tpu.memory_space<vmem_shared>> -> memref<128x128xf32, #tpu.memory_space<vmem_shared>>
      %dma_start3A_37 = arith.constant 0 : i32
      %dma_start3A_38 = tpu.memref_slice %arg10[%add3A_23, %dma_start3A_37] : memref<10240x128xf32, #tpu.memory_space<vmem_shared>> -> memref<128x128xf32, #tpu.memory_space<vmem_shared>>
      tpu.enqueue_dma source(%arg8 : memref<128x128xf32, #tpu.memory_space<vmem>>) target(%dma_start3A_38 : memref<128x128xf32, #tpu.memory_space<vmem_shared>>) target_semaphore(%run_scoped3A : memref<!tpu.dma_semaphore, #tpu.memory_space<semaphore_mem>>)
      %dma_wait3A = arith.constant 0 : i32
      %dma_wait3A_39 = tpu.memref_slice %arg10[%add3A_23, %dma_wait3A] : memref<10240x128xf32, #tpu.memory_space<vmem_shared>> -> memref<128x128xf32, #tpu.memory_space<vmem_shared>>
      %dma_wait3A_40 = arith.constant 0 : i32
      %dma_wait3A_41 = tpu.memref_slice %arg10[%add3A_23, %dma_wait3A_40] : memref<10240x128xf32, #tpu.memory_space<vmem_shared>> -> memref<128x128xf32, #tpu.memory_space<vmem_shared>>
      tpu.wait_dma2 semaphore(%run_scoped3A : memref<!tpu.dma_semaphore, #tpu.memory_space<semaphore_mem>>) src(%arg8 : memref<128x128xf32, #tpu.memory_space<vmem>>) dst(%dma_wait3A_41 : memref<128x128xf32, #tpu.memory_space<vmem_shared>>)
      tpu.yield
    }) : () -> ()
    %barrier3A = arith.constant 0 : index
    tpu.barrier barrier_id(%barrier3A)
    %eq3A = arith.constant 0 : i32
    %eq3A_24 = arith.cmpi eq, %arg0, %eq3A : i32
    %convert_element_type3A = arith.extui %eq3A_24 : i1 to i32
    %cond3A = arith.constant 0 : i32
    %cond3A_25 = arith.cmpi ne, %convert_element_type3A, %cond3A : i32
    scf.if %cond3A_25 {
      %mul3A_36 = arith.constant 152 : i32
      %mul3A_37 = arith.muli %arg1, %mul3A_36 : i32
      %add3A_38 = arith.constant 0 : i32
      %add3A_39 = arith.addi %mul3A_37, %add3A_38 : i32
      "tpu.region"() ({
        %run_scoped3A = tpu.sem_alloc : memref<!tpu.dma_semaphore, #tpu.memory_space<semaphore_mem>>
        %dma_start3A_109 = arith.constant 0 : i32
        %dma_start3A_110 = arith.constant 0 : i32
        %dma_start3A_111 = tpu.memref_slice %arg6[%dma_start3A_109, %dma_start3A_110] : memref<56x128xi32, #tpu.memory_space<vmem>> -> memref<56x128xi32, #tpu.memory_space<vmem>>
        %dma_start3A_112 = arith.constant 0 : i32
        %dma_start3A_113 = tpu.memref_slice %arg3[%add3A_39, %dma_start3A_112] : memref<2560x128xi32, #tpu.memory_space<hbm>> -> memref<56x128xi32, #tpu.memory_space<hbm>>
        %dma_start3A_114 = arith.constant 0 : i32
        %dma_start3A_115 = arith.constant 0 : i32
        %dma_start3A_116 = tpu.memref_slice %arg6[%dma_start3A_114, %dma_start3A_115] : memref<56x128xi32, #tpu.memory_space<vmem>> -> memref<56x128xi32, #tpu.memory_space<vmem>>
        %dma_start3A_117 = arith.constant 0 : i32
        %dma_start3A_118 = tpu.memref_slice %arg3[%add3A_39, %dma_start3A_117] : memref<2560x128xi32, #tpu.memory_space<hbm>> -> memref<56x128xi32, #tpu.memory_space<hbm>>
        tpu.enqueue_dma source(%dma_start3A_118 : memref<56x128xi32, #tpu.memory_space<hbm>>) target(%dma_start3A_116 : memref<56x128xi32, #tpu.memory_space<vmem>>) target_semaphore(%run_scoped3A : memref<!tpu.dma_semaphore, #tpu.memory_space<semaphore_mem>>)
        %dma_wait3A = arith.constant 0 : i32
        %dma_wait3A_119 = arith.constant 0 : i32
        %dma_wait3A_120 = tpu.memref_slice %arg6[%dma_wait3A, %dma_wait3A_119] : memref<56x128xi32, #tpu.memory_space<vmem>> -> memref<56x128xi32, #tpu.memory_space<vmem>>
        %dma_wait3A_121 = arith.constant 0 : i32
        %dma_wait3A_122 = tpu.memref_slice %arg3[%add3A_39, %dma_wait3A_121] : memref<2560x128xi32, #tpu.memory_space<hbm>> -> memref<56x128xi32, #tpu.memory_space<hbm>>
        %dma_wait3A_123 = arith.constant 0 : i32
        %dma_wait3A_124 = arith.constant 0 : i32
        %dma_wait3A_125 = tpu.memref_slice %arg6[%dma_wait3A_123, %dma_wait3A_124] : memref<56x128xi32, #tpu.memory_space<vmem>> -> memref<56x128xi32, #tpu.memory_space<vmem>>
        %dma_wait3A_126 = arith.constant 0 : i32
        %dma_wait3A_127 = tpu.memref_slice %arg3[%add3A_39, %dma_wait3A_126] : memref<2560x128xi32, #tpu.memory_space<hbm>> -> memref<56x128xi32, #tpu.memory_space<hbm>>
        tpu.wait_dma2 semaphore(%run_scoped3A : memref<!tpu.dma_semaphore, #tpu.memory_space<semaphore_mem>>) src(%dma_wait3A_127 : memref<56x128xi32, #tpu.memory_space<hbm>>) dst(%dma_wait3A_125 : memref<56x128xi32, #tpu.memory_space<vmem>>)
        tpu.yield
      }) : () -> ()
      %add3A_40 = arith.constant 0 : i32
      %add3A_41 = arith.addi %mul3A_37, %add3A_40 : i32
      "tpu.region"() ({
        %run_scoped3A = tpu.sem_alloc : memref<!tpu.dma_semaphore, #tpu.memory_space<semaphore_mem>>
        %dma_start3A_109 = arith.constant 0 : i32
        %dma_start3A_110 = arith.constant 0 : i32
        %dma_start3A_111 = tpu.memref_slice %arg7[%dma_start3A_109, %dma_start3A_110] : memref<56x128xi32, #tpu.memory_space<vmem>> -> memref<56x128xi32, #tpu.memory_space<vmem>>
        %dma_start3A_112 = arith.constant 0 : i32
        %dma_start3A_113 = tpu.memref_slice %arg4[%add3A_41, %dma_start3A_112] : memref<2560x128xi32, #tpu.memory_space<hbm>> -> memref<56x128xi32, #tpu.memory_space<hbm>>
        %dma_start3A_114 = arith.constant 0 : i32
        %dma_start3A_115 = arith.constant 0 : i32
        %dma_start3A_116 = tpu.memref_slice %arg7[%dma_start3A_114, %dma_start3A_115] : memref<56x128xi32, #tpu.memory_space<vmem>> -> memref<56x128xi32, #tpu.memory_space<vmem>>
        %dma_start3A_117 = arith.constant 0 : i32
        %dma_start3A_118 = tpu.memref_slice %arg4[%add3A_41, %dma_start3A_117] : memref<2560x128xi32, #tpu.memory_space<hbm>> -> memref<56x128xi32, #tpu.memory_space<hbm>>
        tpu.enqueue_dma source(%dma_start3A_118 : memref<56x128xi32, #tpu.memory_space<hbm>>) target(%dma_start3A_116 : memref<56x128xi32, #tpu.memory_space<vmem>>) target_semaphore(%run_scoped3A : memref<!tpu.dma_semaphore, #tpu.memory_space<semaphore_mem>>)
        %dma_wait3A = arith.constant 0 : i32
        %dma_wait3A_119 = arith.constant 0 : i32
        %dma_wait3A_120 = tpu.memref_slice %arg7[%dma_wait3A, %dma_wait3A_119] : memref<56x128xi32, #tpu.memory_space<vmem>> -> memref<56x128xi32, #tpu.memory_space<vmem>>
        %dma_wait3A_121 = arith.constant 0 : i32
        %dma_wait3A_122 = tpu.memref_slice %arg4[%add3A_41, %dma_wait3A_121] : memref<2560x128xi32, #tpu.memory_space<hbm>> -> memref<56x128xi32, #tpu.memory_space<hbm>>
        %dma_wait3A_123 = arith.constant 0 : i32
        %dma_wait3A_124 = arith.constant 0 : i32
        %dma_wait3A_125 = tpu.memref_slice %arg7[%dma_wait3A_123, %dma_wait3A_124] : memref<56x128xi32, #tpu.memory_space<vmem>> -> memref<56x128xi32, #tpu.memory_space<vmem>>
        %dma_wait3A_126 = arith.constant 0 : i32
        %dma_wait3A_127 = tpu.memref_slice %arg4[%add3A_41, %dma_wait3A_126] : memref<2560x128xi32, #tpu.memory_space<hbm>> -> memref<56x128xi32, #tpu.memory_space<hbm>>
        tpu.wait_dma2 semaphore(%run_scoped3A : memref<!tpu.dma_semaphore, #tpu.memory_space<semaphore_mem>>) src(%dma_wait3A_127 : memref<56x128xi32, #tpu.memory_space<hbm>>) dst(%dma_wait3A_125 : memref<56x128xi32, #tpu.memory_space<vmem>>)
        tpu.yield
      }) : () -> ()
      %dma_start3A = arith.constant 0 : i32
      %dma_start3A_42 = arith.constant 0 : i32
      %dma_start3A_43 = tpu.memref_slice %arg6[%dma_start3A, %dma_start3A_42] : memref<56x128xi32, #tpu.memory_space<vmem>> -> memref<1x128xi32, #tpu.memory_space<vmem>>
      %dma_start3A_44 = tpu.memref_squeeze %dma_start3A_43 : memref<1x128xi32, #tpu.memory_space<vmem>> -> memref<128xi32, #tpu.memory_space<vmem>>
      %dma_start3A_45 = arith.constant 0 : i32
      %dma_start3A_46 = arith.constant 0 : i32
      %dma_start3A_47 = tpu.memref_slice %arg2[%dma_start3A_45, %dma_start3A_46] : memref<10240x128xf32, #tpu.memory_space<hbm>> -> memref<10240x128xf32, #tpu.memory_space<hbm>>
      tpu.enqueue_indirect_dma source(%dma_start3A_47 : memref<10240x128xf32, #tpu.memory_space<hbm>>) target(%arg8 : memref<128x128xf32, #tpu.memory_space<vmem>>) offsets(%dma_start3A_44 : memref<128xi32, #tpu.memory_space<vmem>>) semaphore(%arg11 : memref<!tpu.dma_semaphore, #tpu.memory_space<semaphore_mem>>)
      %dma_start3A_48 = arith.constant 1 : i32
      %dma_start3A_49 = arith.constant 0 : i32
      %dma_start3A_50 = tpu.memref_slice %arg6[%dma_start3A_48, %dma_start3A_49] : memref<56x128xi32, #tpu.memory_space<vmem>> -> memref<1x128xi32, #tpu.memory_space<vmem>>
      %dma_start3A_51 = tpu.memref_squeeze %dma_start3A_50 : memref<1x128xi32, #tpu.memory_space<vmem>> -> memref<128xi32, #tpu.memory_space<vmem>>
      %dma_start3A_52 = arith.constant 0 : i32
      %dma_start3A_53 = arith.constant 0 : i32
      %dma_start3A_54 = tpu.memref_slice %arg2[%dma_start3A_52, %dma_start3A_53] : memref<10240x128xf32, #tpu.memory_space<hbm>> -> memref<10240x128xf32, #tpu.memory_space<hbm>>
      tpu.enqueue_indirect_dma source(%dma_start3A_54 : memref<10240x128xf32, #tpu.memory_space<hbm>>) target(%arg9 : memref<128x128xf32, #tpu.memory_space<vmem>>) offsets(%dma_start3A_51 : memref<128xi32, #tpu.memory_space<vmem>>) semaphore(%arg12 : memref<!tpu.dma_semaphore, #tpu.memory_space<semaphore_mem>>)
      %scan3A_55 = arith.constant 0 : i32
      %scan3A_56 = arith.constant 0 : i32
      %scan3A_57 = arith.constant 28 : i32
      %scan3A_58 = arith.addi %scan3A_56, %scan3A_57 : i32
      %scan3A_59 = arith.constant 1 : i32
      scf.for %scan3A_109 = %scan3A_56 to %scan3A_58 step %scan3A_59  : i32 {
        %mul3A_110 = arith.constant 2 : i32
        %mul3A_111 = arith.muli %scan3A_109, %mul3A_110 : i32
        %add3A_112 = arith.constant 0 : i32
        %add3A_113 = arith.addi %mul3A_111, %add3A_112 : i32
        %dma_wait3A = arith.constant 0 : i32
        %dma_wait3A_114 = tpu.memref_slice %arg6[%add3A_113, %dma_wait3A] : memref<56x128xi32, #tpu.memory_space<vmem>> -> memref<1x128xi32, #tpu.memory_space<vmem>>
        %dma_wait3A_115 = tpu.memref_squeeze %dma_wait3A_114 : memref<1x128xi32, #tpu.memory_space<vmem>> -> memref<128xi32, #tpu.memory_space<vmem>>
        %dma_wait3A_116 = arith.constant 0 : i32
        %dma_wait3A_117 = arith.constant 0 : i32
        %dma_wait3A_118 = tpu.memref_slice %arg2[%dma_wait3A_116, %dma_wait3A_117] : memref<10240x128xf32, #tpu.memory_space<hbm>> -> memref<10240x128xf32, #tpu.memory_space<hbm>>
        tpu.wait_indirect_dma semaphore(%arg11 : memref<!tpu.dma_semaphore, #tpu.memory_space<semaphore_mem>>) src(%dma_wait3A_118 : memref<10240x128xf32, #tpu.memory_space<hbm>>) dst(%arg8 : memref<128x128xf32, #tpu.memory_space<vmem>>)
        %add3A_119 = arith.constant 0 : i32
        %add3A_120 = arith.addi %mul3A_111, %add3A_119 : i32
        "tpu.region"() ({
          %run_scoped3A = tpu.sem_alloc : memref<!tpu.dma_semaphore, #tpu.memory_space<semaphore_mem>>
          %dma_start3A_148 = arith.constant 0 : i32
          %dma_start3A_149 = tpu.memref_slice %arg7[%add3A_120, %dma_start3A_148] : memref<56x128xi32, #tpu.memory_space<vmem>> -> memref<1x128xi32, #tpu.memory_space<vmem>>
          %dma_start3A_150 = tpu.memref_squeeze %dma_start3A_149 : memref<1x128xi32, #tpu.memory_space<vmem>> -> memref<128xi32, #tpu.memory_space<vmem>>
          %dma_start3A_151 = arith.constant 0 : i32
          %dma_start3A_152 = arith.constant 0 : i32
          %dma_start3A_153 = tpu.memref_slice %arg10[%dma_start3A_151, %dma_start3A_152] : memref<10240x128xf32, #tpu.memory_space<vmem_shared>> -> memref<10240x128xf32, #tpu.memory_space<vmem_shared>>
          tpu.enqueue_indirect_dma source(%arg8 : memref<128x128xf32, #tpu.memory_space<vmem>>) target(%dma_start3A_153 : memref<10240x128xf32, #tpu.memory_space<vmem_shared>>) offsets(%dma_start3A_150 : memref<128xi32, #tpu.memory_space<vmem>>) semaphore(%run_scoped3A : memref<!tpu.dma_semaphore, #tpu.memory_space<semaphore_mem>>) {add = true}
          %dma_wait3A_154 = arith.constant 0 : i32
          %dma_wait3A_155 = tpu.memref_slice %arg7[%add3A_120, %dma_wait3A_154] : memref<56x128xi32, #tpu.memory_space<vmem>> -> memref<1x128xi32, #tpu.memory_space<vmem>>
          %dma_wait3A_156 = tpu.memref_squeeze %dma_wait3A_155 : memref<1x128xi32, #tpu.memory_space<vmem>> -> memref<128xi32, #tpu.memory_space<vmem>>
          %dma_wait3A_157 = arith.constant 0 : i32
          %dma_wait3A_158 = arith.constant 0 : i32
          %dma_wait3A_159 = tpu.memref_slice %arg10[%dma_wait3A_157, %dma_wait3A_158] : memref<10240x128xf32, #tpu.memory_space<vmem_shared>> -> memref<10240x128xf32, #tpu.memory_space<vmem_shared>>
          tpu.wait_indirect_dma semaphore(%run_scoped3A : memref<!tpu.dma_semaphore, #tpu.memory_space<semaphore_mem>>) src(%arg8 : memref<128x128xf32, #tpu.memory_space<vmem>>) dst(%dma_wait3A_159 : memref<10240x128xf32, #tpu.memory_space<vmem_shared>>)
          tpu.yield
        }) : () -> ()
        %add3A_121 = arith.constant 0 : i32
        %add3A_122 = arith.addi %mul3A_111, %add3A_121 : i32
        %add3A_123 = arith.constant 2 : i32
        %add3A_124 = arith.addi %add3A_122, %add3A_123 : i32
        %lt3A = arith.constant 56 : i32
        %lt3A_125 = arith.cmpi slt, %add3A_124, %lt3A : i32
        %convert_element_type3A_126 = arith.extui %lt3A_125 : i1 to i32
        %cond3A_127 = arith.constant 0 : i32
        %cond3A_128 = arith.cmpi ne, %convert_element_type3A_126, %cond3A_127 : i32
        scf.if %cond3A_128 {
          %add3A_148 = arith.constant 0 : i32
          %add3A_149 = arith.addi %mul3A_111, %add3A_148 : i32
          %add3A_150 = arith.constant 2 : i32
          %add3A_151 = arith.addi %add3A_149, %add3A_150 : i32
          %dma_start3A_152 = arith.constant 0 : i32
          %dma_start3A_153 = tpu.memref_slice %arg6[%add3A_151, %dma_start3A_152] : memref<56x128xi32, #tpu.memory_space<vmem>> -> memref<1x128xi32, #tpu.memory_space<vmem>>
          %dma_start3A_154 = tpu.memref_squeeze %dma_start3A_153 : memref<1x128xi32, #tpu.memory_space<vmem>> -> memref<128xi32, #tpu.memory_space<vmem>>
          %dma_start3A_155 = arith.constant 0 : i32
          %dma_start3A_156 = arith.constant 0 : i32
          %dma_start3A_157 = tpu.memref_slice %arg2[%dma_start3A_155, %dma_start3A_156] : memref<10240x128xf32, #tpu.memory_space<hbm>> -> memref<10240x128xf32, #tpu.memory_space<hbm>>
          tpu.enqueue_indirect_dma source(%dma_start3A_157 : memref<10240x128xf32, #tpu.memory_space<hbm>>) target(%arg8 : memref<128x128xf32, #tpu.memory_space<vmem>>) offsets(%dma_start3A_154 : memref<128xi32, #tpu.memory_space<vmem>>) semaphore(%arg11 : memref<!tpu.dma_semaphore, #tpu.memory_space<semaphore_mem>>)
        } else {
        }
        %add3A_129 = arith.constant 1 : i32
        %add3A_130 = arith.addi %mul3A_111, %add3A_129 : i32
        %dma_wait3A_131 = arith.constant 0 : i32
        %dma_wait3A_132 = tpu.memref_slice %arg6[%add3A_130, %dma_wait3A_131] : memref<56x128xi32, #tpu.memory_space<vmem>> -> memref<1x128xi32, #tpu.memory_space<vmem>>
        %dma_wait3A_133 = tpu.memref_squeeze %dma_wait3A_132 : memref<1x128xi32, #tpu.memory_space<vmem>> -> memref<128xi32, #tpu.memory_space<vmem>>
        %dma_wait3A_134 = arith.constant 0 : i32
        %dma_wait3A_135 = arith.constant 0 : i32
        %dma_wait3A_136 = tpu.memref_slice %arg2[%dma_wait3A_134, %dma_wait3A_135] : memref<10240x128xf32, #tpu.memory_space<hbm>> -> memref<10240x128xf32, #tpu.memory_space<hbm>>
        tpu.wait_indirect_dma semaphore(%arg12 : memref<!tpu.dma_semaphore, #tpu.memory_space<semaphore_mem>>) src(%dma_wait3A_136 : memref<10240x128xf32, #tpu.memory_space<hbm>>) dst(%arg9 : memref<128x128xf32, #tpu.memory_space<vmem>>)
        %add3A_137 = arith.constant 1 : i32
        %add3A_138 = arith.addi %mul3A_111, %add3A_137 : i32
        "tpu.region"() ({
          %run_scoped3A = tpu.sem_alloc : memref<!tpu.dma_semaphore, #tpu.memory_space<semaphore_mem>>
          %dma_start3A_148 = arith.constant 0 : i32
          %dma_start3A_149 = tpu.memref_slice %arg7[%add3A_138, %dma_start3A_148] : memref<56x128xi32, #tpu.memory_space<vmem>> -> memref<1x128xi32, #tpu.memory_space<vmem>>
          %dma_start3A_150 = tpu.memref_squeeze %dma_start3A_149 : memref<1x128xi32, #tpu.memory_space<vmem>> -> memref<128xi32, #tpu.memory_space<vmem>>
          %dma_start3A_151 = arith.constant 0 : i32
          %dma_start3A_152 = arith.constant 0 : i32
          %dma_start3A_153 = tpu.memref_slice %arg10[%dma_start3A_151, %dma_start3A_152] : memref<10240x128xf32, #tpu.memory_space<vmem_shared>> -> memref<10240x128xf32, #tpu.memory_space<vmem_shared>>
          tpu.enqueue_indirect_dma source(%arg9 : memref<128x128xf32, #tpu.memory_space<vmem>>) target(%dma_start3A_153 : memref<10240x128xf32, #tpu.memory_space<vmem_shared>>) offsets(%dma_start3A_150 : memref<128xi32, #tpu.memory_space<vmem>>) semaphore(%run_scoped3A : memref<!tpu.dma_semaphore, #tpu.memory_space<semaphore_mem>>) {add = true}
          %dma_wait3A_154 = arith.constant 0 : i32
          %dma_wait3A_155 = tpu.memref_slice %arg7[%add3A_138, %dma_wait3A_154] : memref<56x128xi32, #tpu.memory_space<vmem>> -> memref<1x128xi32, #tpu.memory_space<vmem>>
          %dma_wait3A_156 = tpu.memref_squeeze %dma_wait3A_155 : memref<1x128xi32, #tpu.memory_space<vmem>> -> memref<128xi32, #tpu.memory_space<vmem>>
          %dma_wait3A_157 = arith.constant 0 : i32
          %dma_wait3A_158 = arith.constant 0 : i32
          %dma_wait3A_159 = tpu.memref_slice %arg10[%dma_wait3A_157, %dma_wait3A_158] : memref<10240x128xf32, #tpu.memory_space<vmem_shared>> -> memref<10240x128xf32, #tpu.memory_space<vmem_shared>>
          tpu.wait_indirect_dma semaphore(%run_scoped3A : memref<!tpu.dma_semaphore, #tpu.memory_space<semaphore_mem>>) src(%arg9 : memref<128x128xf32, #tpu.memory_space<vmem>>) dst(%dma_wait3A_159 : memref<10240x128xf32, #tpu.memory_space<vmem_shared>>)
          tpu.yield
        }) : () -> ()
        %add3A_139 = arith.constant 1 : i32
        %add3A_140 = arith.addi %mul3A_111, %add3A_139 : i32
        %add3A_141 = arith.constant 2 : i32
        %add3A_142 = arith.addi %add3A_140, %add3A_141 : i32
        %lt3A_143 = arith.constant 56 : i32
        %lt3A_144 = arith.cmpi slt, %add3A_142, %lt3A_143 : i32
        %convert_element_type3A_145 = arith.extui %lt3A_144 : i1 to i32
        %cond3A_146 = arith.constant 0 : i32
        %cond3A_147 = arith.cmpi ne, %convert_element_type3A_145, %cond3A_146 : i32
        scf.if %cond3A_147 {
          %add3A_148 = arith.constant 1 : i32
          %add3A_149 = arith.addi %mul3A_111, %add3A_148 : i32
          %add3A_150 = arith.constant 2 : i32
          %add3A_151 = arith.addi %add3A_149, %add3A_150 : i32
          %dma_start3A_152 = arith.constant 0 : i32
          %dma_start3A_153 = tpu.memref_slice %arg6[%add3A_151, %dma_start3A_152] : memref<56x128xi32, #tpu.memory_space<vmem>> -> memref<1x128xi32, #tpu.memory_space<vmem>>
          %dma_start3A_154 = tpu.memref_squeeze %dma_start3A_153 : memref<1x128xi32, #tpu.memory_space<vmem>> -> memref<128xi32, #tpu.memory_space<vmem>>
          %dma_start3A_155 = arith.constant 0 : i32
          %dma_start3A_156 = arith.constant 0 : i32
          %dma_start3A_157 = tpu.memref_slice %arg2[%dma_start3A_155, %dma_start3A_156] : memref<10240x128xf32, #tpu.memory_space<hbm>> -> memref<10240x128xf32, #tpu.memory_space<hbm>>
          tpu.enqueue_indirect_dma source(%dma_start3A_157 : memref<10240x128xf32, #tpu.memory_space<hbm>>) target(%arg9 : memref<128x128xf32, #tpu.memory_space<vmem>>) offsets(%dma_start3A_154 : memref<128xi32, #tpu.memory_space<vmem>>) semaphore(%arg12 : memref<!tpu.dma_semaphore, #tpu.memory_space<semaphore_mem>>)
        } else {
        }
      }
      %scan3A_60 = arith.constant 28 : i32
      %add3A_61 = arith.constant 56 : i32
      %add3A_62 = arith.addi %mul3A_37, %add3A_61 : i32
      "tpu.region"() ({
        %run_scoped3A = tpu.sem_alloc : memref<!tpu.dma_semaphore, #tpu.memory_space<semaphore_mem>>
        %dma_start3A_109 = arith.constant 0 : i32
        %dma_start3A_110 = arith.constant 0 : i32
        %dma_start3A_111 = tpu.memref_slice %arg6[%dma_start3A_109, %dma_start3A_110] : memref<56x128xi32, #tpu.memory_space<vmem>> -> memref<56x128xi32, #tpu.memory_space<vmem>>
        %dma_start3A_112 = arith.constant 0 : i32
        %dma_start3A_113 = tpu.memref_slice %arg3[%add3A_62, %dma_start3A_112] : memref<2560x128xi32, #tpu.memory_space<hbm>> -> memref<56x128xi32, #tpu.memory_space<hbm>>
        %dma_start3A_114 = arith.constant 0 : i32
        %dma_start3A_115 = arith.constant 0 : i32
        %dma_start3A_116 = tpu.memref_slice %arg6[%dma_start3A_114, %dma_start3A_115] : memref<56x128xi32, #tpu.memory_space<vmem>> -> memref<56x128xi32, #tpu.memory_space<vmem>>
        %dma_start3A_117 = arith.constant 0 : i32
        %dma_start3A_118 = tpu.memref_slice %arg3[%add3A_62, %dma_start3A_117] : memref<2560x128xi32, #tpu.memory_space<hbm>> -> memref<56x128xi32, #tpu.memory_space<hbm>>
        tpu.enqueue_dma source(%dma_start3A_118 : memref<56x128xi32, #tpu.memory_space<hbm>>) target(%dma_start3A_116 : memref<56x128xi32, #tpu.memory_space<vmem>>) target_semaphore(%run_scoped3A : memref<!tpu.dma_semaphore, #tpu.memory_space<semaphore_mem>>)
        %dma_wait3A = arith.constant 0 : i32
        %dma_wait3A_119 = arith.constant 0 : i32
        %dma_wait3A_120 = tpu.memref_slice %arg6[%dma_wait3A, %dma_wait3A_119] : memref<56x128xi32, #tpu.memory_space<vmem>> -> memref<56x128xi32, #tpu.memory_space<vmem>>
        %dma_wait3A_121 = arith.constant 0 : i32
        %dma_wait3A_122 = tpu.memref_slice %arg3[%add3A_62, %dma_wait3A_121] : memref<2560x128xi32, #tpu.memory_space<hbm>> -> memref<56x128xi32, #tpu.memory_space<hbm>>
        %dma_wait3A_123 = arith.constant 0 : i32
        %dma_wait3A_124 = arith.constant 0 : i32
        %dma_wait3A_125 = tpu.memref_slice %arg6[%dma_wait3A_123, %dma_wait3A_124] : memref<56x128xi32, #tpu.memory_space<vmem>> -> memref<56x128xi32, #tpu.memory_space<vmem>>
        %dma_wait3A_126 = arith.constant 0 : i32
        %dma_wait3A_127 = tpu.memref_slice %arg3[%add3A_62, %dma_wait3A_126] : memref<2560x128xi32, #tpu.memory_space<hbm>> -> memref<56x128xi32, #tpu.memory_space<hbm>>
        tpu.wait_dma2 semaphore(%run_scoped3A : memref<!tpu.dma_semaphore, #tpu.memory_space<semaphore_mem>>) src(%dma_wait3A_127 : memref<56x128xi32, #tpu.memory_space<hbm>>) dst(%dma_wait3A_125 : memref<56x128xi32, #tpu.memory_space<vmem>>)
        tpu.yield
      }) : () -> ()
      %add3A_63 = arith.constant 56 : i32
      %add3A_64 = arith.addi %mul3A_37, %add3A_63 : i32
      "tpu.region"() ({
        %run_scoped3A = tpu.sem_alloc : memref<!tpu.dma_semaphore, #tpu.memory_space<semaphore_mem>>
        %dma_start3A_109 = arith.constant 0 : i32
        %dma_start3A_110 = arith.constant 0 : i32
        %dma_start3A_111 = tpu.memref_slice %arg7[%dma_start3A_109, %dma_start3A_110] : memref<56x128xi32, #tpu.memory_space<vmem>> -> memref<56x128xi32, #tpu.memory_space<vmem>>
        %dma_start3A_112 = arith.constant 0 : i32
        %dma_start3A_113 = tpu.memref_slice %arg4[%add3A_64, %dma_start3A_112] : memref<2560x128xi32, #tpu.memory_space<hbm>> -> memref<56x128xi32, #tpu.memory_space<hbm>>
        %dma_start3A_114 = arith.constant 0 : i32
        %dma_start3A_115 = arith.constant 0 : i32
        %dma_start3A_116 = tpu.memref_slice %arg7[%dma_start3A_114, %dma_start3A_115] : memref<56x128xi32, #tpu.memory_space<vmem>> -> memref<56x128xi32, #tpu.memory_space<vmem>>
        %dma_start3A_117 = arith.constant 0 : i32
        %dma_start3A_118 = tpu.memref_slice %arg4[%add3A_64, %dma_start3A_117] : memref<2560x128xi32, #tpu.memory_space<hbm>> -> memref<56x128xi32, #tpu.memory_space<hbm>>
        tpu.enqueue_dma source(%dma_start3A_118 : memref<56x128xi32, #tpu.memory_space<hbm>>) target(%dma_start3A_116 : memref<56x128xi32, #tpu.memory_space<vmem>>) target_semaphore(%run_scoped3A : memref<!tpu.dma_semaphore, #tpu.memory_space<semaphore_mem>>)
        %dma_wait3A = arith.constant 0 : i32
        %dma_wait3A_119 = arith.constant 0 : i32
        %dma_wait3A_120 = tpu.memref_slice %arg7[%dma_wait3A, %dma_wait3A_119] : memref<56x128xi32, #tpu.memory_space<vmem>> -> memref<56x128xi32, #tpu.memory_space<vmem>>
        %dma_wait3A_121 = arith.constant 0 : i32
        %dma_wait3A_122 = tpu.memref_slice %arg4[%add3A_64, %dma_wait3A_121] : memref<2560x128xi32, #tpu.memory_space<hbm>> -> memref<56x128xi32, #tpu.memory_space<hbm>>
        %dma_wait3A_123 = arith.constant 0 : i32
        %dma_wait3A_124 = arith.constant 0 : i32
        %dma_wait3A_125 = tpu.memref_slice %arg7[%dma_wait3A_123, %dma_wait3A_124] : memref<56x128xi32, #tpu.memory_space<vmem>> -> memref<56x128xi32, #tpu.memory_space<vmem>>
        %dma_wait3A_126 = arith.constant 0 : i32
        %dma_wait3A_127 = tpu.memref_slice %arg4[%add3A_64, %dma_wait3A_126] : memref<2560x128xi32, #tpu.memory_space<hbm>> -> memref<56x128xi32, #tpu.memory_space<hbm>>
        tpu.wait_dma2 semaphore(%run_scoped3A : memref<!tpu.dma_semaphore, #tpu.memory_space<semaphore_mem>>) src(%dma_wait3A_127 : memref<56x128xi32, #tpu.memory_space<hbm>>) dst(%dma_wait3A_125 : memref<56x128xi32, #tpu.memory_space<vmem>>)
        tpu.yield
      }) : () -> ()
      %dma_start3A_65 = arith.constant 0 : i32
      %dma_start3A_66 = arith.constant 0 : i32
      %dma_start3A_67 = tpu.memref_slice %arg6[%dma_start3A_65, %dma_start3A_66] : memref<56x128xi32, #tpu.memory_space<vmem>> -> memref<1x128xi32, #tpu.memory_space<vmem>>
      %dma_start3A_68 = tpu.memref_squeeze %dma_start3A_67 : memref<1x128xi32, #tpu.memory_space<vmem>> -> memref<128xi32, #tpu.memory_space<vmem>>
      %dma_start3A_69 = arith.constant 0 : i32
      %dma_start3A_70 = arith.constant 0 : i32
      %dma_start3A_71 = tpu.memref_slice %arg2[%dma_start3A_69, %dma_start3A_70] : memref<10240x128xf32, #tpu.memory_space<hbm>> -> memref<10240x128xf32, #tpu.memory_space<hbm>>
      tpu.enqueue_indirect_dma source(%dma_start3A_71 : memref<10240x128xf32, #tpu.memory_space<hbm>>) target(%arg8 : memref<128x128xf32, #tpu.memory_space<vmem>>) offsets(%dma_start3A_68 : memref<128xi32, #tpu.memory_space<vmem>>) semaphore(%arg11 : memref<!tpu.dma_semaphore, #tpu.memory_space<semaphore_mem>>)
      %dma_start3A_72 = arith.constant 1 : i32
      %dma_start3A_73 = arith.constant 0 : i32
      %dma_start3A_74 = tpu.memref_slice %arg6[%dma_start3A_72, %dma_start3A_73] : memref<56x128xi32, #tpu.memory_space<vmem>> -> memref<1x128xi32, #tpu.memory_space<vmem>>
      %dma_start3A_75 = tpu.memref_squeeze %dma_start3A_74 : memref<1x128xi32, #tpu.memory_space<vmem>> -> memref<128xi32, #tpu.memory_space<vmem>>
      %dma_start3A_76 = arith.constant 0 : i32
      %dma_start3A_77 = arith.constant 0 : i32
      %dma_start3A_78 = tpu.memref_slice %arg2[%dma_start3A_76, %dma_start3A_77] : memref<10240x128xf32, #tpu.memory_space<hbm>> -> memref<10240x128xf32, #tpu.memory_space<hbm>>
      tpu.enqueue_indirect_dma source(%dma_start3A_78 : memref<10240x128xf32, #tpu.memory_space<hbm>>) target(%arg9 : memref<128x128xf32, #tpu.memory_space<vmem>>) offsets(%dma_start3A_75 : memref<128xi32, #tpu.memory_space<vmem>>) semaphore(%arg12 : memref<!tpu.dma_semaphore, #tpu.memory_space<semaphore_mem>>)
      %scan3A_79 = arith.constant 0 : i32
      %scan3A_80 = arith.constant 0 : i32
      %scan3A_81 = arith.constant 28 : i32
      %scan3A_82 = arith.addi %scan3A_80, %scan3A_81 : i32
      %scan3A_83 = arith.constant 1 : i32
      scf.for %scan3A_109 = %scan3A_80 to %scan3A_82 step %scan3A_83  : i32 {
        %mul3A_110 = arith.constant 2 : i32
        %mul3A_111 = arith.muli %scan3A_109, %mul3A_110 : i32
        %add3A_112 = arith.constant 0 : i32
        %add3A_113 = arith.addi %mul3A_111, %add3A_112 : i32
        %dma_wait3A = arith.constant 0 : i32
        %dma_wait3A_114 = tpu.memref_slice %arg6[%add3A_113, %dma_wait3A] : memref<56x128xi32, #tpu.memory_space<vmem>> -> memref<1x128xi32, #tpu.memory_space<vmem>>
        %dma_wait3A_115 = tpu.memref_squeeze %dma_wait3A_114 : memref<1x128xi32, #tpu.memory_space<vmem>> -> memref<128xi32, #tpu.memory_space<vmem>>
        %dma_wait3A_116 = arith.constant 0 : i32
        %dma_wait3A_117 = arith.constant 0 : i32
        %dma_wait3A_118 = tpu.memref_slice %arg2[%dma_wait3A_116, %dma_wait3A_117] : memref<10240x128xf32, #tpu.memory_space<hbm>> -> memref<10240x128xf32, #tpu.memory_space<hbm>>
        tpu.wait_indirect_dma semaphore(%arg11 : memref<!tpu.dma_semaphore, #tpu.memory_space<semaphore_mem>>) src(%dma_wait3A_118 : memref<10240x128xf32, #tpu.memory_space<hbm>>) dst(%arg8 : memref<128x128xf32, #tpu.memory_space<vmem>>)
        %add3A_119 = arith.constant 0 : i32
        %add3A_120 = arith.addi %mul3A_111, %add3A_119 : i32
        "tpu.region"() ({
          %run_scoped3A = tpu.sem_alloc : memref<!tpu.dma_semaphore, #tpu.memory_space<semaphore_mem>>
          %dma_start3A_148 = arith.constant 0 : i32
          %dma_start3A_149 = tpu.memref_slice %arg7[%add3A_120, %dma_start3A_148] : memref<56x128xi32, #tpu.memory_space<vmem>> -> memref<1x128xi32, #tpu.memory_space<vmem>>
          %dma_start3A_150 = tpu.memref_squeeze %dma_start3A_149 : memref<1x128xi32, #tpu.memory_space<vmem>> -> memref<128xi32, #tpu.memory_space<vmem>>
          %dma_start3A_151 = arith.constant 0 : i32
          %dma_start3A_152 = arith.constant 0 : i32
          %dma_start3A_153 = tpu.memref_slice %arg10[%dma_start3A_151, %dma_start3A_152] : memref<10240x128xf32, #tpu.memory_space<vmem_shared>> -> memref<10240x128xf32, #tpu.memory_space<vmem_shared>>
          tpu.enqueue_indirect_dma source(%arg8 : memref<128x128xf32, #tpu.memory_space<vmem>>) target(%dma_start3A_153 : memref<10240x128xf32, #tpu.memory_space<vmem_shared>>) offsets(%dma_start3A_150 : memref<128xi32, #tpu.memory_space<vmem>>) semaphore(%run_scoped3A : memref<!tpu.dma_semaphore, #tpu.memory_space<semaphore_mem>>) {add = true}
          %dma_wait3A_154 = arith.constant 0 : i32
          %dma_wait3A_155 = tpu.memref_slice %arg7[%add3A_120, %dma_wait3A_154] : memref<56x128xi32, #tpu.memory_space<vmem>> -> memref<1x128xi32, #tpu.memory_space<vmem>>
          %dma_wait3A_156 = tpu.memref_squeeze %dma_wait3A_155 : memref<1x128xi32, #tpu.memory_space<vmem>> -> memref<128xi32, #tpu.memory_space<vmem>>
          %dma_wait3A_157 = arith.constant 0 : i32
          %dma_wait3A_158 = arith.constant 0 : i32
          %dma_wait3A_159 = tpu.memref_slice %arg10[%dma_wait3A_157, %dma_wait3A_158] : memref<10240x128xf32, #tpu.memory_space<vmem_shared>> -> memref<10240x128xf32, #tpu.memory_space<vmem_shared>>
          tpu.wait_indirect_dma semaphore(%run_scoped3A : memref<!tpu.dma_semaphore, #tpu.memory_space<semaphore_mem>>) src(%arg8 : memref<128x128xf32, #tpu.memory_space<vmem>>) dst(%dma_wait3A_159 : memref<10240x128xf32, #tpu.memory_space<vmem_shared>>)
          tpu.yield
        }) : () -> ()
        %add3A_121 = arith.constant 0 : i32
        %add3A_122 = arith.addi %mul3A_111, %add3A_121 : i32
        %add3A_123 = arith.constant 2 : i32
        %add3A_124 = arith.addi %add3A_122, %add3A_123 : i32
        %lt3A = arith.constant 56 : i32
        %lt3A_125 = arith.cmpi slt, %add3A_124, %lt3A : i32
        %convert_element_type3A_126 = arith.extui %lt3A_125 : i1 to i32
        %cond3A_127 = arith.constant 0 : i32
        %cond3A_128 = arith.cmpi ne, %convert_element_type3A_126, %cond3A_127 : i32
        scf.if %cond3A_128 {
          %add3A_148 = arith.constant 0 : i32
          %add3A_149 = arith.addi %mul3A_111, %add3A_148 : i32
          %add3A_150 = arith.constant 2 : i32
          %add3A_151 = arith.addi %add3A_149, %add3A_150 : i32
          %dma_start3A_152 = arith.constant 0 : i32
          %dma_start3A_153 = tpu.memref_slice %arg6[%add3A_151, %dma_start3A_152] : memref<56x128xi32, #tpu.memory_space<vmem>> -> memref<1x128xi32, #tpu.memory_space<vmem>>
          %dma_start3A_154 = tpu.memref_squeeze %dma_start3A_153 : memref<1x128xi32, #tpu.memory_space<vmem>> -> memref<128xi32, #tpu.memory_space<vmem>>
          %dma_start3A_155 = arith.constant 0 : i32
          %dma_start3A_156 = arith.constant 0 : i32
          %dma_start3A_157 = tpu.memref_slice %arg2[%dma_start3A_155, %dma_start3A_156] : memref<10240x128xf32, #tpu.memory_space<hbm>> -> memref<10240x128xf32, #tpu.memory_space<hbm>>
          tpu.enqueue_indirect_dma source(%dma_start3A_157 : memref<10240x128xf32, #tpu.memory_space<hbm>>) target(%arg8 : memref<128x128xf32, #tpu.memory_space<vmem>>) offsets(%dma_start3A_154 : memref<128xi32, #tpu.memory_space<vmem>>) semaphore(%arg11 : memref<!tpu.dma_semaphore, #tpu.memory_space<semaphore_mem>>)
        } else {
        }
        %add3A_129 = arith.constant 1 : i32
        %add3A_130 = arith.addi %mul3A_111, %add3A_129 : i32
        %dma_wait3A_131 = arith.constant 0 : i32
        %dma_wait3A_132 = tpu.memref_slice %arg6[%add3A_130, %dma_wait3A_131] : memref<56x128xi32, #tpu.memory_space<vmem>> -> memref<1x128xi32, #tpu.memory_space<vmem>>
        %dma_wait3A_133 = tpu.memref_squeeze %dma_wait3A_132 : memref<1x128xi32, #tpu.memory_space<vmem>> -> memref<128xi32, #tpu.memory_space<vmem>>
        %dma_wait3A_134 = arith.constant 0 : i32
        %dma_wait3A_135 = arith.constant 0 : i32
        %dma_wait3A_136 = tpu.memref_slice %arg2[%dma_wait3A_134, %dma_wait3A_135] : memref<10240x128xf32, #tpu.memory_space<hbm>> -> memref<10240x128xf32, #tpu.memory_space<hbm>>
        tpu.wait_indirect_dma semaphore(%arg12 : memref<!tpu.dma_semaphore, #tpu.memory_space<semaphore_mem>>) src(%dma_wait3A_136 : memref<10240x128xf32, #tpu.memory_space<hbm>>) dst(%arg9 : memref<128x128xf32, #tpu.memory_space<vmem>>)
        %add3A_137 = arith.constant 1 : i32
        %add3A_138 = arith.addi %mul3A_111, %add3A_137 : i32
        "tpu.region"() ({
          %run_scoped3A = tpu.sem_alloc : memref<!tpu.dma_semaphore, #tpu.memory_space<semaphore_mem>>
          %dma_start3A_148 = arith.constant 0 : i32
          %dma_start3A_149 = tpu.memref_slice %arg7[%add3A_138, %dma_start3A_148] : memref<56x128xi32, #tpu.memory_space<vmem>> -> memref<1x128xi32, #tpu.memory_space<vmem>>
          %dma_start3A_150 = tpu.memref_squeeze %dma_start3A_149 : memref<1x128xi32, #tpu.memory_space<vmem>> -> memref<128xi32, #tpu.memory_space<vmem>>
          %dma_start3A_151 = arith.constant 0 : i32
          %dma_start3A_152 = arith.constant 0 : i32
          %dma_start3A_153 = tpu.memref_slice %arg10[%dma_start3A_151, %dma_start3A_152] : memref<10240x128xf32, #tpu.memory_space<vmem_shared>> -> memref<10240x128xf32, #tpu.memory_space<vmem_shared>>
          tpu.enqueue_indirect_dma source(%arg9 : memref<128x128xf32, #tpu.memory_space<vmem>>) target(%dma_start3A_153 : memref<10240x128xf32, #tpu.memory_space<vmem_shared>>) offsets(%dma_start3A_150 : memref<128xi32, #tpu.memory_space<vmem>>) semaphore(%run_scoped3A : memref<!tpu.dma_semaphore, #tpu.memory_space<semaphore_mem>>) {add = true}
          %dma_wait3A_154 = arith.constant 0 : i32
          %dma_wait3A_155 = tpu.memref_slice %arg7[%add3A_138, %dma_wait3A_154] : memref<56x128xi32, #tpu.memory_space<vmem>> -> memref<1x128xi32, #tpu.memory_space<vmem>>
          %dma_wait3A_156 = tpu.memref_squeeze %dma_wait3A_155 : memref<1x128xi32, #tpu.memory_space<vmem>> -> memref<128xi32, #tpu.memory_space<vmem>>
          %dma_wait3A_157 = arith.constant 0 : i32
          %dma_wait3A_158 = arith.constant 0 : i32
          %dma_wait3A_159 = tpu.memref_slice %arg10[%dma_wait3A_157, %dma_wait3A_158] : memref<10240x128xf32, #tpu.memory_space<vmem_shared>> -> memref<10240x128xf32, #tpu.memory_space<vmem_shared>>
          tpu.wait_indirect_dma semaphore(%run_scoped3A : memref<!tpu.dma_semaphore, #tpu.memory_space<semaphore_mem>>) src(%arg9 : memref<128x128xf32, #tpu.memory_space<vmem>>) dst(%dma_wait3A_159 : memref<10240x128xf32, #tpu.memory_space<vmem_shared>>)
          tpu.yield
        }) : () -> ()
        %add3A_139 = arith.constant 1 : i32
        %add3A_140 = arith.addi %mul3A_111, %add3A_139 : i32
        %add3A_141 = arith.constant 2 : i32
        %add3A_142 = arith.addi %add3A_140, %add3A_141 : i32
        %lt3A_143 = arith.constant 56 : i32
        %lt3A_144 = arith.cmpi slt, %add3A_142, %lt3A_143 : i32
        %convert_element_type3A_145 = arith.extui %lt3A_144 : i1 to i32
        %cond3A_146 = arith.constant 0 : i32
        %cond3A_147 = arith.cmpi ne, %convert_element_type3A_145, %cond3A_146 : i32
        scf.if %cond3A_147 {
          %add3A_148 = arith.constant 1 : i32
          %add3A_149 = arith.addi %mul3A_111, %add3A_148 : i32
          %add3A_150 = arith.constant 2 : i32
          %add3A_151 = arith.addi %add3A_149, %add3A_150 : i32
          %dma_start3A_152 = arith.constant 0 : i32
          %dma_start3A_153 = tpu.memref_slice %arg6[%add3A_151, %dma_start3A_152] : memref<56x128xi32, #tpu.memory_space<vmem>> -> memref<1x128xi32, #tpu.memory_space<vmem>>
          %dma_start3A_154 = tpu.memref_squeeze %dma_start3A_153 : memref<1x128xi32, #tpu.memory_space<vmem>> -> memref<128xi32, #tpu.memory_space<vmem>>
          %dma_start3A_155 = arith.constant 0 : i32
          %dma_start3A_156 = arith.constant 0 : i32
          %dma_start3A_157 = tpu.memref_slice %arg2[%dma_start3A_155, %dma_start3A_156] : memref<10240x128xf32, #tpu.memory_space<hbm>> -> memref<10240x128xf32, #tpu.memory_space<hbm>>
          tpu.enqueue_indirect_dma source(%dma_start3A_157 : memref<10240x128xf32, #tpu.memory_space<hbm>>) target(%arg9 : memref<128x128xf32, #tpu.memory_space<vmem>>) offsets(%dma_start3A_154 : memref<128xi32, #tpu.memory_space<vmem>>) semaphore(%arg12 : memref<!tpu.dma_semaphore, #tpu.memory_space<semaphore_mem>>)
        } else {
        }
      }
      %scan3A_84 = arith.constant 28 : i32
      %add3A_85 = arith.constant 112 : i32
      %add3A_86 = arith.addi %mul3A_37, %add3A_85 : i32
      "tpu.region"() ({
        %run_scoped3A = tpu.sem_alloc : memref<!tpu.dma_semaphore, #tpu.memory_space<semaphore_mem>>
        %dma_start3A_109 = arith.constant 0 : i32
        %dma_start3A_110 = arith.constant 0 : i32
        %dma_start3A_111 = tpu.memref_slice %arg6[%dma_start3A_109, %dma_start3A_110] : memref<56x128xi32, #tpu.memory_space<vmem>> -> memref<40x128xi32, #tpu.memory_space<vmem>>
        %dma_start3A_112 = arith.constant 0 : i32
        %dma_start3A_113 = tpu.memref_slice %arg3[%add3A_86, %dma_start3A_112] : memref<2560x128xi32, #tpu.memory_space<hbm>> -> memref<40x128xi32, #tpu.memory_space<hbm>>
        %dma_start3A_114 = arith.constant 0 : i32
        %dma_start3A_115 = arith.constant 0 : i32
        %dma_start3A_116 = tpu.memref_slice %arg6[%dma_start3A_114, %dma_start3A_115] : memref<56x128xi32, #tpu.memory_space<vmem>> -> memref<40x128xi32, #tpu.memory_space<vmem>>
        %dma_start3A_117 = arith.constant 0 : i32
        %dma_start3A_118 = tpu.memref_slice %arg3[%add3A_86, %dma_start3A_117] : memref<2560x128xi32, #tpu.memory_space<hbm>> -> memref<40x128xi32, #tpu.memory_space<hbm>>
        tpu.enqueue_dma source(%dma_start3A_118 : memref<40x128xi32, #tpu.memory_space<hbm>>) target(%dma_start3A_116 : memref<40x128xi32, #tpu.memory_space<vmem>>) target_semaphore(%run_scoped3A : memref<!tpu.dma_semaphore, #tpu.memory_space<semaphore_mem>>)
        %dma_wait3A = arith.constant 0 : i32
        %dma_wait3A_119 = arith.constant 0 : i32
        %dma_wait3A_120 = tpu.memref_slice %arg6[%dma_wait3A, %dma_wait3A_119] : memref<56x128xi32, #tpu.memory_space<vmem>> -> memref<40x128xi32, #tpu.memory_space<vmem>>
        %dma_wait3A_121 = arith.constant 0 : i32
        %dma_wait3A_122 = tpu.memref_slice %arg3[%add3A_86, %dma_wait3A_121] : memref<2560x128xi32, #tpu.memory_space<hbm>> -> memref<40x128xi32, #tpu.memory_space<hbm>>
        %dma_wait3A_123 = arith.constant 0 : i32
        %dma_wait3A_124 = arith.constant 0 : i32
        %dma_wait3A_125 = tpu.memref_slice %arg6[%dma_wait3A_123, %dma_wait3A_124] : memref<56x128xi32, #tpu.memory_space<vmem>> -> memref<40x128xi32, #tpu.memory_space<vmem>>
        %dma_wait3A_126 = arith.constant 0 : i32
        %dma_wait3A_127 = tpu.memref_slice %arg3[%add3A_86, %dma_wait3A_126] : memref<2560x128xi32, #tpu.memory_space<hbm>> -> memref<40x128xi32, #tpu.memory_space<hbm>>
        tpu.wait_dma2 semaphore(%run_scoped3A : memref<!tpu.dma_semaphore, #tpu.memory_space<semaphore_mem>>) src(%dma_wait3A_127 : memref<40x128xi32, #tpu.memory_space<hbm>>) dst(%dma_wait3A_125 : memref<40x128xi32, #tpu.memory_space<vmem>>)
        tpu.yield
      }) : () -> ()
      %add3A_87 = arith.constant 112 : i32
      %add3A_88 = arith.addi %mul3A_37, %add3A_87 : i32
      "tpu.region"() ({
        %run_scoped3A = tpu.sem_alloc : memref<!tpu.dma_semaphore, #tpu.memory_space<semaphore_mem>>
        %dma_start3A_109 = arith.constant 0 : i32
        %dma_start3A_110 = arith.constant 0 : i32
        %dma_start3A_111 = tpu.memref_slice %arg7[%dma_start3A_109, %dma_start3A_110] : memref<56x128xi32, #tpu.memory_space<vmem>> -> memref<40x128xi32, #tpu.memory_space<vmem>>
        %dma_start3A_112 = arith.constant 0 : i32
        %dma_start3A_113 = tpu.memref_slice %arg4[%add3A_88, %dma_start3A_112] : memref<2560x128xi32, #tpu.memory_space<hbm>> -> memref<40x128xi32, #tpu.memory_space<hbm>>
        %dma_start3A_114 = arith.constant 0 : i32
        %dma_start3A_115 = arith.constant 0 : i32
        %dma_start3A_116 = tpu.memref_slice %arg7[%dma_start3A_114, %dma_start3A_115] : memref<56x128xi32, #tpu.memory_space<vmem>> -> memref<40x128xi32, #tpu.memory_space<vmem>>
        %dma_start3A_117 = arith.constant 0 : i32
        %dma_start3A_118 = tpu.memref_slice %arg4[%add3A_88, %dma_start3A_117] : memref<2560x128xi32, #tpu.memory_space<hbm>> -> memref<40x128xi32, #tpu.memory_space<hbm>>
        tpu.enqueue_dma source(%dma_start3A_118 : memref<40x128xi32, #tpu.memory_space<hbm>>) target(%dma_start3A_116 : memref<40x128xi32, #tpu.memory_space<vmem>>) target_semaphore(%run_scoped3A : memref<!tpu.dma_semaphore, #tpu.memory_space<semaphore_mem>>)
        %dma_wait3A = arith.constant 0 : i32
        %dma_wait3A_119 = arith.constant 0 : i32
        %dma_wait3A_120 = tpu.memref_slice %arg7[%dma_wait3A, %dma_wait3A_119] : memref<56x128xi32, #tpu.memory_space<vmem>> -> memref<40x128xi32, #tpu.memory_space<vmem>>
        %dma_wait3A_121 = arith.constant 0 : i32
        %dma_wait3A_122 = tpu.memref_slice %arg4[%add3A_88, %dma_wait3A_121] : memref<2560x128xi32, #tpu.memory_space<hbm>> -> memref<40x128xi32, #tpu.memory_space<hbm>>
        %dma_wait3A_123 = arith.constant 0 : i32
        %dma_wait3A_124 = arith.constant 0 : i32
        %dma_wait3A_125 = tpu.memref_slice %arg7[%dma_wait3A_123, %dma_wait3A_124] : memref<56x128xi32, #tpu.memory_space<vmem>> -> memref<40x128xi32, #tpu.memory_space<vmem>>
        %dma_wait3A_126 = arith.constant 0 : i32
        %dma_wait3A_127 = tpu.memref_slice %arg4[%add3A_88, %dma_wait3A_126] : memref<2560x128xi32, #tpu.memory_space<hbm>> -> memref<40x128xi32, #tpu.memory_space<hbm>>
        tpu.wait_dma2 semaphore(%run_scoped3A : memref<!tpu.dma_semaphore, #tpu.memory_space<semaphore_mem>>) src(%dma_wait3A_127 : memref<40x128xi32, #tpu.memory_space<hbm>>) dst(%dma_wait3A_125 : memref<40x128xi32, #tpu.memory_space<vmem>>)
        tpu.yield
      }) : () -> ()
      %dma_start3A_89 = arith.constant 0 : i32
      %dma_start3A_90 = arith.constant 0 : i32
      %dma_start3A_91 = tpu.memref_slice %arg6[%dma_start3A_89, %dma_start3A_90] : memref<56x128xi32, #tpu.memory_space<vmem>> -> memref<1x128xi32, #tpu.memory_space<vmem>>
      %dma_start3A_92 = tpu.memref_squeeze %dma_start3A_91 : memref<1x128xi32, #tpu.memory_space<vmem>> -> memref<128xi32, #tpu.memory_space<vmem>>
      %dma_start3A_93 = arith.constant 0 : i32
      %dma_start3A_94 = arith.constant 0 : i32
      %dma_start3A_95 = tpu.memref_slice %arg2[%dma_start3A_93, %dma_start3A_94] : memref<10240x128xf32, #tpu.memory_space<hbm>> -> memref<10240x128xf32, #tpu.memory_space<hbm>>
      tpu.enqueue_indirect_dma source(%dma_start3A_95 : memref<10240x128xf32, #tpu.memory_space<hbm>>) target(%arg8 : memref<128x128xf32, #tpu.memory_space<vmem>>) offsets(%dma_start3A_92 : memref<128xi32, #tpu.memory_space<vmem>>) semaphore(%arg11 : memref<!tpu.dma_semaphore, #tpu.memory_space<semaphore_mem>>)
      %dma_start3A_96 = arith.constant 1 : i32
      %dma_start3A_97 = arith.constant 0 : i32
      %dma_start3A_98 = tpu.memref_slice %arg6[%dma_start3A_96, %dma_start3A_97] : memref<56x128xi32, #tpu.memory_space<vmem>> -> memref<1x128xi32, #tpu.memory_space<vmem>>
      %dma_start3A_99 = tpu.memref_squeeze %dma_start3A_98 : memref<1x128xi32, #tpu.memory_space<vmem>> -> memref<128xi32, #tpu.memory_space<vmem>>
      %dma_start3A_100 = arith.constant 0 : i32
      %dma_start3A_101 = arith.constant 0 : i32
      %dma_start3A_102 = tpu.memref_slice %arg2[%dma_start3A_100, %dma_start3A_101] : memref<10240x128xf32, #tpu.memory_space<hbm>> -> memref<10240x128xf32, #tpu.memory_space<hbm>>
      tpu.enqueue_indirect_dma source(%dma_start3A_102 : memref<10240x128xf32, #tpu.memory_space<hbm>>) target(%arg9 : memref<128x128xf32, #tpu.memory_space<vmem>>) offsets(%dma_start3A_99 : memref<128xi32, #tpu.memory_space<vmem>>) semaphore(%arg12 : memref<!tpu.dma_semaphore, #tpu.memory_space<semaphore_mem>>)
      %scan3A_103 = arith.constant 0 : i32
      %scan3A_104 = arith.constant 0 : i32
      %scan3A_105 = arith.constant 20 : i32
      %scan3A_106 = arith.addi %scan3A_104, %scan3A_105 : i32
      %scan3A_107 = arith.constant 1 : i32
      scf.for %scan3A_109 = %scan3A_104 to %scan3A_106 step %scan3A_107  : i32 {
        %mul3A_110 = arith.constant 2 : i32
        %mul3A_111 = arith.muli %scan3A_109, %mul3A_110 : i32
        %add3A_112 = arith.constant 0 : i32
        %add3A_113 = arith.addi %mul3A_111, %add3A_112 : i32
        %dma_wait3A = arith.constant 0 : i32
        %dma_wait3A_114 = tpu.memref_slice %arg6[%add3A_113, %dma_wait3A] : memref<56x128xi32, #tpu.memory_space<vmem>> -> memref<1x128xi32, #tpu.memory_space<vmem>>
        %dma_wait3A_115 = tpu.memref_squeeze %dma_wait3A_114 : memref<1x128xi32, #tpu.memory_space<vmem>> -> memref<128xi32, #tpu.memory_space<vmem>>
        %dma_wait3A_116 = arith.constant 0 : i32
        %dma_wait3A_117 = arith.constant 0 : i32
        %dma_wait3A_118 = tpu.memref_slice %arg2[%dma_wait3A_116, %dma_wait3A_117] : memref<10240x128xf32, #tpu.memory_space<hbm>> -> memref<10240x128xf32, #tpu.memory_space<hbm>>
        tpu.wait_indirect_dma semaphore(%arg11 : memref<!tpu.dma_semaphore, #tpu.memory_space<semaphore_mem>>) src(%dma_wait3A_118 : memref<10240x128xf32, #tpu.memory_space<hbm>>) dst(%arg8 : memref<128x128xf32, #tpu.memory_space<vmem>>)
        %add3A_119 = arith.constant 0 : i32
        %add3A_120 = arith.addi %mul3A_111, %add3A_119 : i32
        "tpu.region"() ({
          %run_scoped3A = tpu.sem_alloc : memref<!tpu.dma_semaphore, #tpu.memory_space<semaphore_mem>>
          %dma_start3A_148 = arith.constant 0 : i32
          %dma_start3A_149 = tpu.memref_slice %arg7[%add3A_120, %dma_start3A_148] : memref<56x128xi32, #tpu.memory_space<vmem>> -> memref<1x128xi32, #tpu.memory_space<vmem>>
          %dma_start3A_150 = tpu.memref_squeeze %dma_start3A_149 : memref<1x128xi32, #tpu.memory_space<vmem>> -> memref<128xi32, #tpu.memory_space<vmem>>
          %dma_start3A_151 = arith.constant 0 : i32
          %dma_start3A_152 = arith.constant 0 : i32
          %dma_start3A_153 = tpu.memref_slice %arg10[%dma_start3A_151, %dma_start3A_152] : memref<10240x128xf32, #tpu.memory_space<vmem_shared>> -> memref<10240x128xf32, #tpu.memory_space<vmem_shared>>
          tpu.enqueue_indirect_dma source(%arg8 : memref<128x128xf32, #tpu.memory_space<vmem>>) target(%dma_start3A_153 : memref<10240x128xf32, #tpu.memory_space<vmem_shared>>) offsets(%dma_start3A_150 : memref<128xi32, #tpu.memory_space<vmem>>) semaphore(%run_scoped3A : memref<!tpu.dma_semaphore, #tpu.memory_space<semaphore_mem>>) {add = true}
          %dma_wait3A_154 = arith.constant 0 : i32
          %dma_wait3A_155 = tpu.memref_slice %arg7[%add3A_120, %dma_wait3A_154] : memref<56x128xi32, #tpu.memory_space<vmem>> -> memref<1x128xi32, #tpu.memory_space<vmem>>
          %dma_wait3A_156 = tpu.memref_squeeze %dma_wait3A_155 : memref<1x128xi32, #tpu.memory_space<vmem>> -> memref<128xi32, #tpu.memory_space<vmem>>
          %dma_wait3A_157 = arith.constant 0 : i32
          %dma_wait3A_158 = arith.constant 0 : i32
          %dma_wait3A_159 = tpu.memref_slice %arg10[%dma_wait3A_157, %dma_wait3A_158] : memref<10240x128xf32, #tpu.memory_space<vmem_shared>> -> memref<10240x128xf32, #tpu.memory_space<vmem_shared>>
          tpu.wait_indirect_dma semaphore(%run_scoped3A : memref<!tpu.dma_semaphore, #tpu.memory_space<semaphore_mem>>) src(%arg8 : memref<128x128xf32, #tpu.memory_space<vmem>>) dst(%dma_wait3A_159 : memref<10240x128xf32, #tpu.memory_space<vmem_shared>>)
          tpu.yield
        }) : () -> ()
        %add3A_121 = arith.constant 0 : i32
        %add3A_122 = arith.addi %mul3A_111, %add3A_121 : i32
        %add3A_123 = arith.constant 2 : i32
        %add3A_124 = arith.addi %add3A_122, %add3A_123 : i32
        %lt3A = arith.constant 40 : i32
        %lt3A_125 = arith.cmpi slt, %add3A_124, %lt3A : i32
        %convert_element_type3A_126 = arith.extui %lt3A_125 : i1 to i32
        %cond3A_127 = arith.constant 0 : i32
        %cond3A_128 = arith.cmpi ne, %convert_element_type3A_126, %cond3A_127 : i32
        scf.if %cond3A_128 {
          %add3A_148 = arith.constant 0 : i32
          %add3A_149 = arith.addi %mul3A_111, %add3A_148 : i32
          %add3A_150 = arith.constant 2 : i32
          %add3A_151 = arith.addi %add3A_149, %add3A_150 : i32
          %dma_start3A_152 = arith.constant 0 : i32
          %dma_start3A_153 = tpu.memref_slice %arg6[%add3A_151, %dma_start3A_152] : memref<56x128xi32, #tpu.memory_space<vmem>> -> memref<1x128xi32, #tpu.memory_space<vmem>>
          %dma_start3A_154 = tpu.memref_squeeze %dma_start3A_153 : memref<1x128xi32, #tpu.memory_space<vmem>> -> memref<128xi32, #tpu.memory_space<vmem>>
          %dma_start3A_155 = arith.constant 0 : i32
          %dma_start3A_156 = arith.constant 0 : i32
          %dma_start3A_157 = tpu.memref_slice %arg2[%dma_start3A_155, %dma_start3A_156] : memref<10240x128xf32, #tpu.memory_space<hbm>> -> memref<10240x128xf32, #tpu.memory_space<hbm>>
          tpu.enqueue_indirect_dma source(%dma_start3A_157 : memref<10240x128xf32, #tpu.memory_space<hbm>>) target(%arg8 : memref<128x128xf32, #tpu.memory_space<vmem>>) offsets(%dma_start3A_154 : memref<128xi32, #tpu.memory_space<vmem>>) semaphore(%arg11 : memref<!tpu.dma_semaphore, #tpu.memory_space<semaphore_mem>>)
        } else {
        }
        %add3A_129 = arith.constant 1 : i32
        %add3A_130 = arith.addi %mul3A_111, %add3A_129 : i32
        %dma_wait3A_131 = arith.constant 0 : i32
        %dma_wait3A_132 = tpu.memref_slice %arg6[%add3A_130, %dma_wait3A_131] : memref<56x128xi32, #tpu.memory_space<vmem>> -> memref<1x128xi32, #tpu.memory_space<vmem>>
        %dma_wait3A_133 = tpu.memref_squeeze %dma_wait3A_132 : memref<1x128xi32, #tpu.memory_space<vmem>> -> memref<128xi32, #tpu.memory_space<vmem>>
        %dma_wait3A_134 = arith.constant 0 : i32
        %dma_wait3A_135 = arith.constant 0 : i32
        %dma_wait3A_136 = tpu.memref_slice %arg2[%dma_wait3A_134, %dma_wait3A_135] : memref<10240x128xf32, #tpu.memory_space<hbm>> -> memref<10240x128xf32, #tpu.memory_space<hbm>>
        tpu.wait_indirect_dma semaphore(%arg12 : memref<!tpu.dma_semaphore, #tpu.memory_space<semaphore_mem>>) src(%dma_wait3A_136 : memref<10240x128xf32, #tpu.memory_space<hbm>>) dst(%arg9 : memref<128x128xf32, #tpu.memory_space<vmem>>)
        %add3A_137 = arith.constant 1 : i32
        %add3A_138 = arith.addi %mul3A_111, %add3A_137 : i32
        "tpu.region"() ({
          %run_scoped3A = tpu.sem_alloc : memref<!tpu.dma_semaphore, #tpu.memory_space<semaphore_mem>>
          %dma_start3A_148 = arith.constant 0 : i32
          %dma_start3A_149 = tpu.memref_slice %arg7[%add3A_138, %dma_start3A_148] : memref<56x128xi32, #tpu.memory_space<vmem>> -> memref<1x128xi32, #tpu.memory_space<vmem>>
          %dma_start3A_150 = tpu.memref_squeeze %dma_start3A_149 : memref<1x128xi32, #tpu.memory_space<vmem>> -> memref<128xi32, #tpu.memory_space<vmem>>
          %dma_start3A_151 = arith.constant 0 : i32
          %dma_start3A_152 = arith.constant 0 : i32
          %dma_start3A_153 = tpu.memref_slice %arg10[%dma_start3A_151, %dma_start3A_152] : memref<10240x128xf32, #tpu.memory_space<vmem_shared>> -> memref<10240x128xf32, #tpu.memory_space<vmem_shared>>
          tpu.enqueue_indirect_dma source(%arg9 : memref<128x128xf32, #tpu.memory_space<vmem>>) target(%dma_start3A_153 : memref<10240x128xf32, #tpu.memory_space<vmem_shared>>) offsets(%dma_start3A_150 : memref<128xi32, #tpu.memory_space<vmem>>) semaphore(%run_scoped3A : memref<!tpu.dma_semaphore, #tpu.memory_space<semaphore_mem>>) {add = true}
          %dma_wait3A_154 = arith.constant 0 : i32
          %dma_wait3A_155 = tpu.memref_slice %arg7[%add3A_138, %dma_wait3A_154] : memref<56x128xi32, #tpu.memory_space<vmem>> -> memref<1x128xi32, #tpu.memory_space<vmem>>
          %dma_wait3A_156 = tpu.memref_squeeze %dma_wait3A_155 : memref<1x128xi32, #tpu.memory_space<vmem>> -> memref<128xi32, #tpu.memory_space<vmem>>
          %dma_wait3A_157 = arith.constant 0 : i32
          %dma_wait3A_158 = arith.constant 0 : i32
          %dma_wait3A_159 = tpu.memref_slice %arg10[%dma_wait3A_157, %dma_wait3A_158] : memref<10240x128xf32, #tpu.memory_space<vmem_shared>> -> memref<10240x128xf32, #tpu.memory_space<vmem_shared>>
          tpu.wait_indirect_dma semaphore(%run_scoped3A : memref<!tpu.dma_semaphore, #tpu.memory_space<semaphore_mem>>) src(%arg9 : memref<128x128xf32, #tpu.memory_space<vmem>>) dst(%dma_wait3A_159 : memref<10240x128xf32, #tpu.memory_space<vmem_shared>>)
          tpu.yield
        }) : () -> ()
        %add3A_139 = arith.constant 1 : i32
        %add3A_140 = arith.addi %mul3A_111, %add3A_139 : i32
        %add3A_141 = arith.constant 2 : i32
        %add3A_142 = arith.addi %add3A_140, %add3A_141 : i32
        %lt3A_143 = arith.constant 40 : i32
        %lt3A_144 = arith.cmpi slt, %add3A_142, %lt3A_143 : i32
        %convert_element_type3A_145 = arith.extui %lt3A_144 : i1 to i32
        %cond3A_146 = arith.constant 0 : i32
        %cond3A_147 = arith.cmpi ne, %convert_element_type3A_145, %cond3A_146 : i32
        scf.if %cond3A_147 {
          %add3A_148 = arith.constant 1 : i32
          %add3A_149 = arith.addi %mul3A_111, %add3A_148 : i32
          %add3A_150 = arith.constant 2 : i32
          %add3A_151 = arith.addi %add3A_149, %add3A_150 : i32
          %dma_start3A_152 = arith.constant 0 : i32
          %dma_start3A_153 = tpu.memref_slice %arg6[%add3A_151, %dma_start3A_152] : memref<56x128xi32, #tpu.memory_space<vmem>> -> memref<1x128xi32, #tpu.memory_space<vmem>>
          %dma_start3A_154 = tpu.memref_squeeze %dma_start3A_153 : memref<1x128xi32, #tpu.memory_space<vmem>> -> memref<128xi32, #tpu.memory_space<vmem>>
          %dma_start3A_155 = arith.constant 0 : i32
          %dma_start3A_156 = arith.constant 0 : i32
          %dma_start3A_157 = tpu.memref_slice %arg2[%dma_start3A_155, %dma_start3A_156] : memref<10240x128xf32, #tpu.memory_space<hbm>> -> memref<10240x128xf32, #tpu.memory_space<hbm>>
          tpu.enqueue_indirect_dma source(%dma_start3A_157 : memref<10240x128xf32, #tpu.memory_space<hbm>>) target(%arg9 : memref<128x128xf32, #tpu.memory_space<vmem>>) offsets(%dma_start3A_154 : memref<128xi32, #tpu.memory_space<vmem>>) semaphore(%arg12 : memref<!tpu.dma_semaphore, #tpu.memory_space<semaphore_mem>>)
        } else {
        }
      }
      %scan3A_108 = arith.constant 20 : i32
    } else {
    }
    %eq3A_26 = arith.constant 1 : i32
    %eq3A_27 = arith.cmpi eq, %arg0, %eq3A_26 : i32
    %convert_element_type3A_28 = arith.extui %eq3A_27 : i1 to i32
    %cond3A_29 = arith.constant 0 : i32
    %cond3A_30 = arith.cmpi ne, %convert_element_type3A_28, %cond3A_29 : i32
    scf.if %cond3A_30 {
      %mul3A_36 = arith.constant 8 : i32
      %mul3A_37 = arith.muli %arg1, %mul3A_36 : i32
      %add3A_38 = arith.constant 2432 : i32
      %add3A_39 = arith.addi %add3A_38, %mul3A_37 : i32
      %add3A_40 = arith.constant 0 : i32
      %add3A_41 = arith.addi %add3A_39, %add3A_40 : i32
      "tpu.region"() ({
        %run_scoped3A = tpu.sem_alloc : memref<!tpu.dma_semaphore, #tpu.memory_space<semaphore_mem>>
        %dma_start3A_63 = arith.constant 0 : i32
        %dma_start3A_64 = arith.constant 0 : i32
        %dma_start3A_65 = tpu.memref_slice %arg6[%dma_start3A_63, %dma_start3A_64] : memref<56x128xi32, #tpu.memory_space<vmem>> -> memref<8x128xi32, #tpu.memory_space<vmem>>
        %dma_start3A_66 = arith.constant 0 : i32
        %dma_start3A_67 = tpu.memref_slice %arg3[%add3A_41, %dma_start3A_66] : memref<2560x128xi32, #tpu.memory_space<hbm>> -> memref<8x128xi32, #tpu.memory_space<hbm>>
        %dma_start3A_68 = arith.constant 0 : i32
        %dma_start3A_69 = arith.constant 0 : i32
        %dma_start3A_70 = tpu.memref_slice %arg6[%dma_start3A_68, %dma_start3A_69] : memref<56x128xi32, #tpu.memory_space<vmem>> -> memref<8x128xi32, #tpu.memory_space<vmem>>
        %dma_start3A_71 = arith.constant 0 : i32
        %dma_start3A_72 = tpu.memref_slice %arg3[%add3A_41, %dma_start3A_71] : memref<2560x128xi32, #tpu.memory_space<hbm>> -> memref<8x128xi32, #tpu.memory_space<hbm>>
        tpu.enqueue_dma source(%dma_start3A_72 : memref<8x128xi32, #tpu.memory_space<hbm>>) target(%dma_start3A_70 : memref<8x128xi32, #tpu.memory_space<vmem>>) target_semaphore(%run_scoped3A : memref<!tpu.dma_semaphore, #tpu.memory_space<semaphore_mem>>)
        %dma_wait3A = arith.constant 0 : i32
        %dma_wait3A_73 = arith.constant 0 : i32
        %dma_wait3A_74 = tpu.memref_slice %arg6[%dma_wait3A, %dma_wait3A_73] : memref<56x128xi32, #tpu.memory_space<vmem>> -> memref<8x128xi32, #tpu.memory_space<vmem>>
        %dma_wait3A_75 = arith.constant 0 : i32
        %dma_wait3A_76 = tpu.memref_slice %arg3[%add3A_41, %dma_wait3A_75] : memref<2560x128xi32, #tpu.memory_space<hbm>> -> memref<8x128xi32, #tpu.memory_space<hbm>>
        %dma_wait3A_77 = arith.constant 0 : i32
        %dma_wait3A_78 = arith.constant 0 : i32
        %dma_wait3A_79 = tpu.memref_slice %arg6[%dma_wait3A_77, %dma_wait3A_78] : memref<56x128xi32, #tpu.memory_space<vmem>> -> memref<8x128xi32, #tpu.memory_space<vmem>>
        %dma_wait3A_80 = arith.constant 0 : i32
        %dma_wait3A_81 = tpu.memref_slice %arg3[%add3A_41, %dma_wait3A_80] : memref<2560x128xi32, #tpu.memory_space<hbm>> -> memref<8x128xi32, #tpu.memory_space<hbm>>
        tpu.wait_dma2 semaphore(%run_scoped3A : memref<!tpu.dma_semaphore, #tpu.memory_space<semaphore_mem>>) src(%dma_wait3A_81 : memref<8x128xi32, #tpu.memory_space<hbm>>) dst(%dma_wait3A_79 : memref<8x128xi32, #tpu.memory_space<vmem>>)
        tpu.yield
      }) : () -> ()
      %add3A_42 = arith.constant 0 : i32
      %add3A_43 = arith.addi %add3A_39, %add3A_42 : i32
      "tpu.region"() ({
        %run_scoped3A = tpu.sem_alloc : memref<!tpu.dma_semaphore, #tpu.memory_space<semaphore_mem>>
        %dma_start3A_63 = arith.constant 0 : i32
        %dma_start3A_64 = arith.constant 0 : i32
        %dma_start3A_65 = tpu.memref_slice %arg7[%dma_start3A_63, %dma_start3A_64] : memref<56x128xi32, #tpu.memory_space<vmem>> -> memref<8x128xi32, #tpu.memory_space<vmem>>
        %dma_start3A_66 = arith.constant 0 : i32
        %dma_start3A_67 = tpu.memref_slice %arg4[%add3A_43, %dma_start3A_66] : memref<2560x128xi32, #tpu.memory_space<hbm>> -> memref<8x128xi32, #tpu.memory_space<hbm>>
        %dma_start3A_68 = arith.constant 0 : i32
        %dma_start3A_69 = arith.constant 0 : i32
        %dma_start3A_70 = tpu.memref_slice %arg7[%dma_start3A_68, %dma_start3A_69] : memref<56x128xi32, #tpu.memory_space<vmem>> -> memref<8x128xi32, #tpu.memory_space<vmem>>
        %dma_start3A_71 = arith.constant 0 : i32
        %dma_start3A_72 = tpu.memref_slice %arg4[%add3A_43, %dma_start3A_71] : memref<2560x128xi32, #tpu.memory_space<hbm>> -> memref<8x128xi32, #tpu.memory_space<hbm>>
        tpu.enqueue_dma source(%dma_start3A_72 : memref<8x128xi32, #tpu.memory_space<hbm>>) target(%dma_start3A_70 : memref<8x128xi32, #tpu.memory_space<vmem>>) target_semaphore(%run_scoped3A : memref<!tpu.dma_semaphore, #tpu.memory_space<semaphore_mem>>)
        %dma_wait3A = arith.constant 0 : i32
        %dma_wait3A_73 = arith.constant 0 : i32
        %dma_wait3A_74 = tpu.memref_slice %arg7[%dma_wait3A, %dma_wait3A_73] : memref<56x128xi32, #tpu.memory_space<vmem>> -> memref<8x128xi32, #tpu.memory_space<vmem>>
        %dma_wait3A_75 = arith.constant 0 : i32
        %dma_wait3A_76 = tpu.memref_slice %arg4[%add3A_43, %dma_wait3A_75] : memref<2560x128xi32, #tpu.memory_space<hbm>> -> memref<8x128xi32, #tpu.memory_space<hbm>>
        %dma_wait3A_77 = arith.constant 0 : i32
        %dma_wait3A_78 = arith.constant 0 : i32
        %dma_wait3A_79 = tpu.memref_slice %arg7[%dma_wait3A_77, %dma_wait3A_78] : memref<56x128xi32, #tpu.memory_space<vmem>> -> memref<8x128xi32, #tpu.memory_space<vmem>>
        %dma_wait3A_80 = arith.constant 0 : i32
        %dma_wait3A_81 = tpu.memref_slice %arg4[%add3A_43, %dma_wait3A_80] : memref<2560x128xi32, #tpu.memory_space<hbm>> -> memref<8x128xi32, #tpu.memory_space<hbm>>
        tpu.wait_dma2 semaphore(%run_scoped3A : memref<!tpu.dma_semaphore, #tpu.memory_space<semaphore_mem>>) src(%dma_wait3A_81 : memref<8x128xi32, #tpu.memory_space<hbm>>) dst(%dma_wait3A_79 : memref<8x128xi32, #tpu.memory_space<vmem>>)
        tpu.yield
      }) : () -> ()
      %dma_start3A = arith.constant 0 : i32
      %dma_start3A_44 = arith.constant 0 : i32
      %dma_start3A_45 = tpu.memref_slice %arg6[%dma_start3A, %dma_start3A_44] : memref<56x128xi32, #tpu.memory_space<vmem>> -> memref<1x128xi32, #tpu.memory_space<vmem>>
      %dma_start3A_46 = tpu.memref_squeeze %dma_start3A_45 : memref<1x128xi32, #tpu.memory_space<vmem>> -> memref<128xi32, #tpu.memory_space<vmem>>
      %dma_start3A_47 = arith.constant 0 : i32
      %dma_start3A_48 = arith.constant 0 : i32
      %dma_start3A_49 = tpu.memref_slice %arg2[%dma_start3A_47, %dma_start3A_48] : memref<10240x128xf32, #tpu.memory_space<hbm>> -> memref<10240x128xf32, #tpu.memory_space<hbm>>
      tpu.enqueue_indirect_dma source(%dma_start3A_49 : memref<10240x128xf32, #tpu.memory_space<hbm>>) target(%arg8 : memref<128x128xf32, #tpu.memory_space<vmem>>) offsets(%dma_start3A_46 : memref<128xi32, #tpu.memory_space<vmem>>) semaphore(%arg11 : memref<!tpu.dma_semaphore, #tpu.memory_space<semaphore_mem>>)
      %dma_start3A_50 = arith.constant 1 : i32
      %dma_start3A_51 = arith.constant 0 : i32
      %dma_start3A_52 = tpu.memref_slice %arg6[%dma_start3A_50, %dma_start3A_51] : memref<56x128xi32, #tpu.memory_space<vmem>> -> memref<1x128xi32, #tpu.memory_space<vmem>>
      %dma_start3A_53 = tpu.memref_squeeze %dma_start3A_52 : memref<1x128xi32, #tpu.memory_space<vmem>> -> memref<128xi32, #tpu.memory_space<vmem>>
      %dma_start3A_54 = arith.constant 0 : i32
      %dma_start3A_55 = arith.constant 0 : i32
      %dma_start3A_56 = tpu.memref_slice %arg2[%dma_start3A_54, %dma_start3A_55] : memref<10240x128xf32, #tpu.memory_space<hbm>> -> memref<10240x128xf32, #tpu.memory_space<hbm>>
      tpu.enqueue_indirect_dma source(%dma_start3A_56 : memref<10240x128xf32, #tpu.memory_space<hbm>>) target(%arg9 : memref<128x128xf32, #tpu.memory_space<vmem>>) offsets(%dma_start3A_53 : memref<128xi32, #tpu.memory_space<vmem>>) semaphore(%arg12 : memref<!tpu.dma_semaphore, #tpu.memory_space<semaphore_mem>>)
      %scan3A_57 = arith.constant 0 : i32
      %scan3A_58 = arith.constant 0 : i32
      %scan3A_59 = arith.constant 4 : i32
      %scan3A_60 = arith.addi %scan3A_58, %scan3A_59 : i32
      %scan3A_61 = arith.constant 1 : i32
      scf.for %scan3A_63 = %scan3A_58 to %scan3A_60 step %scan3A_61  : i32 {
        %mul3A_64 = arith.constant 2 : i32
        %mul3A_65 = arith.muli %scan3A_63, %mul3A_64 : i32
        %add3A_66 = arith.constant 0 : i32
        %add3A_67 = arith.addi %mul3A_65, %add3A_66 : i32
        %dma_wait3A = arith.constant 0 : i32
        %dma_wait3A_68 = tpu.memref_slice %arg6[%add3A_67, %dma_wait3A] : memref<56x128xi32, #tpu.memory_space<vmem>> -> memref<1x128xi32, #tpu.memory_space<vmem>>
        %dma_wait3A_69 = tpu.memref_squeeze %dma_wait3A_68 : memref<1x128xi32, #tpu.memory_space<vmem>> -> memref<128xi32, #tpu.memory_space<vmem>>
        %dma_wait3A_70 = arith.constant 0 : i32
        %dma_wait3A_71 = arith.constant 0 : i32
        %dma_wait3A_72 = tpu.memref_slice %arg2[%dma_wait3A_70, %dma_wait3A_71] : memref<10240x128xf32, #tpu.memory_space<hbm>> -> memref<10240x128xf32, #tpu.memory_space<hbm>>
        tpu.wait_indirect_dma semaphore(%arg11 : memref<!tpu.dma_semaphore, #tpu.memory_space<semaphore_mem>>) src(%dma_wait3A_72 : memref<10240x128xf32, #tpu.memory_space<hbm>>) dst(%arg8 : memref<128x128xf32, #tpu.memory_space<vmem>>)
        %add3A_73 = arith.constant 0 : i32
        %add3A_74 = arith.addi %mul3A_65, %add3A_73 : i32
        "tpu.region"() ({
          %run_scoped3A = tpu.sem_alloc : memref<!tpu.dma_semaphore, #tpu.memory_space<semaphore_mem>>
          %dma_start3A_102 = arith.constant 0 : i32
          %dma_start3A_103 = tpu.memref_slice %arg7[%add3A_74, %dma_start3A_102] : memref<56x128xi32, #tpu.memory_space<vmem>> -> memref<1x128xi32, #tpu.memory_space<vmem>>
          %dma_start3A_104 = tpu.memref_squeeze %dma_start3A_103 : memref<1x128xi32, #tpu.memory_space<vmem>> -> memref<128xi32, #tpu.memory_space<vmem>>
          %dma_start3A_105 = arith.constant 0 : i32
          %dma_start3A_106 = arith.constant 0 : i32
          %dma_start3A_107 = tpu.memref_slice %arg10[%dma_start3A_105, %dma_start3A_106] : memref<10240x128xf32, #tpu.memory_space<vmem_shared>> -> memref<10240x128xf32, #tpu.memory_space<vmem_shared>>
          tpu.enqueue_indirect_dma source(%arg8 : memref<128x128xf32, #tpu.memory_space<vmem>>) target(%dma_start3A_107 : memref<10240x128xf32, #tpu.memory_space<vmem_shared>>) offsets(%dma_start3A_104 : memref<128xi32, #tpu.memory_space<vmem>>) semaphore(%run_scoped3A : memref<!tpu.dma_semaphore, #tpu.memory_space<semaphore_mem>>) {add = true}
          %dma_wait3A_108 = arith.constant 0 : i32
          %dma_wait3A_109 = tpu.memref_slice %arg7[%add3A_74, %dma_wait3A_108] : memref<56x128xi32, #tpu.memory_space<vmem>> -> memref<1x128xi32, #tpu.memory_space<vmem>>
          %dma_wait3A_110 = tpu.memref_squeeze %dma_wait3A_109 : memref<1x128xi32, #tpu.memory_space<vmem>> -> memref<128xi32, #tpu.memory_space<vmem>>
          %dma_wait3A_111 = arith.constant 0 : i32
          %dma_wait3A_112 = arith.constant 0 : i32
          %dma_wait3A_113 = tpu.memref_slice %arg10[%dma_wait3A_111, %dma_wait3A_112] : memref<10240x128xf32, #tpu.memory_space<vmem_shared>> -> memref<10240x128xf32, #tpu.memory_space<vmem_shared>>
          tpu.wait_indirect_dma semaphore(%run_scoped3A : memref<!tpu.dma_semaphore, #tpu.memory_space<semaphore_mem>>) src(%arg8 : memref<128x128xf32, #tpu.memory_space<vmem>>) dst(%dma_wait3A_113 : memref<10240x128xf32, #tpu.memory_space<vmem_shared>>)
          tpu.yield
        }) : () -> ()
        %add3A_75 = arith.constant 0 : i32
        %add3A_76 = arith.addi %mul3A_65, %add3A_75 : i32
        %add3A_77 = arith.constant 2 : i32
        %add3A_78 = arith.addi %add3A_76, %add3A_77 : i32
        %lt3A = arith.constant 8 : i32
        %lt3A_79 = arith.cmpi slt, %add3A_78, %lt3A : i32
        %convert_element_type3A_80 = arith.extui %lt3A_79 : i1 to i32
        %cond3A_81 = arith.constant 0 : i32
        %cond3A_82 = arith.cmpi ne, %convert_element_type3A_80, %cond3A_81 : i32
        scf.if %cond3A_82 {
          %add3A_102 = arith.constant 0 : i32
          %add3A_103 = arith.addi %mul3A_65, %add3A_102 : i32
          %add3A_104 = arith.constant 2 : i32
          %add3A_105 = arith.addi %add3A_103, %add3A_104 : i32
          %dma_start3A_106 = arith.constant 0 : i32
          %dma_start3A_107 = tpu.memref_slice %arg6[%add3A_105, %dma_start3A_106] : memref<56x128xi32, #tpu.memory_space<vmem>> -> memref<1x128xi32, #tpu.memory_space<vmem>>
          %dma_start3A_108 = tpu.memref_squeeze %dma_start3A_107 : memref<1x128xi32, #tpu.memory_space<vmem>> -> memref<128xi32, #tpu.memory_space<vmem>>
          %dma_start3A_109 = arith.constant 0 : i32
          %dma_start3A_110 = arith.constant 0 : i32
          %dma_start3A_111 = tpu.memref_slice %arg2[%dma_start3A_109, %dma_start3A_110] : memref<10240x128xf32, #tpu.memory_space<hbm>> -> memref<10240x128xf32, #tpu.memory_space<hbm>>
          tpu.enqueue_indirect_dma source(%dma_start3A_111 : memref<10240x128xf32, #tpu.memory_space<hbm>>) target(%arg8 : memref<128x128xf32, #tpu.memory_space<vmem>>) offsets(%dma_start3A_108 : memref<128xi32, #tpu.memory_space<vmem>>) semaphore(%arg11 : memref<!tpu.dma_semaphore, #tpu.memory_space<semaphore_mem>>)
        } else {
        }
        %add3A_83 = arith.constant 1 : i32
        %add3A_84 = arith.addi %mul3A_65, %add3A_83 : i32
        %dma_wait3A_85 = arith.constant 0 : i32
        %dma_wait3A_86 = tpu.memref_slice %arg6[%add3A_84, %dma_wait3A_85] : memref<56x128xi32, #tpu.memory_space<vmem>> -> memref<1x128xi32, #tpu.memory_space<vmem>>
        %dma_wait3A_87 = tpu.memref_squeeze %dma_wait3A_86 : memref<1x128xi32, #tpu.memory_space<vmem>> -> memref<128xi32, #tpu.memory_space<vmem>>
        %dma_wait3A_88 = arith.constant 0 : i32
        %dma_wait3A_89 = arith.constant 0 : i32
        %dma_wait3A_90 = tpu.memref_slice %arg2[%dma_wait3A_88, %dma_wait3A_89] : memref<10240x128xf32, #tpu.memory_space<hbm>> -> memref<10240x128xf32, #tpu.memory_space<hbm>>
        tpu.wait_indirect_dma semaphore(%arg12 : memref<!tpu.dma_semaphore, #tpu.memory_space<semaphore_mem>>) src(%dma_wait3A_90 : memref<10240x128xf32, #tpu.memory_space<hbm>>) dst(%arg9 : memref<128x128xf32, #tpu.memory_space<vmem>>)
        %add3A_91 = arith.constant 1 : i32
        %add3A_92 = arith.addi %mul3A_65, %add3A_91 : i32
        "tpu.region"() ({
          %run_scoped3A = tpu.sem_alloc : memref<!tpu.dma_semaphore, #tpu.memory_space<semaphore_mem>>
          %dma_start3A_102 = arith.constant 0 : i32
          %dma_start3A_103 = tpu.memref_slice %arg7[%add3A_92, %dma_start3A_102] : memref<56x128xi32, #tpu.memory_space<vmem>> -> memref<1x128xi32, #tpu.memory_space<vmem>>
          %dma_start3A_104 = tpu.memref_squeeze %dma_start3A_103 : memref<1x128xi32, #tpu.memory_space<vmem>> -> memref<128xi32, #tpu.memory_space<vmem>>
          %dma_start3A_105 = arith.constant 0 : i32
          %dma_start3A_106 = arith.constant 0 : i32
          %dma_start3A_107 = tpu.memref_slice %arg10[%dma_start3A_105, %dma_start3A_106] : memref<10240x128xf32, #tpu.memory_space<vmem_shared>> -> memref<10240x128xf32, #tpu.memory_space<vmem_shared>>
          tpu.enqueue_indirect_dma source(%arg9 : memref<128x128xf32, #tpu.memory_space<vmem>>) target(%dma_start3A_107 : memref<10240x128xf32, #tpu.memory_space<vmem_shared>>) offsets(%dma_start3A_104 : memref<128xi32, #tpu.memory_space<vmem>>) semaphore(%run_scoped3A : memref<!tpu.dma_semaphore, #tpu.memory_space<semaphore_mem>>) {add = true}
          %dma_wait3A_108 = arith.constant 0 : i32
          %dma_wait3A_109 = tpu.memref_slice %arg7[%add3A_92, %dma_wait3A_108] : memref<56x128xi32, #tpu.memory_space<vmem>> -> memref<1x128xi32, #tpu.memory_space<vmem>>
          %dma_wait3A_110 = tpu.memref_squeeze %dma_wait3A_109 : memref<1x128xi32, #tpu.memory_space<vmem>> -> memref<128xi32, #tpu.memory_space<vmem>>
          %dma_wait3A_111 = arith.constant 0 : i32
          %dma_wait3A_112 = arith.constant 0 : i32
          %dma_wait3A_113 = tpu.memref_slice %arg10[%dma_wait3A_111, %dma_wait3A_112] : memref<10240x128xf32, #tpu.memory_space<vmem_shared>> -> memref<10240x128xf32, #tpu.memory_space<vmem_shared>>
          tpu.wait_indirect_dma semaphore(%run_scoped3A : memref<!tpu.dma_semaphore, #tpu.memory_space<semaphore_mem>>) src(%arg9 : memref<128x128xf32, #tpu.memory_space<vmem>>) dst(%dma_wait3A_113 : memref<10240x128xf32, #tpu.memory_space<vmem_shared>>)
          tpu.yield
        }) : () -> ()
        %add3A_93 = arith.constant 1 : i32
        %add3A_94 = arith.addi %mul3A_65, %add3A_93 : i32
        %add3A_95 = arith.constant 2 : i32
        %add3A_96 = arith.addi %add3A_94, %add3A_95 : i32
        %lt3A_97 = arith.constant 8 : i32
        %lt3A_98 = arith.cmpi slt, %add3A_96, %lt3A_97 : i32
        %convert_element_type3A_99 = arith.extui %lt3A_98 : i1 to i32
        %cond3A_100 = arith.constant 0 : i32
        %cond3A_101 = arith.cmpi ne, %convert_element_type3A_99, %cond3A_100 : i32
        scf.if %cond3A_101 {
          %add3A_102 = arith.constant 1 : i32
          %add3A_103 = arith.addi %mul3A_65, %add3A_102 : i32
          %add3A_104 = arith.constant 2 : i32
          %add3A_105 = arith.addi %add3A_103, %add3A_104 : i32
          %dma_start3A_106 = arith.constant 0 : i32
          %dma_start3A_107 = tpu.memref_slice %arg6[%add3A_105, %dma_start3A_106] : memref<56x128xi32, #tpu.memory_space<vmem>> -> memref<1x128xi32, #tpu.memory_space<vmem>>
          %dma_start3A_108 = tpu.memref_squeeze %dma_start3A_107 : memref<1x128xi32, #tpu.memory_space<vmem>> -> memref<128xi32, #tpu.memory_space<vmem>>
          %dma_start3A_109 = arith.constant 0 : i32
          %dma_start3A_110 = arith.constant 0 : i32
          %dma_start3A_111 = tpu.memref_slice %arg2[%dma_start3A_109, %dma_start3A_110] : memref<10240x128xf32, #tpu.memory_space<hbm>> -> memref<10240x128xf32, #tpu.memory_space<hbm>>
          tpu.enqueue_indirect_dma source(%dma_start3A_111 : memref<10240x128xf32, #tpu.memory_space<hbm>>) target(%arg9 : memref<128x128xf32, #tpu.memory_space<vmem>>) offsets(%dma_start3A_108 : memref<128xi32, #tpu.memory_space<vmem>>) semaphore(%arg12 : memref<!tpu.dma_semaphore, #tpu.memory_space<semaphore_mem>>)
        } else {
        }
      }
      %scan3A_62 = arith.constant 4 : i32
    } else {
    }
    %barrier3A_31 = arith.constant 0 : index
    tpu.barrier barrier_id(%barrier3A_31)
    %mul3A_32 = arith.constant 640 : i32
    %mul3A_33 = arith.muli %arg1, %mul3A_32 : i32
    %mul3A_34 = arith.constant 640 : i32
    %mul3A_35 = arith.muli %arg1, %mul3A_34 : i32
    "tpu.region"() ({
      %run_scoped3A = tpu.sem_alloc : memref<!tpu.dma_semaphore, #tpu.memory_space<semaphore_mem>>
      %dma_start3A = arith.constant 0 : i32
      %dma_start3A_36 = tpu.memref_slice %arg5[%arg0, %mul3A_35, %dma_start3A] : memref<2x10240x128xf32, #tpu.memory_space<hbm>> -> memref<1x640x128xf32, #tpu.memory_space<hbm>>
      %dma_start3A_37 = tpu.memref_squeeze %dma_start3A_36 : memref<1x640x128xf32, #tpu.memory_space<hbm>> -> memref<640x128xf32, #tpu.memory_space<hbm>>
      %dma_start3A_38 = arith.constant 0 : i32
      %dma_start3A_39 = tpu.memref_slice %arg10[%mul3A_33, %dma_start3A_38] : memref<10240x128xf32, #tpu.memory_space<vmem_shared>> -> memref<640x128xf32, #tpu.memory_space<vmem_shared>>
      tpu.enqueue_dma source(%dma_start3A_39 : memref<640x128xf32, #tpu.memory_space<vmem_shared>>) target(%dma_start3A_37 : memref<640x128xf32, #tpu.memory_space<hbm>>) target_semaphore(%run_scoped3A : memref<!tpu.dma_semaphore, #tpu.memory_space<semaphore_mem>>)
      %dma_wait3A = arith.constant 0 : i32
      %dma_wait3A_40 = tpu.memref_slice %arg5[%arg0, %mul3A_35, %dma_wait3A] : memref<2x10240x128xf32, #tpu.memory_space<hbm>> -> memref<1x640x128xf32, #tpu.memory_space<hbm>>
      %dma_wait3A_41 = tpu.memref_squeeze %dma_wait3A_40 : memref<1x640x128xf32, #tpu.memory_space<hbm>> -> memref<640x128xf32, #tpu.memory_space<hbm>>
      %dma_wait3A_42 = arith.constant 0 : i32
      %dma_wait3A_43 = tpu.memref_slice %arg10[%mul3A_33, %dma_wait3A_42] : memref<10240x128xf32, #tpu.memory_space<vmem_shared>> -> memref<640x128xf32, #tpu.memory_space<vmem_shared>>
      tpu.wait_dma2 semaphore(%run_scoped3A : memref<!tpu.dma_semaphore, #tpu.memory_space<semaphore_mem>>) src(%dma_wait3A_43 : memref<640x128xf32, #tpu.memory_space<vmem_shared>>) dst(%dma_wait3A_41 : memref<640x128xf32, #tpu.memory_space<hbm>>)
      tpu.yield
    }) : () -> ()
    return
  }
}

#map = affine_map<(d0, d1) -> (0, 0)>
module attributes {stable_mosaic.version = 14 : i64} {
  func.func @_deg_kernel(%arg0: i32, %arg1: i32, %arg2: memref<2560x128xi32, #tpu.memory_space<hbm>>, %arg3: memref<2x10240xf32, #tpu.memory_space<hbm>>, %arg4: memref<80x128xi32, #tpu.memory_space<vmem>>, %arg5: memref<128xf32, #tpu.memory_space<vmem>>, %arg6: memref<640xf32, #tpu.memory_space<vmem>>, %arg7: memref<10240xf32, #tpu.memory_space<vmem_shared>>) attributes {dimension_semantics = [#tpu.dimension_semantics<core_parallel>, #tpu.dimension_semantics<subcore_parallel>], iteration_bounds = array<i64: 2, 16>, scalar_prefetch = 0 : i64, scratch_operands = 4 : i64, tpu.core_type = #tpu.core_type<sc_vector_subcore>, window_params = [{transform_indices = #map}, {transform_indices = #map}]} {
    %mul3A = arith.constant 2 : i32
    %mul3A_0 = arith.muli %arg1, %mul3A : i32
    %add3A = arith.addi %mul3A_0, %arg0 : i32
    %mul3A_1 = arith.constant 80 : i32
    %mul3A_2 = arith.muli %add3A, %mul3A_1 : i32
    "tpu.region"() ({
      %run_scoped3A = tpu.sem_alloc : memref<!tpu.dma_semaphore, #tpu.memory_space<semaphore_mem>>
      %dma_start3A = arith.constant 0 : i32
      %dma_start3A_55 = tpu.memref_slice %arg2[%mul3A_2, %dma_start3A] : memref<2560x128xi32, #tpu.memory_space<hbm>> -> memref<80x128xi32, #tpu.memory_space<hbm>>
      %dma_start3A_56 = arith.constant 0 : i32
      %dma_start3A_57 = tpu.memref_slice %arg2[%mul3A_2, %dma_start3A_56] : memref<2560x128xi32, #tpu.memory_space<hbm>> -> memref<80x128xi32, #tpu.memory_space<hbm>>
      tpu.enqueue_dma source(%dma_start3A_57 : memref<80x128xi32, #tpu.memory_space<hbm>>) target(%arg4 : memref<80x128xi32, #tpu.memory_space<vmem>>) target_semaphore(%run_scoped3A : memref<!tpu.dma_semaphore, #tpu.memory_space<semaphore_mem>>)
      %dma_wait3A = arith.constant 0 : i32
      %dma_wait3A_58 = tpu.memref_slice %arg2[%mul3A_2, %dma_wait3A] : memref<2560x128xi32, #tpu.memory_space<hbm>> -> memref<80x128xi32, #tpu.memory_space<hbm>>
      %dma_wait3A_59 = arith.constant 0 : i32
      %dma_wait3A_60 = tpu.memref_slice %arg2[%mul3A_2, %dma_wait3A_59] : memref<2560x128xi32, #tpu.memory_space<hbm>> -> memref<80x128xi32, #tpu.memory_space<hbm>>
      tpu.wait_dma2 semaphore(%run_scoped3A : memref<!tpu.dma_semaphore, #tpu.memory_space<semaphore_mem>>) src(%dma_wait3A_60 : memref<80x128xi32, #tpu.memory_space<hbm>>) dst(%arg4 : memref<80x128xi32, #tpu.memory_space<vmem>>)
      tpu.yield
    }) : () -> ()
    %broadcast_in_dim3A = arith.constant 1.000000e+00 : f32
    %broadcast_in_dim3A_3 = vector.broadcast %broadcast_in_dim3A : f32 to vector<16xf32>
    %broadcast_in_dim3A_4 = arith.constant 0.000000e+00 : f32
    %broadcast_in_dim3A_5 = vector.broadcast %broadcast_in_dim3A_4 : f32 to vector<16xf32>
    %swap3A = arith.constant 0 : index
    %swap3A_6 = tpu.vector_load %arg5[%swap3A] {strides = array<i32>} : memref<128xf32, #tpu.memory_space<vmem>>, vector<16xf32>,
    %swap3A_7 = vector.shape_cast %swap3A_6 : vector<16xf32> to vector<16xf32>
    %swap3A_8 = vector.shape_cast %broadcast_in_dim3A_3 : vector<16xf32> to vector<16xf32>
    tpu.vector_store %arg5[%swap3A], %swap3A_8 {strides = array<i32>} : memref<128xf32, #tpu.memory_space<vmem>>, vector<16xf32>,
    %swap3A_9 = arith.constant 16 : index
    %swap3A_10 = tpu.vector_load %arg5[%swap3A_9] {strides = array<i32>} : memref<128xf32, #tpu.memory_space<vmem>>, vector<16xf32>,
    %swap3A_11 = vector.shape_cast %swap3A_10 : vector<16xf32> to vector<16xf32>
    %swap3A_12 = vector.shape_cast %broadcast_in_dim3A_3 : vector<16xf32> to vector<16xf32>
    tpu.vector_store %arg5[%swap3A_9], %swap3A_12 {strides = array<i32>} : memref<128xf32, #tpu.memory_space<vmem>>, vector<16xf32>,
    %swap3A_13 = arith.constant 32 : index
    %swap3A_14 = tpu.vector_load %arg5[%swap3A_13] {strides = array<i32>} : memref<128xf32, #tpu.memory_space<vmem>>, vector<16xf32>,
    %swap3A_15 = vector.shape_cast %swap3A_14 : vector<16xf32> to vector<16xf32>
    %swap3A_16 = vector.shape_cast %broadcast_in_dim3A_3 : vector<16xf32> to vector<16xf32>
    tpu.vector_store %arg5[%swap3A_13], %swap3A_16 {strides = array<i32>} : memref<128xf32, #tpu.memory_space<vmem>>, vector<16xf32>,
    %swap3A_17 = arith.constant 48 : index
    %swap3A_18 = tpu.vector_load %arg5[%swap3A_17] {strides = array<i32>} : memref<128xf32, #tpu.memory_space<vmem>>, vector<16xf32>,
    %swap3A_19 = vector.shape_cast %swap3A_18 : vector<16xf32> to vector<16xf32>
    %swap3A_20 = vector.shape_cast %broadcast_in_dim3A_3 : vector<16xf32> to vector<16xf32>
    tpu.vector_store %arg5[%swap3A_17], %swap3A_20 {strides = array<i32>} : memref<128xf32, #tpu.memory_space<vmem>>, vector<16xf32>,
    %swap3A_21 = arith.constant 64 : index
    %swap3A_22 = tpu.vector_load %arg5[%swap3A_21] {strides = array<i32>} : memref<128xf32, #tpu.memory_space<vmem>>, vector<16xf32>,
    %swap3A_23 = vector.shape_cast %swap3A_22 : vector<16xf32> to vector<16xf32>
    %swap3A_24 = vector.shape_cast %broadcast_in_dim3A_3 : vector<16xf32> to vector<16xf32>
    tpu.vector_store %arg5[%swap3A_21], %swap3A_24 {strides = array<i32>} : memref<128xf32, #tpu.memory_space<vmem>>, vector<16xf32>,
    %swap3A_25 = arith.constant 80 : index
    %swap3A_26 = tpu.vector_load %arg5[%swap3A_25] {strides = array<i32>} : memref<128xf32, #tpu.memory_space<vmem>>, vector<16xf32>,
    %swap3A_27 = vector.shape_cast %swap3A_26 : vector<16xf32> to vector<16xf32>
    %swap3A_28 = vector.shape_cast %broadcast_in_dim3A_3 : vector<16xf32> to vector<16xf32>
    tpu.vector_store %arg5[%swap3A_25], %swap3A_28 {strides = array<i32>} : memref<128xf32, #tpu.memory_space<vmem>>, vector<16xf32>,
    %swap3A_29 = arith.constant 96 : index
    %swap3A_30 = tpu.vector_load %arg5[%swap3A_29] {strides = array<i32>} : memref<128xf32, #tpu.memory_space<vmem>>, vector<16xf32>,
    %swap3A_31 = vector.shape_cast %swap3A_30 : vector<16xf32> to vector<16xf32>
    %swap3A_32 = vector.shape_cast %broadcast_in_dim3A_3 : vector<16xf32> to vector<16xf32>
    tpu.vector_store %arg5[%swap3A_29], %swap3A_32 {strides = array<i32>} : memref<128xf32, #tpu.memory_space<vmem>>, vector<16xf32>,
    %swap3A_33 = arith.constant 112 : index
    %swap3A_34 = tpu.vector_load %arg5[%swap3A_33] {strides = array<i32>} : memref<128xf32, #tpu.memory_space<vmem>>, vector<16xf32>,
    %swap3A_35 = vector.shape_cast %swap3A_34 : vector<16xf32> to vector<16xf32>
    %swap3A_36 = vector.shape_cast %broadcast_in_dim3A_3 : vector<16xf32> to vector<16xf32>
    tpu.vector_store %arg5[%swap3A_33], %swap3A_36 {strides = array<i32>} : memref<128xf32, #tpu.memory_space<vmem>>, vector<16xf32>,
    %scan3A = arith.constant 0 : i32
    %scan3A_37 = arith.constant 0 : i32
    %scan3A_38 = arith.constant 40 : i32
    %scan3A_39 = arith.addi %scan3A_37, %scan3A_38 : i32
    %scan3A_40 = arith.constant 1 : i32
    scf.for %scan3A_55 = %scan3A_37 to %scan3A_39 step %scan3A_40  : i32 {
      %mul3A_56 = arith.constant 16 : i32
      %mul3A_57 = arith.muli %scan3A_55, %mul3A_56 : i32
      %swap3A_58 = arith.index_cast %mul3A_57 : i32 to index
      %swap3A_59 = tpu.vector_load %arg6[%swap3A_58] {strides = array<i32>} : memref<640xf32, #tpu.memory_space<vmem>>, vector<16xf32>,
      %swap3A_60 = vector.shape_cast %swap3A_59 : vector<16xf32> to vector<16xf32>
      %swap3A_61 = vector.shape_cast %broadcast_in_dim3A_5 : vector<16xf32> to vector<16xf32>
      tpu.vector_store %arg6[%swap3A_58], %swap3A_61 {strides = array<i32>} : memref<640xf32, #tpu.memory_space<vmem>>, vector<16xf32>,
    }
    %scan3A_41 = arith.constant 40 : i32
    %mul3A_42 = arith.constant 640 : i32
    %mul3A_43 = arith.muli %arg1, %mul3A_42 : i32
    "tpu.region"() ({
      %run_scoped3A = tpu.sem_alloc : memref<!tpu.dma_semaphore, #tpu.memory_space<semaphore_mem>>
      %dma_start3A = tpu.memref_slice %arg7[%mul3A_43] : memref<10240xf32, #tpu.memory_space<vmem_shared>> -> memref<640xf32, #tpu.memory_space<vmem_shared>>
      %dma_start3A_55 = tpu.memref_slice %arg7[%mul3A_43] : memref<10240xf32, #tpu.memory_space<vmem_shared>> -> memref<640xf32, #tpu.memory_space<vmem_shared>>
      tpu.enqueue_dma source(%arg6 : memref<640xf32, #tpu.memory_space<vmem>>) target(%dma_start3A_55 : memref<640xf32, #tpu.memory_space<vmem_shared>>) target_semaphore(%run_scoped3A : memref<!tpu.dma_semaphore, #tpu.memory_space<semaphore_mem>>)
      %dma_wait3A = tpu.memref_slice %arg7[%mul3A_43] : memref<10240xf32, #tpu.memory_space<vmem_shared>> -> memref<640xf32, #tpu.memory_space<vmem_shared>>
      %dma_wait3A_56 = tpu.memref_slice %arg7[%mul3A_43] : memref<10240xf32, #tpu.memory_space<vmem_shared>> -> memref<640xf32, #tpu.memory_space<vmem_shared>>
      tpu.wait_dma2 semaphore(%run_scoped3A : memref<!tpu.dma_semaphore, #tpu.memory_space<semaphore_mem>>) src(%arg6 : memref<640xf32, #tpu.memory_space<vmem>>) dst(%dma_wait3A_56 : memref<640xf32, #tpu.memory_space<vmem_shared>>)
      tpu.yield
    }) : () -> ()
    %barrier3A = arith.constant 0 : index
    tpu.barrier barrier_id(%barrier3A)
    %scan3A_44 = arith.constant 0 : i32
    %scan3A_45 = arith.constant 0 : i32
    %scan3A_46 = arith.constant 80 : i32
    %scan3A_47 = arith.addi %scan3A_45, %scan3A_46 : i32
    %scan3A_48 = arith.constant 1 : i32
    scf.for %scan3A_55 = %scan3A_45 to %scan3A_47 step %scan3A_48  : i32 {
      "tpu.region"() ({
        %run_scoped3A = tpu.sem_alloc : memref<!tpu.dma_semaphore, #tpu.memory_space<semaphore_mem>>
        %dma_start3A = arith.constant 0 : i32
        %dma_start3A_56 = tpu.memref_slice %arg4[%scan3A_55, %dma_start3A] : memref<80x128xi32, #tpu.memory_space<vmem>> -> memref<1x128xi32, #tpu.memory_space<vmem>>
        %dma_start3A_57 = tpu.memref_squeeze %dma_start3A_56 : memref<1x128xi32, #tpu.memory_space<vmem>> -> memref<128xi32, #tpu.memory_space<vmem>>
        %dma_start3A_58 = arith.constant 0 : i32
        %dma_start3A_59 = tpu.memref_slice %arg7[%dma_start3A_58] : memref<10240xf32, #tpu.memory_space<vmem_shared>> -> memref<10240xf32, #tpu.memory_space<vmem_shared>>
        tpu.enqueue_indirect_dma source(%arg5 : memref<128xf32, #tpu.memory_space<vmem>>) target(%dma_start3A_59 : memref<10240xf32, #tpu.memory_space<vmem_shared>>) offsets(%dma_start3A_57 : memref<128xi32, #tpu.memory_space<vmem>>) semaphore(%run_scoped3A : memref<!tpu.dma_semaphore, #tpu.memory_space<semaphore_mem>>) {add = true}
        %dma_wait3A = arith.constant 0 : i32
        %dma_wait3A_60 = tpu.memref_slice %arg4[%scan3A_55, %dma_wait3A] : memref<80x128xi32, #tpu.memory_space<vmem>> -> memref<1x128xi32, #tpu.memory_space<vmem>>
        %dma_wait3A_61 = tpu.memref_squeeze %dma_wait3A_60 : memref<1x128xi32, #tpu.memory_space<vmem>> -> memref<128xi32, #tpu.memory_space<vmem>>
        %dma_wait3A_62 = arith.constant 0 : i32
        %dma_wait3A_63 = tpu.memref_slice %arg7[%dma_wait3A_62] : memref<10240xf32, #tpu.memory_space<vmem_shared>> -> memref<10240xf32, #tpu.memory_space<vmem_shared>>
        tpu.wait_indirect_dma semaphore(%run_scoped3A : memref<!tpu.dma_semaphore, #tpu.memory_space<semaphore_mem>>) src(%arg5 : memref<128xf32, #tpu.memory_space<vmem>>) dst(%dma_wait3A_63 : memref<10240xf32, #tpu.memory_space<vmem_shared>>)
        tpu.yield
      }) : () -> ()
    }
    %scan3A_49 = arith.constant 80 : i32
    %barrier3A_50 = arith.constant 0 : index
    tpu.barrier barrier_id(%barrier3A_50)
    %mul3A_51 = arith.constant 640 : i32
    %mul3A_52 = arith.muli %arg1, %mul3A_51 : i32
    %mul3A_53 = arith.constant 640 : i32
    %mul3A_54 = arith.muli %arg1, %mul3A_53 : i32
    "tpu.region"() ({
      %run_scoped3A = tpu.sem_alloc : memref<!tpu.dma_semaphore, #tpu.memory_space<semaphore_mem>>
      %dma_start3A = tpu.memref_slice %arg3[%arg0, %mul3A_54] : memref<2x10240xf32, #tpu.memory_space<hbm>> -> memref<1x640xf32, #tpu.memory_space<hbm>>
      %dma_start3A_55 = tpu.memref_squeeze %dma_start3A : memref<1x640xf32, #tpu.memory_space<hbm>> -> memref<640xf32, #tpu.memory_space<hbm>>
      %dma_start3A_56 = tpu.memref_slice %arg7[%mul3A_52] : memref<10240xf32, #tpu.memory_space<vmem_shared>> -> memref<640xf32, #tpu.memory_space<vmem_shared>>
      tpu.enqueue_dma source(%dma_start3A_56 : memref<640xf32, #tpu.memory_space<vmem_shared>>) target(%dma_start3A_55 : memref<640xf32, #tpu.memory_space<hbm>>) target_semaphore(%run_scoped3A : memref<!tpu.dma_semaphore, #tpu.memory_space<semaphore_mem>>)
      %dma_wait3A = tpu.memref_slice %arg3[%arg0, %mul3A_54] : memref<2x10240xf32, #tpu.memory_space<hbm>> -> memref<1x640xf32, #tpu.memory_space<hbm>>
      %dma_wait3A_57 = tpu.memref_squeeze %dma_wait3A : memref<1x640xf32, #tpu.memory_space<hbm>> -> memref<640xf32, #tpu.memory_space<hbm>>
      %dma_wait3A_58 = tpu.memref_slice %arg7[%mul3A_52] : memref<10240xf32, #tpu.memory_space<vmem_shared>> -> memref<640xf32, #tpu.memory_space<vmem_shared>>
      tpu.wait_dma2 semaphore(%run_scoped3A : memref<!tpu.dma_semaphore, #tpu.memory_space<semaphore_mem>>) src(%dma_wait3A_58 : memref<640xf32, #tpu.memory_space<vmem_shared>>) dst(%dma_wait3A_57 : memref<640xf32, #tpu.memory_space<hbm>>)
      tpu.yield
    }) : () -> ()
    return
  }
}

#map = affine_map<(d0, d1) -> (0, 0)>
#map1 = affine_map<(d0, d1) -> (0, 0, 0)>
module attributes {stable_mosaic.version = 14 : i64} {
  func.func @_agg_kernel(%arg0: i32, %arg1: i32, %arg2: memref<10240x128xf32, #tpu.memory_space<hbm>>, %arg3: memref<2560x128xi32, #tpu.memory_space<hbm>>, %arg4: memref<2560x128xi32, #tpu.memory_space<hbm>>, %arg5: memref<2x10240x128xf32, #tpu.memory_space<hbm>>, %arg6: memref<56x128xi32, #tpu.memory_space<vmem>>, %arg7: memref<56x128xi32, #tpu.memory_space<vmem>>, %arg8: memref<128x128xf32, #tpu.memory_space<vmem>>, %arg9: memref<128x128xf32, #tpu.memory_space<vmem>>, %arg10: memref<10240x128xf32, #tpu.memory_space<vmem_shared>>, %arg11: memref<!tpu.dma_semaphore, #tpu.memory_space<semaphore_mem>>, %arg12: memref<!tpu.dma_semaphore, #tpu.memory_space<semaphore_mem>>) attributes {dimension_semantics = [#tpu.dimension_semantics<core_parallel>, #tpu.dimension_semantics<subcore_parallel>], iteration_bounds = array<i64: 2, 16>, scalar_prefetch = 0 : i64, scratch_operands = 7 : i64, tpu.core_type = #tpu.core_type<sc_vector_subcore>, window_params = [{transform_indices = #map}, {transform_indices = #map}, {transform_indices = #map}, {transform_indices = #map1}]} {
    %broadcast_in_dim3A = arith.constant 0.000000e+00 : f32
    %broadcast_in_dim3A_0 = vector.broadcast %broadcast_in_dim3A : f32 to vector<16xf32>
    %scan3A = arith.constant 0 : i32
    %scan3A_1 = arith.constant 0 : i32
    %scan3A_2 = arith.constant 128 : i32
    %scan3A_3 = arith.addi %scan3A_1, %scan3A_2 : i32
    %scan3A_4 = arith.constant 1 : i32
    scf.for %scan3A_36 = %scan3A_1 to %scan3A_3 step %scan3A_4  : i32 {
      %swap3A = arith.index_cast %scan3A_36 : i32 to index
      %swap3A_37 = arith.constant 0 : index
      %swap3A_38 = tpu.vector_load %arg8[%swap3A, %swap3A_37] {strides = array<i32>} : memref<128x128xf32, #tpu.memory_space<vmem>>, vector<1x16xf32>,
      %swap3A_39 = vector.shape_cast %swap3A_38 : vector<1x16xf32> to vector<16xf32>
      %swap3A_40 = vector.shape_cast %broadcast_in_dim3A_0 : vector<16xf32> to vector<1x16xf32>
      tpu.vector_store %arg8[%swap3A, %swap3A_37], %swap3A_40 {strides = array<i32>} : memref<128x128xf32, #tpu.memory_space<vmem>>, vector<1x16xf32>,
      %swap3A_41 = arith.index_cast %scan3A_36 : i32 to index
      %swap3A_42 = arith.constant 16 : index
      %swap3A_43 = tpu.vector_load %arg8[%swap3A_41, %swap3A_42] {strides = array<i32>} : memref<128x128xf32, #tpu.memory_space<vmem>>, vector<1x16xf32>,
      %swap3A_44 = vector.shape_cast %swap3A_43 : vector<1x16xf32> to vector<16xf32>
      %swap3A_45 = vector.shape_cast %broadcast_in_dim3A_0 : vector<16xf32> to vector<1x16xf32>
      tpu.vector_store %arg8[%swap3A_41, %swap3A_42], %swap3A_45 {strides = array<i32>} : memref<128x128xf32, #tpu.memory_space<vmem>>, vector<1x16xf32>,
      %swap3A_46 = arith.index_cast %scan3A_36 : i32 to index
      %swap3A_47 = arith.constant 32 : index
      %swap3A_48 = tpu.vector_load %arg8[%swap3A_46, %swap3A_47] {strides = array<i32>} : memref<128x128xf32, #tpu.memory_space<vmem>>, vector<1x16xf32>,
      %swap3A_49 = vector.shape_cast %swap3A_48 : vector<1x16xf32> to vector<16xf32>
      %swap3A_50 = vector.shape_cast %broadcast_in_dim3A_0 : vector<16xf32> to vector<1x16xf32>
      tpu.vector_store %arg8[%swap3A_46, %swap3A_47], %swap3A_50 {strides = array<i32>} : memref<128x128xf32, #tpu.memory_space<vmem>>, vector<1x16xf32>,
      %swap3A_51 = arith.index_cast %scan3A_36 : i32 to index
      %swap3A_52 = arith.constant 48 : index
      %swap3A_53 = tpu.vector_load %arg8[%swap3A_51, %swap3A_52] {strides = array<i32>} : memref<128x128xf32, #tpu.memory_space<vmem>>, vector<1x16xf32>,
      %swap3A_54 = vector.shape_cast %swap3A_53 : vector<1x16xf32> to vector<16xf32>
      %swap3A_55 = vector.shape_cast %broadcast_in_dim3A_0 : vector<16xf32> to vector<1x16xf32>
      tpu.vector_store %arg8[%swap3A_51, %swap3A_52], %swap3A_55 {strides = array<i32>} : memref<128x128xf32, #tpu.memory_space<vmem>>, vector<1x16xf32>,
      %swap3A_56 = arith.index_cast %scan3A_36 : i32 to index
      %swap3A_57 = arith.constant 64 : index
      %swap3A_58 = tpu.vector_load %arg8[%swap3A_56, %swap3A_57] {strides = array<i32>} : memref<128x128xf32, #tpu.memory_space<vmem>>, vector<1x16xf32>,
      %swap3A_59 = vector.shape_cast %swap3A_58 : vector<1x16xf32> to vector<16xf32>
      %swap3A_60 = vector.shape_cast %broadcast_in_dim3A_0 : vector<16xf32> to vector<1x16xf32>
      tpu.vector_store %arg8[%swap3A_56, %swap3A_57], %swap3A_60 {strides = array<i32>} : memref<128x128xf32, #tpu.memory_space<vmem>>, vector<1x16xf32>,
      %swap3A_61 = arith.index_cast %scan3A_36 : i32 to index
      %swap3A_62 = arith.constant 80 : index
      %swap3A_63 = tpu.vector_load %arg8[%swap3A_61, %swap3A_62] {strides = array<i32>} : memref<128x128xf32, #tpu.memory_space<vmem>>, vector<1x16xf32>,
      %swap3A_64 = vector.shape_cast %swap3A_63 : vector<1x16xf32> to vector<16xf32>
      %swap3A_65 = vector.shape_cast %broadcast_in_dim3A_0 : vector<16xf32> to vector<1x16xf32>
      tpu.vector_store %arg8[%swap3A_61, %swap3A_62], %swap3A_65 {strides = array<i32>} : memref<128x128xf32, #tpu.memory_space<vmem>>, vector<1x16xf32>,
      %swap3A_66 = arith.index_cast %scan3A_36 : i32 to index
      %swap3A_67 = arith.constant 96 : index
      %swap3A_68 = tpu.vector_load %arg8[%swap3A_66, %swap3A_67] {strides = array<i32>} : memref<128x128xf32, #tpu.memory_space<vmem>>, vector<1x16xf32>,
      %swap3A_69 = vector.shape_cast %swap3A_68 : vector<1x16xf32> to vector<16xf32>
      %swap3A_70 = vector.shape_cast %broadcast_in_dim3A_0 : vector<16xf32> to vector<1x16xf32>
      tpu.vector_store %arg8[%swap3A_66, %swap3A_67], %swap3A_70 {strides = array<i32>} : memref<128x128xf32, #tpu.memory_space<vmem>>, vector<1x16xf32>,
      %swap3A_71 = arith.index_cast %scan3A_36 : i32 to index
      %swap3A_72 = arith.constant 112 : index
      %swap3A_73 = tpu.vector_load %arg8[%swap3A_71, %swap3A_72] {strides = array<i32>} : memref<128x128xf32, #tpu.memory_space<vmem>>, vector<1x16xf32>,
      %swap3A_74 = vector.shape_cast %swap3A_73 : vector<1x16xf32> to vector<16xf32>
      %swap3A_75 = vector.shape_cast %broadcast_in_dim3A_0 : vector<16xf32> to vector<1x16xf32>
      tpu.vector_store %arg8[%swap3A_71, %swap3A_72], %swap3A_75 {strides = array<i32>} : memref<128x128xf32, #tpu.memory_space<vmem>>, vector<1x16xf32>,
    }
    %scan3A_5 = arith.constant 128 : i32
    %mul3A = arith.constant 640 : i32
    %mul3A_6 = arith.muli %arg1, %mul3A : i32
    %add3A = arith.constant 0 : i32
    %add3A_7 = arith.addi %mul3A_6, %add3A : i32
    "tpu.region"() ({
      %run_scoped3A = tpu.sem_alloc : memref<!tpu.dma_semaphore, #tpu.memory_space<semaphore_mem>>
      %dma_start3A = arith.constant 0 : i32
      %dma_start3A_36 = tpu.memref_slice %arg10[%add3A_7, %dma_start3A] : memref<10240x128xf32, #tpu.memory_space<vmem_shared>> -> memref<128x128xf32, #tpu.memory_space<vmem_shared>>
      %dma_start3A_37 = arith.constant 0 : i32
      %dma_start3A_38 = tpu.memref_slice %arg10[%add3A_7, %dma_start3A_37] : memref<10240x128xf32, #tpu.memory_space<vmem_shared>> -> memref<128x128xf32, #tpu.memory_space<vmem_shared>>
      tpu.enqueue_dma source(%arg8 : memref<128x128xf32, #tpu.memory_space<vmem>>) target(%dma_start3A_38 : memref<128x128xf32, #tpu.memory_space<vmem_shared>>) target_semaphore(%run_scoped3A : memref<!tpu.dma_semaphore, #tpu.memory_space<semaphore_mem>>)
      %dma_wait3A = arith.constant 0 : i32
      %dma_wait3A_39 = tpu.memref_slice %arg10[%add3A_7, %dma_wait3A] : memref<10240x128xf32, #tpu.memory_space<vmem_shared>> -> memref<128x128xf32, #tpu.memory_space<vmem_shared>>
      %dma_wait3A_40 = arith.constant 0 : i32
      %dma_wait3A_41 = tpu.memref_slice %arg10[%add3A_7, %dma_wait3A_40] : memref<10240x128xf32, #tpu.memory_space<vmem_shared>> -> memref<128x128xf32, #tpu.memory_space<vmem_shared>>
      tpu.wait_dma2 semaphore(%run_scoped3A : memref<!tpu.dma_semaphore, #tpu.memory_space<semaphore_mem>>) src(%arg8 : memref<128x128xf32, #tpu.memory_space<vmem>>) dst(%dma_wait3A_41 : memref<128x128xf32, #tpu.memory_space<vmem_shared>>)
      tpu.yield
    }) : () -> ()
    %mul3A_8 = arith.constant 640 : i32
    %mul3A_9 = arith.muli %arg1, %mul3A_8 : i32
    %add3A_10 = arith.constant 128 : i32
    %add3A_11 = arith.addi %mul3A_9, %add3A_10 : i32
    "tpu.region"() ({
      %run_scoped3A = tpu.sem_alloc : memref<!tpu.dma_semaphore, #tpu.memory_space<semaphore_mem>>
      %dma_start3A = arith.constant 0 : i32
      %dma_start3A_36 = tpu.memref_slice %arg10[%add3A_11, %dma_start3A] : memref<10240x128xf32, #tpu.memory_space<vmem_shared>> -> memref<128x128xf32, #tpu.memory_space<vmem_shared>>
      %dma_start3A_37 = arith.constant 0 : i32
      %dma_start3A_38 = tpu.memref_slice %arg10[%add3A_11, %dma_start3A_37] : memref<10240x128xf32, #tpu.memory_space<vmem_shared>> -> memref<128x128xf32, #tpu.memory_space<vmem_shared>>
      tpu.enqueue_dma source(%arg8 : memref<128x128xf32, #tpu.memory_space<vmem>>) target(%dma_start3A_38 : memref<128x128xf32, #tpu.memory_space<vmem_shared>>) target_semaphore(%run_scoped3A : memref<!tpu.dma_semaphore, #tpu.memory_space<semaphore_mem>>)
      %dma_wait3A = arith.constant 0 : i32
      %dma_wait3A_39 = tpu.memref_slice %arg10[%add3A_11, %dma_wait3A] : memref<10240x128xf32, #tpu.memory_space<vmem_shared>> -> memref<128x128xf32, #tpu.memory_space<vmem_shared>>
      %dma_wait3A_40 = arith.constant 0 : i32
      %dma_wait3A_41 = tpu.memref_slice %arg10[%add3A_11, %dma_wait3A_40] : memref<10240x128xf32, #tpu.memory_space<vmem_shared>> -> memref<128x128xf32, #tpu.memory_space<vmem_shared>>
      tpu.wait_dma2 semaphore(%run_scoped3A : memref<!tpu.dma_semaphore, #tpu.memory_space<semaphore_mem>>) src(%arg8 : memref<128x128xf32, #tpu.memory_space<vmem>>) dst(%dma_wait3A_41 : memref<128x128xf32, #tpu.memory_space<vmem_shared>>)
      tpu.yield
    }) : () -> ()
    %mul3A_12 = arith.constant 640 : i32
    %mul3A_13 = arith.muli %arg1, %mul3A_12 : i32
    %add3A_14 = arith.constant 256 : i32
    %add3A_15 = arith.addi %mul3A_13, %add3A_14 : i32
    "tpu.region"() ({
      %run_scoped3A = tpu.sem_alloc : memref<!tpu.dma_semaphore, #tpu.memory_space<semaphore_mem>>
      %dma_start3A = arith.constant 0 : i32
      %dma_start3A_36 = tpu.memref_slice %arg10[%add3A_15, %dma_start3A] : memref<10240x128xf32, #tpu.memory_space<vmem_shared>> -> memref<128x128xf32, #tpu.memory_space<vmem_shared>>
      %dma_start3A_37 = arith.constant 0 : i32
      %dma_start3A_38 = tpu.memref_slice %arg10[%add3A_15, %dma_start3A_37] : memref<10240x128xf32, #tpu.memory_space<vmem_shared>> -> memref<128x128xf32, #tpu.memory_space<vmem_shared>>
      tpu.enqueue_dma source(%arg8 : memref<128x128xf32, #tpu.memory_space<vmem>>) target(%dma_start3A_38 : memref<128x128xf32, #tpu.memory_space<vmem_shared>>) target_semaphore(%run_scoped3A : memref<!tpu.dma_semaphore, #tpu.memory_space<semaphore_mem>>)
      %dma_wait3A = arith.constant 0 : i32
      %dma_wait3A_39 = tpu.memref_slice %arg10[%add3A_15, %dma_wait3A] : memref<10240x128xf32, #tpu.memory_space<vmem_shared>> -> memref<128x128xf32, #tpu.memory_space<vmem_shared>>
      %dma_wait3A_40 = arith.constant 0 : i32
      %dma_wait3A_41 = tpu.memref_slice %arg10[%add3A_15, %dma_wait3A_40] : memref<10240x128xf32, #tpu.memory_space<vmem_shared>> -> memref<128x128xf32, #tpu.memory_space<vmem_shared>>
      tpu.wait_dma2 semaphore(%run_scoped3A : memref<!tpu.dma_semaphore, #tpu.memory_space<semaphore_mem>>) src(%arg8 : memref<128x128xf32, #tpu.memory_space<vmem>>) dst(%dma_wait3A_41 : memref<128x128xf32, #tpu.memory_space<vmem_shared>>)
      tpu.yield
    }) : () -> ()
    %mul3A_16 = arith.constant 640 : i32
    %mul3A_17 = arith.muli %arg1, %mul3A_16 : i32
    %add3A_18 = arith.constant 384 : i32
    %add3A_19 = arith.addi %mul3A_17, %add3A_18 : i32
    "tpu.region"() ({
      %run_scoped3A = tpu.sem_alloc : memref<!tpu.dma_semaphore, #tpu.memory_space<semaphore_mem>>
      %dma_start3A = arith.constant 0 : i32
      %dma_start3A_36 = tpu.memref_slice %arg10[%add3A_19, %dma_start3A] : memref<10240x128xf32, #tpu.memory_space<vmem_shared>> -> memref<128x128xf32, #tpu.memory_space<vmem_shared>>
      %dma_start3A_37 = arith.constant 0 : i32
      %dma_start3A_38 = tpu.memref_slice %arg10[%add3A_19, %dma_start3A_37] : memref<10240x128xf32, #tpu.memory_space<vmem_shared>> -> memref<128x128xf32, #tpu.memory_space<vmem_shared>>
      tpu.enqueue_dma source(%arg8 : memref<128x128xf32, #tpu.memory_space<vmem>>) target(%dma_start3A_38 : memref<128x128xf32, #tpu.memory_space<vmem_shared>>) target_semaphore(%run_scoped3A : memref<!tpu.dma_semaphore, #tpu.memory_space<semaphore_mem>>)
      %dma_wait3A = arith.constant 0 : i32
      %dma_wait3A_39 = tpu.memref_slice %arg10[%add3A_19, %dma_wait3A] : memref<10240x128xf32, #tpu.memory_space<vmem_shared>> -> memref<128x128xf32, #tpu.memory_space<vmem_shared>>
      %dma_wait3A_40 = arith.constant 0 : i32
      %dma_wait3A_41 = tpu.memref_slice %arg10[%add3A_19, %dma_wait3A_40] : memref<10240x128xf32, #tpu.memory_space<vmem_shared>> -> memref<128x128xf32, #tpu.memory_space<vmem_shared>>
      tpu.wait_dma2 semaphore(%run_scoped3A : memref<!tpu.dma_semaphore, #tpu.memory_space<semaphore_mem>>) src(%arg8 : memref<128x128xf32, #tpu.memory_space<vmem>>) dst(%dma_wait3A_41 : memref<128x128xf32, #tpu.memory_space<vmem_shared>>)
      tpu.yield
    }) : () -> ()
    %mul3A_20 = arith.constant 640 : i32
    %mul3A_21 = arith.muli %arg1, %mul3A_20 : i32
    %add3A_22 = arith.constant 512 : i32
    %add3A_23 = arith.addi %mul3A_21, %add3A_22 : i32
    "tpu.region"() ({
      %run_scoped3A = tpu.sem_alloc : memref<!tpu.dma_semaphore, #tpu.memory_space<semaphore_mem>>
      %dma_start3A = arith.constant 0 : i32
      %dma_start3A_36 = tpu.memref_slice %arg10[%add3A_23, %dma_start3A] : memref<10240x128xf32, #tpu.memory_space<vmem_shared>> -> memref<128x128xf32, #tpu.memory_space<vmem_shared>>
      %dma_start3A_37 = arith.constant 0 : i32
      %dma_start3A_38 = tpu.memref_slice %arg10[%add3A_23, %dma_start3A_37] : memref<10240x128xf32, #tpu.memory_space<vmem_shared>> -> memref<128x128xf32, #tpu.memory_space<vmem_shared>>
      tpu.enqueue_dma source(%arg8 : memref<128x128xf32, #tpu.memory_space<vmem>>) target(%dma_start3A_38 : memref<128x128xf32, #tpu.memory_space<vmem_shared>>) target_semaphore(%run_scoped3A : memref<!tpu.dma_semaphore, #tpu.memory_space<semaphore_mem>>)
      %dma_wait3A = arith.constant 0 : i32
      %dma_wait3A_39 = tpu.memref_slice %arg10[%add3A_23, %dma_wait3A] : memref<10240x128xf32, #tpu.memory_space<vmem_shared>> -> memref<128x128xf32, #tpu.memory_space<vmem_shared>>
      %dma_wait3A_40 = arith.constant 0 : i32
      %dma_wait3A_41 = tpu.memref_slice %arg10[%add3A_23, %dma_wait3A_40] : memref<10240x128xf32, #tpu.memory_space<vmem_shared>> -> memref<128x128xf32, #tpu.memory_space<vmem_shared>>
      tpu.wait_dma2 semaphore(%run_scoped3A : memref<!tpu.dma_semaphore, #tpu.memory_space<semaphore_mem>>) src(%arg8 : memref<128x128xf32, #tpu.memory_space<vmem>>) dst(%dma_wait3A_41 : memref<128x128xf32, #tpu.memory_space<vmem_shared>>)
      tpu.yield
    }) : () -> ()
    %barrier3A = arith.constant 0 : index
    tpu.barrier barrier_id(%barrier3A)
    %eq3A = arith.constant 0 : i32
    %eq3A_24 = arith.cmpi eq, %arg0, %eq3A : i32
    %convert_element_type3A = arith.extui %eq3A_24 : i1 to i32
    %cond3A = arith.constant 0 : i32
    %cond3A_25 = arith.cmpi ne, %convert_element_type3A, %cond3A : i32
    scf.if %cond3A_25 {
      %mul3A_36 = arith.constant 152 : i32
      %mul3A_37 = arith.muli %arg1, %mul3A_36 : i32
      %add3A_38 = arith.constant 0 : i32
      %add3A_39 = arith.addi %mul3A_37, %add3A_38 : i32
      "tpu.region"() ({
        %run_scoped3A = tpu.sem_alloc : memref<!tpu.dma_semaphore, #tpu.memory_space<semaphore_mem>>
        %dma_start3A_109 = arith.constant 0 : i32
        %dma_start3A_110 = arith.constant 0 : i32
        %dma_start3A_111 = tpu.memref_slice %arg6[%dma_start3A_109, %dma_start3A_110] : memref<56x128xi32, #tpu.memory_space<vmem>> -> memref<56x128xi32, #tpu.memory_space<vmem>>
        %dma_start3A_112 = arith.constant 0 : i32
        %dma_start3A_113 = tpu.memref_slice %arg3[%add3A_39, %dma_start3A_112] : memref<2560x128xi32, #tpu.memory_space<hbm>> -> memref<56x128xi32, #tpu.memory_space<hbm>>
        %dma_start3A_114 = arith.constant 0 : i32
        %dma_start3A_115 = arith.constant 0 : i32
        %dma_start3A_116 = tpu.memref_slice %arg6[%dma_start3A_114, %dma_start3A_115] : memref<56x128xi32, #tpu.memory_space<vmem>> -> memref<56x128xi32, #tpu.memory_space<vmem>>
        %dma_start3A_117 = arith.constant 0 : i32
        %dma_start3A_118 = tpu.memref_slice %arg3[%add3A_39, %dma_start3A_117] : memref<2560x128xi32, #tpu.memory_space<hbm>> -> memref<56x128xi32, #tpu.memory_space<hbm>>
        tpu.enqueue_dma source(%dma_start3A_118 : memref<56x128xi32, #tpu.memory_space<hbm>>) target(%dma_start3A_116 : memref<56x128xi32, #tpu.memory_space<vmem>>) target_semaphore(%run_scoped3A : memref<!tpu.dma_semaphore, #tpu.memory_space<semaphore_mem>>)
        %dma_wait3A = arith.constant 0 : i32
        %dma_wait3A_119 = arith.constant 0 : i32
        %dma_wait3A_120 = tpu.memref_slice %arg6[%dma_wait3A, %dma_wait3A_119] : memref<56x128xi32, #tpu.memory_space<vmem>> -> memref<56x128xi32, #tpu.memory_space<vmem>>
        %dma_wait3A_121 = arith.constant 0 : i32
        %dma_wait3A_122 = tpu.memref_slice %arg3[%add3A_39, %dma_wait3A_121] : memref<2560x128xi32, #tpu.memory_space<hbm>> -> memref<56x128xi32, #tpu.memory_space<hbm>>
        %dma_wait3A_123 = arith.constant 0 : i32
        %dma_wait3A_124 = arith.constant 0 : i32
        %dma_wait3A_125 = tpu.memref_slice %arg6[%dma_wait3A_123, %dma_wait3A_124] : memref<56x128xi32, #tpu.memory_space<vmem>> -> memref<56x128xi32, #tpu.memory_space<vmem>>
        %dma_wait3A_126 = arith.constant 0 : i32
        %dma_wait3A_127 = tpu.memref_slice %arg3[%add3A_39, %dma_wait3A_126] : memref<2560x128xi32, #tpu.memory_space<hbm>> -> memref<56x128xi32, #tpu.memory_space<hbm>>
        tpu.wait_dma2 semaphore(%run_scoped3A : memref<!tpu.dma_semaphore, #tpu.memory_space<semaphore_mem>>) src(%dma_wait3A_127 : memref<56x128xi32, #tpu.memory_space<hbm>>) dst(%dma_wait3A_125 : memref<56x128xi32, #tpu.memory_space<vmem>>)
        tpu.yield
      }) : () -> ()
      %add3A_40 = arith.constant 0 : i32
      %add3A_41 = arith.addi %mul3A_37, %add3A_40 : i32
      "tpu.region"() ({
        %run_scoped3A = tpu.sem_alloc : memref<!tpu.dma_semaphore, #tpu.memory_space<semaphore_mem>>
        %dma_start3A_109 = arith.constant 0 : i32
        %dma_start3A_110 = arith.constant 0 : i32
        %dma_start3A_111 = tpu.memref_slice %arg7[%dma_start3A_109, %dma_start3A_110] : memref<56x128xi32, #tpu.memory_space<vmem>> -> memref<56x128xi32, #tpu.memory_space<vmem>>
        %dma_start3A_112 = arith.constant 0 : i32
        %dma_start3A_113 = tpu.memref_slice %arg4[%add3A_41, %dma_start3A_112] : memref<2560x128xi32, #tpu.memory_space<hbm>> -> memref<56x128xi32, #tpu.memory_space<hbm>>
        %dma_start3A_114 = arith.constant 0 : i32
        %dma_start3A_115 = arith.constant 0 : i32
        %dma_start3A_116 = tpu.memref_slice %arg7[%dma_start3A_114, %dma_start3A_115] : memref<56x128xi32, #tpu.memory_space<vmem>> -> memref<56x128xi32, #tpu.memory_space<vmem>>
        %dma_start3A_117 = arith.constant 0 : i32
        %dma_start3A_118 = tpu.memref_slice %arg4[%add3A_41, %dma_start3A_117] : memref<2560x128xi32, #tpu.memory_space<hbm>> -> memref<56x128xi32, #tpu.memory_space<hbm>>
        tpu.enqueue_dma source(%dma_start3A_118 : memref<56x128xi32, #tpu.memory_space<hbm>>) target(%dma_start3A_116 : memref<56x128xi32, #tpu.memory_space<vmem>>) target_semaphore(%run_scoped3A : memref<!tpu.dma_semaphore, #tpu.memory_space<semaphore_mem>>)
        %dma_wait3A = arith.constant 0 : i32
        %dma_wait3A_119 = arith.constant 0 : i32
        %dma_wait3A_120 = tpu.memref_slice %arg7[%dma_wait3A, %dma_wait3A_119] : memref<56x128xi32, #tpu.memory_space<vmem>> -> memref<56x128xi32, #tpu.memory_space<vmem>>
        %dma_wait3A_121 = arith.constant 0 : i32
        %dma_wait3A_122 = tpu.memref_slice %arg4[%add3A_41, %dma_wait3A_121] : memref<2560x128xi32, #tpu.memory_space<hbm>> -> memref<56x128xi32, #tpu.memory_space<hbm>>
        %dma_wait3A_123 = arith.constant 0 : i32
        %dma_wait3A_124 = arith.constant 0 : i32
        %dma_wait3A_125 = tpu.memref_slice %arg7[%dma_wait3A_123, %dma_wait3A_124] : memref<56x128xi32, #tpu.memory_space<vmem>> -> memref<56x128xi32, #tpu.memory_space<vmem>>
        %dma_wait3A_126 = arith.constant 0 : i32
        %dma_wait3A_127 = tpu.memref_slice %arg4[%add3A_41, %dma_wait3A_126] : memref<2560x128xi32, #tpu.memory_space<hbm>> -> memref<56x128xi32, #tpu.memory_space<hbm>>
        tpu.wait_dma2 semaphore(%run_scoped3A : memref<!tpu.dma_semaphore, #tpu.memory_space<semaphore_mem>>) src(%dma_wait3A_127 : memref<56x128xi32, #tpu.memory_space<hbm>>) dst(%dma_wait3A_125 : memref<56x128xi32, #tpu.memory_space<vmem>>)
        tpu.yield
      }) : () -> ()
      %dma_start3A = arith.constant 0 : i32
      %dma_start3A_42 = arith.constant 0 : i32
      %dma_start3A_43 = tpu.memref_slice %arg6[%dma_start3A, %dma_start3A_42] : memref<56x128xi32, #tpu.memory_space<vmem>> -> memref<1x128xi32, #tpu.memory_space<vmem>>
      %dma_start3A_44 = tpu.memref_squeeze %dma_start3A_43 : memref<1x128xi32, #tpu.memory_space<vmem>> -> memref<128xi32, #tpu.memory_space<vmem>>
      %dma_start3A_45 = arith.constant 0 : i32
      %dma_start3A_46 = arith.constant 0 : i32
      %dma_start3A_47 = tpu.memref_slice %arg2[%dma_start3A_45, %dma_start3A_46] : memref<10240x128xf32, #tpu.memory_space<hbm>> -> memref<10240x128xf32, #tpu.memory_space<hbm>>
      tpu.enqueue_indirect_dma source(%dma_start3A_47 : memref<10240x128xf32, #tpu.memory_space<hbm>>) target(%arg8 : memref<128x128xf32, #tpu.memory_space<vmem>>) offsets(%dma_start3A_44 : memref<128xi32, #tpu.memory_space<vmem>>) semaphore(%arg11 : memref<!tpu.dma_semaphore, #tpu.memory_space<semaphore_mem>>)
      %dma_start3A_48 = arith.constant 1 : i32
      %dma_start3A_49 = arith.constant 0 : i32
      %dma_start3A_50 = tpu.memref_slice %arg6[%dma_start3A_48, %dma_start3A_49] : memref<56x128xi32, #tpu.memory_space<vmem>> -> memref<1x128xi32, #tpu.memory_space<vmem>>
      %dma_start3A_51 = tpu.memref_squeeze %dma_start3A_50 : memref<1x128xi32, #tpu.memory_space<vmem>> -> memref<128xi32, #tpu.memory_space<vmem>>
      %dma_start3A_52 = arith.constant 0 : i32
      %dma_start3A_53 = arith.constant 0 : i32
      %dma_start3A_54 = tpu.memref_slice %arg2[%dma_start3A_52, %dma_start3A_53] : memref<10240x128xf32, #tpu.memory_space<hbm>> -> memref<10240x128xf32, #tpu.memory_space<hbm>>
      tpu.enqueue_indirect_dma source(%dma_start3A_54 : memref<10240x128xf32, #tpu.memory_space<hbm>>) target(%arg9 : memref<128x128xf32, #tpu.memory_space<vmem>>) offsets(%dma_start3A_51 : memref<128xi32, #tpu.memory_space<vmem>>) semaphore(%arg12 : memref<!tpu.dma_semaphore, #tpu.memory_space<semaphore_mem>>)
      %scan3A_55 = arith.constant 0 : i32
      %scan3A_56 = arith.constant 0 : i32
      %scan3A_57 = arith.constant 28 : i32
      %scan3A_58 = arith.addi %scan3A_56, %scan3A_57 : i32
      %scan3A_59 = arith.constant 1 : i32
      scf.for %scan3A_109 = %scan3A_56 to %scan3A_58 step %scan3A_59  : i32 {
        %mul3A_110 = arith.constant 2 : i32
        %mul3A_111 = arith.muli %scan3A_109, %mul3A_110 : i32
        %add3A_112 = arith.constant 0 : i32
        %add3A_113 = arith.addi %mul3A_111, %add3A_112 : i32
        %dma_wait3A = arith.constant 0 : i32
        %dma_wait3A_114 = tpu.memref_slice %arg6[%add3A_113, %dma_wait3A] : memref<56x128xi32, #tpu.memory_space<vmem>> -> memref<1x128xi32, #tpu.memory_space<vmem>>
        %dma_wait3A_115 = tpu.memref_squeeze %dma_wait3A_114 : memref<1x128xi32, #tpu.memory_space<vmem>> -> memref<128xi32, #tpu.memory_space<vmem>>
        %dma_wait3A_116 = arith.constant 0 : i32
        %dma_wait3A_117 = arith.constant 0 : i32
        %dma_wait3A_118 = tpu.memref_slice %arg2[%dma_wait3A_116, %dma_wait3A_117] : memref<10240x128xf32, #tpu.memory_space<hbm>> -> memref<10240x128xf32, #tpu.memory_space<hbm>>
        tpu.wait_indirect_dma semaphore(%arg11 : memref<!tpu.dma_semaphore, #tpu.memory_space<semaphore_mem>>) src(%dma_wait3A_118 : memref<10240x128xf32, #tpu.memory_space<hbm>>) dst(%arg8 : memref<128x128xf32, #tpu.memory_space<vmem>>)
        %add3A_119 = arith.constant 0 : i32
        %add3A_120 = arith.addi %mul3A_111, %add3A_119 : i32
        "tpu.region"() ({
          %run_scoped3A = tpu.sem_alloc : memref<!tpu.dma_semaphore, #tpu.memory_space<semaphore_mem>>
          %dma_start3A_148 = arith.constant 0 : i32
          %dma_start3A_149 = tpu.memref_slice %arg7[%add3A_120, %dma_start3A_148] : memref<56x128xi32, #tpu.memory_space<vmem>> -> memref<1x128xi32, #tpu.memory_space<vmem>>
          %dma_start3A_150 = tpu.memref_squeeze %dma_start3A_149 : memref<1x128xi32, #tpu.memory_space<vmem>> -> memref<128xi32, #tpu.memory_space<vmem>>
          %dma_start3A_151 = arith.constant 0 : i32
          %dma_start3A_152 = arith.constant 0 : i32
          %dma_start3A_153 = tpu.memref_slice %arg10[%dma_start3A_151, %dma_start3A_152] : memref<10240x128xf32, #tpu.memory_space<vmem_shared>> -> memref<10240x128xf32, #tpu.memory_space<vmem_shared>>
          tpu.enqueue_indirect_dma source(%arg8 : memref<128x128xf32, #tpu.memory_space<vmem>>) target(%dma_start3A_153 : memref<10240x128xf32, #tpu.memory_space<vmem_shared>>) offsets(%dma_start3A_150 : memref<128xi32, #tpu.memory_space<vmem>>) semaphore(%run_scoped3A : memref<!tpu.dma_semaphore, #tpu.memory_space<semaphore_mem>>) {add = true}
          %dma_wait3A_154 = arith.constant 0 : i32
          %dma_wait3A_155 = tpu.memref_slice %arg7[%add3A_120, %dma_wait3A_154] : memref<56x128xi32, #tpu.memory_space<vmem>> -> memref<1x128xi32, #tpu.memory_space<vmem>>
          %dma_wait3A_156 = tpu.memref_squeeze %dma_wait3A_155 : memref<1x128xi32, #tpu.memory_space<vmem>> -> memref<128xi32, #tpu.memory_space<vmem>>
          %dma_wait3A_157 = arith.constant 0 : i32
          %dma_wait3A_158 = arith.constant 0 : i32
          %dma_wait3A_159 = tpu.memref_slice %arg10[%dma_wait3A_157, %dma_wait3A_158] : memref<10240x128xf32, #tpu.memory_space<vmem_shared>> -> memref<10240x128xf32, #tpu.memory_space<vmem_shared>>
          tpu.wait_indirect_dma semaphore(%run_scoped3A : memref<!tpu.dma_semaphore, #tpu.memory_space<semaphore_mem>>) src(%arg8 : memref<128x128xf32, #tpu.memory_space<vmem>>) dst(%dma_wait3A_159 : memref<10240x128xf32, #tpu.memory_space<vmem_shared>>)
          tpu.yield
        }) : () -> ()
        %add3A_121 = arith.constant 0 : i32
        %add3A_122 = arith.addi %mul3A_111, %add3A_121 : i32
        %add3A_123 = arith.constant 2 : i32
        %add3A_124 = arith.addi %add3A_122, %add3A_123 : i32
        %lt3A = arith.constant 56 : i32
        %lt3A_125 = arith.cmpi slt, %add3A_124, %lt3A : i32
        %convert_element_type3A_126 = arith.extui %lt3A_125 : i1 to i32
        %cond3A_127 = arith.constant 0 : i32
        %cond3A_128 = arith.cmpi ne, %convert_element_type3A_126, %cond3A_127 : i32
        scf.if %cond3A_128 {
          %add3A_148 = arith.constant 0 : i32
          %add3A_149 = arith.addi %mul3A_111, %add3A_148 : i32
          %add3A_150 = arith.constant 2 : i32
          %add3A_151 = arith.addi %add3A_149, %add3A_150 : i32
          %dma_start3A_152 = arith.constant 0 : i32
          %dma_start3A_153 = tpu.memref_slice %arg6[%add3A_151, %dma_start3A_152] : memref<56x128xi32, #tpu.memory_space<vmem>> -> memref<1x128xi32, #tpu.memory_space<vmem>>
          %dma_start3A_154 = tpu.memref_squeeze %dma_start3A_153 : memref<1x128xi32, #tpu.memory_space<vmem>> -> memref<128xi32, #tpu.memory_space<vmem>>
          %dma_start3A_155 = arith.constant 0 : i32
          %dma_start3A_156 = arith.constant 0 : i32
          %dma_start3A_157 = tpu.memref_slice %arg2[%dma_start3A_155, %dma_start3A_156] : memref<10240x128xf32, #tpu.memory_space<hbm>> -> memref<10240x128xf32, #tpu.memory_space<hbm>>
          tpu.enqueue_indirect_dma source(%dma_start3A_157 : memref<10240x128xf32, #tpu.memory_space<hbm>>) target(%arg8 : memref<128x128xf32, #tpu.memory_space<vmem>>) offsets(%dma_start3A_154 : memref<128xi32, #tpu.memory_space<vmem>>) semaphore(%arg11 : memref<!tpu.dma_semaphore, #tpu.memory_space<semaphore_mem>>)
        } else {
        }
        %add3A_129 = arith.constant 1 : i32
        %add3A_130 = arith.addi %mul3A_111, %add3A_129 : i32
        %dma_wait3A_131 = arith.constant 0 : i32
        %dma_wait3A_132 = tpu.memref_slice %arg6[%add3A_130, %dma_wait3A_131] : memref<56x128xi32, #tpu.memory_space<vmem>> -> memref<1x128xi32, #tpu.memory_space<vmem>>
        %dma_wait3A_133 = tpu.memref_squeeze %dma_wait3A_132 : memref<1x128xi32, #tpu.memory_space<vmem>> -> memref<128xi32, #tpu.memory_space<vmem>>
        %dma_wait3A_134 = arith.constant 0 : i32
        %dma_wait3A_135 = arith.constant 0 : i32
        %dma_wait3A_136 = tpu.memref_slice %arg2[%dma_wait3A_134, %dma_wait3A_135] : memref<10240x128xf32, #tpu.memory_space<hbm>> -> memref<10240x128xf32, #tpu.memory_space<hbm>>
        tpu.wait_indirect_dma semaphore(%arg12 : memref<!tpu.dma_semaphore, #tpu.memory_space<semaphore_mem>>) src(%dma_wait3A_136 : memref<10240x128xf32, #tpu.memory_space<hbm>>) dst(%arg9 : memref<128x128xf32, #tpu.memory_space<vmem>>)
        %add3A_137 = arith.constant 1 : i32
        %add3A_138 = arith.addi %mul3A_111, %add3A_137 : i32
        "tpu.region"() ({
          %run_scoped3A = tpu.sem_alloc : memref<!tpu.dma_semaphore, #tpu.memory_space<semaphore_mem>>
          %dma_start3A_148 = arith.constant 0 : i32
          %dma_start3A_149 = tpu.memref_slice %arg7[%add3A_138, %dma_start3A_148] : memref<56x128xi32, #tpu.memory_space<vmem>> -> memref<1x128xi32, #tpu.memory_space<vmem>>
          %dma_start3A_150 = tpu.memref_squeeze %dma_start3A_149 : memref<1x128xi32, #tpu.memory_space<vmem>> -> memref<128xi32, #tpu.memory_space<vmem>>
          %dma_start3A_151 = arith.constant 0 : i32
          %dma_start3A_152 = arith.constant 0 : i32
          %dma_start3A_153 = tpu.memref_slice %arg10[%dma_start3A_151, %dma_start3A_152] : memref<10240x128xf32, #tpu.memory_space<vmem_shared>> -> memref<10240x128xf32, #tpu.memory_space<vmem_shared>>
          tpu.enqueue_indirect_dma source(%arg9 : memref<128x128xf32, #tpu.memory_space<vmem>>) target(%dma_start3A_153 : memref<10240x128xf32, #tpu.memory_space<vmem_shared>>) offsets(%dma_start3A_150 : memref<128xi32, #tpu.memory_space<vmem>>) semaphore(%run_scoped3A : memref<!tpu.dma_semaphore, #tpu.memory_space<semaphore_mem>>) {add = true}
          %dma_wait3A_154 = arith.constant 0 : i32
          %dma_wait3A_155 = tpu.memref_slice %arg7[%add3A_138, %dma_wait3A_154] : memref<56x128xi32, #tpu.memory_space<vmem>> -> memref<1x128xi32, #tpu.memory_space<vmem>>
          %dma_wait3A_156 = tpu.memref_squeeze %dma_wait3A_155 : memref<1x128xi32, #tpu.memory_space<vmem>> -> memref<128xi32, #tpu.memory_space<vmem>>
          %dma_wait3A_157 = arith.constant 0 : i32
          %dma_wait3A_158 = arith.constant 0 : i32
          %dma_wait3A_159 = tpu.memref_slice %arg10[%dma_wait3A_157, %dma_wait3A_158] : memref<10240x128xf32, #tpu.memory_space<vmem_shared>> -> memref<10240x128xf32, #tpu.memory_space<vmem_shared>>
          tpu.wait_indirect_dma semaphore(%run_scoped3A : memref<!tpu.dma_semaphore, #tpu.memory_space<semaphore_mem>>) src(%arg9 : memref<128x128xf32, #tpu.memory_space<vmem>>) dst(%dma_wait3A_159 : memref<10240x128xf32, #tpu.memory_space<vmem_shared>>)
          tpu.yield
        }) : () -> ()
        %add3A_139 = arith.constant 1 : i32
        %add3A_140 = arith.addi %mul3A_111, %add3A_139 : i32
        %add3A_141 = arith.constant 2 : i32
        %add3A_142 = arith.addi %add3A_140, %add3A_141 : i32
        %lt3A_143 = arith.constant 56 : i32
        %lt3A_144 = arith.cmpi slt, %add3A_142, %lt3A_143 : i32
        %convert_element_type3A_145 = arith.extui %lt3A_144 : i1 to i32
        %cond3A_146 = arith.constant 0 : i32
        %cond3A_147 = arith.cmpi ne, %convert_element_type3A_145, %cond3A_146 : i32
        scf.if %cond3A_147 {
          %add3A_148 = arith.constant 1 : i32
          %add3A_149 = arith.addi %mul3A_111, %add3A_148 : i32
          %add3A_150 = arith.constant 2 : i32
          %add3A_151 = arith.addi %add3A_149, %add3A_150 : i32
          %dma_start3A_152 = arith.constant 0 : i32
          %dma_start3A_153 = tpu.memref_slice %arg6[%add3A_151, %dma_start3A_152] : memref<56x128xi32, #tpu.memory_space<vmem>> -> memref<1x128xi32, #tpu.memory_space<vmem>>
          %dma_start3A_154 = tpu.memref_squeeze %dma_start3A_153 : memref<1x128xi32, #tpu.memory_space<vmem>> -> memref<128xi32, #tpu.memory_space<vmem>>
          %dma_start3A_155 = arith.constant 0 : i32
          %dma_start3A_156 = arith.constant 0 : i32
          %dma_start3A_157 = tpu.memref_slice %arg2[%dma_start3A_155, %dma_start3A_156] : memref<10240x128xf32, #tpu.memory_space<hbm>> -> memref<10240x128xf32, #tpu.memory_space<hbm>>
          tpu.enqueue_indirect_dma source(%dma_start3A_157 : memref<10240x128xf32, #tpu.memory_space<hbm>>) target(%arg9 : memref<128x128xf32, #tpu.memory_space<vmem>>) offsets(%dma_start3A_154 : memref<128xi32, #tpu.memory_space<vmem>>) semaphore(%arg12 : memref<!tpu.dma_semaphore, #tpu.memory_space<semaphore_mem>>)
        } else {
        }
      }
      %scan3A_60 = arith.constant 28 : i32
      %add3A_61 = arith.constant 56 : i32
      %add3A_62 = arith.addi %mul3A_37, %add3A_61 : i32
      "tpu.region"() ({
        %run_scoped3A = tpu.sem_alloc : memref<!tpu.dma_semaphore, #tpu.memory_space<semaphore_mem>>
        %dma_start3A_109 = arith.constant 0 : i32
        %dma_start3A_110 = arith.constant 0 : i32
        %dma_start3A_111 = tpu.memref_slice %arg6[%dma_start3A_109, %dma_start3A_110] : memref<56x128xi32, #tpu.memory_space<vmem>> -> memref<56x128xi32, #tpu.memory_space<vmem>>
        %dma_start3A_112 = arith.constant 0 : i32
        %dma_start3A_113 = tpu.memref_slice %arg3[%add3A_62, %dma_start3A_112] : memref<2560x128xi32, #tpu.memory_space<hbm>> -> memref<56x128xi32, #tpu.memory_space<hbm>>
        %dma_start3A_114 = arith.constant 0 : i32
        %dma_start3A_115 = arith.constant 0 : i32
        %dma_start3A_116 = tpu.memref_slice %arg6[%dma_start3A_114, %dma_start3A_115] : memref<56x128xi32, #tpu.memory_space<vmem>> -> memref<56x128xi32, #tpu.memory_space<vmem>>
        %dma_start3A_117 = arith.constant 0 : i32
        %dma_start3A_118 = tpu.memref_slice %arg3[%add3A_62, %dma_start3A_117] : memref<2560x128xi32, #tpu.memory_space<hbm>> -> memref<56x128xi32, #tpu.memory_space<hbm>>
        tpu.enqueue_dma source(%dma_start3A_118 : memref<56x128xi32, #tpu.memory_space<hbm>>) target(%dma_start3A_116 : memref<56x128xi32, #tpu.memory_space<vmem>>) target_semaphore(%run_scoped3A : memref<!tpu.dma_semaphore, #tpu.memory_space<semaphore_mem>>)
        %dma_wait3A = arith.constant 0 : i32
        %dma_wait3A_119 = arith.constant 0 : i32
        %dma_wait3A_120 = tpu.memref_slice %arg6[%dma_wait3A, %dma_wait3A_119] : memref<56x128xi32, #tpu.memory_space<vmem>> -> memref<56x128xi32, #tpu.memory_space<vmem>>
        %dma_wait3A_121 = arith.constant 0 : i32
        %dma_wait3A_122 = tpu.memref_slice %arg3[%add3A_62, %dma_wait3A_121] : memref<2560x128xi32, #tpu.memory_space<hbm>> -> memref<56x128xi32, #tpu.memory_space<hbm>>
        %dma_wait3A_123 = arith.constant 0 : i32
        %dma_wait3A_124 = arith.constant 0 : i32
        %dma_wait3A_125 = tpu.memref_slice %arg6[%dma_wait3A_123, %dma_wait3A_124] : memref<56x128xi32, #tpu.memory_space<vmem>> -> memref<56x128xi32, #tpu.memory_space<vmem>>
        %dma_wait3A_126 = arith.constant 0 : i32
        %dma_wait3A_127 = tpu.memref_slice %arg3[%add3A_62, %dma_wait3A_126] : memref<2560x128xi32, #tpu.memory_space<hbm>> -> memref<56x128xi32, #tpu.memory_space<hbm>>
        tpu.wait_dma2 semaphore(%run_scoped3A : memref<!tpu.dma_semaphore, #tpu.memory_space<semaphore_mem>>) src(%dma_wait3A_127 : memref<56x128xi32, #tpu.memory_space<hbm>>) dst(%dma_wait3A_125 : memref<56x128xi32, #tpu.memory_space<vmem>>)
        tpu.yield
      }) : () -> ()
      %add3A_63 = arith.constant 56 : i32
      %add3A_64 = arith.addi %mul3A_37, %add3A_63 : i32
      "tpu.region"() ({
        %run_scoped3A = tpu.sem_alloc : memref<!tpu.dma_semaphore, #tpu.memory_space<semaphore_mem>>
        %dma_start3A_109 = arith.constant 0 : i32
        %dma_start3A_110 = arith.constant 0 : i32
        %dma_start3A_111 = tpu.memref_slice %arg7[%dma_start3A_109, %dma_start3A_110] : memref<56x128xi32, #tpu.memory_space<vmem>> -> memref<56x128xi32, #tpu.memory_space<vmem>>
        %dma_start3A_112 = arith.constant 0 : i32
        %dma_start3A_113 = tpu.memref_slice %arg4[%add3A_64, %dma_start3A_112] : memref<2560x128xi32, #tpu.memory_space<hbm>> -> memref<56x128xi32, #tpu.memory_space<hbm>>
        %dma_start3A_114 = arith.constant 0 : i32
        %dma_start3A_115 = arith.constant 0 : i32
        %dma_start3A_116 = tpu.memref_slice %arg7[%dma_start3A_114, %dma_start3A_115] : memref<56x128xi32, #tpu.memory_space<vmem>> -> memref<56x128xi32, #tpu.memory_space<vmem>>
        %dma_start3A_117 = arith.constant 0 : i32
        %dma_start3A_118 = tpu.memref_slice %arg4[%add3A_64, %dma_start3A_117] : memref<2560x128xi32, #tpu.memory_space<hbm>> -> memref<56x128xi32, #tpu.memory_space<hbm>>
        tpu.enqueue_dma source(%dma_start3A_118 : memref<56x128xi32, #tpu.memory_space<hbm>>) target(%dma_start3A_116 : memref<56x128xi32, #tpu.memory_space<vmem>>) target_semaphore(%run_scoped3A : memref<!tpu.dma_semaphore, #tpu.memory_space<semaphore_mem>>)
        %dma_wait3A = arith.constant 0 : i32
        %dma_wait3A_119 = arith.constant 0 : i32
        %dma_wait3A_120 = tpu.memref_slice %arg7[%dma_wait3A, %dma_wait3A_119] : memref<56x128xi32, #tpu.memory_space<vmem>> -> memref<56x128xi32, #tpu.memory_space<vmem>>
        %dma_wait3A_121 = arith.constant 0 : i32
        %dma_wait3A_122 = tpu.memref_slice %arg4[%add3A_64, %dma_wait3A_121] : memref<2560x128xi32, #tpu.memory_space<hbm>> -> memref<56x128xi32, #tpu.memory_space<hbm>>
        %dma_wait3A_123 = arith.constant 0 : i32
        %dma_wait3A_124 = arith.constant 0 : i32
        %dma_wait3A_125 = tpu.memref_slice %arg7[%dma_wait3A_123, %dma_wait3A_124] : memref<56x128xi32, #tpu.memory_space<vmem>> -> memref<56x128xi32, #tpu.memory_space<vmem>>
        %dma_wait3A_126 = arith.constant 0 : i32
        %dma_wait3A_127 = tpu.memref_slice %arg4[%add3A_64, %dma_wait3A_126] : memref<2560x128xi32, #tpu.memory_space<hbm>> -> memref<56x128xi32, #tpu.memory_space<hbm>>
        tpu.wait_dma2 semaphore(%run_scoped3A : memref<!tpu.dma_semaphore, #tpu.memory_space<semaphore_mem>>) src(%dma_wait3A_127 : memref<56x128xi32, #tpu.memory_space<hbm>>) dst(%dma_wait3A_125 : memref<56x128xi32, #tpu.memory_space<vmem>>)
        tpu.yield
      }) : () -> ()
      %dma_start3A_65 = arith.constant 0 : i32
      %dma_start3A_66 = arith.constant 0 : i32
      %dma_start3A_67 = tpu.memref_slice %arg6[%dma_start3A_65, %dma_start3A_66] : memref<56x128xi32, #tpu.memory_space<vmem>> -> memref<1x128xi32, #tpu.memory_space<vmem>>
      %dma_start3A_68 = tpu.memref_squeeze %dma_start3A_67 : memref<1x128xi32, #tpu.memory_space<vmem>> -> memref<128xi32, #tpu.memory_space<vmem>>
      %dma_start3A_69 = arith.constant 0 : i32
      %dma_start3A_70 = arith.constant 0 : i32
      %dma_start3A_71 = tpu.memref_slice %arg2[%dma_start3A_69, %dma_start3A_70] : memref<10240x128xf32, #tpu.memory_space<hbm>> -> memref<10240x128xf32, #tpu.memory_space<hbm>>
      tpu.enqueue_indirect_dma source(%dma_start3A_71 : memref<10240x128xf32, #tpu.memory_space<hbm>>) target(%arg8 : memref<128x128xf32, #tpu.memory_space<vmem>>) offsets(%dma_start3A_68 : memref<128xi32, #tpu.memory_space<vmem>>) semaphore(%arg11 : memref<!tpu.dma_semaphore, #tpu.memory_space<semaphore_mem>>)
      %dma_start3A_72 = arith.constant 1 : i32
      %dma_start3A_73 = arith.constant 0 : i32
      %dma_start3A_74 = tpu.memref_slice %arg6[%dma_start3A_72, %dma_start3A_73] : memref<56x128xi32, #tpu.memory_space<vmem>> -> memref<1x128xi32, #tpu.memory_space<vmem>>
      %dma_start3A_75 = tpu.memref_squeeze %dma_start3A_74 : memref<1x128xi32, #tpu.memory_space<vmem>> -> memref<128xi32, #tpu.memory_space<vmem>>
      %dma_start3A_76 = arith.constant 0 : i32
      %dma_start3A_77 = arith.constant 0 : i32
      %dma_start3A_78 = tpu.memref_slice %arg2[%dma_start3A_76, %dma_start3A_77] : memref<10240x128xf32, #tpu.memory_space<hbm>> -> memref<10240x128xf32, #tpu.memory_space<hbm>>
      tpu.enqueue_indirect_dma source(%dma_start3A_78 : memref<10240x128xf32, #tpu.memory_space<hbm>>) target(%arg9 : memref<128x128xf32, #tpu.memory_space<vmem>>) offsets(%dma_start3A_75 : memref<128xi32, #tpu.memory_space<vmem>>) semaphore(%arg12 : memref<!tpu.dma_semaphore, #tpu.memory_space<semaphore_mem>>)
      %scan3A_79 = arith.constant 0 : i32
      %scan3A_80 = arith.constant 0 : i32
      %scan3A_81 = arith.constant 28 : i32
      %scan3A_82 = arith.addi %scan3A_80, %scan3A_81 : i32
      %scan3A_83 = arith.constant 1 : i32
      scf.for %scan3A_109 = %scan3A_80 to %scan3A_82 step %scan3A_83  : i32 {
        %mul3A_110 = arith.constant 2 : i32
        %mul3A_111 = arith.muli %scan3A_109, %mul3A_110 : i32
        %add3A_112 = arith.constant 0 : i32
        %add3A_113 = arith.addi %mul3A_111, %add3A_112 : i32
        %dma_wait3A = arith.constant 0 : i32
        %dma_wait3A_114 = tpu.memref_slice %arg6[%add3A_113, %dma_wait3A] : memref<56x128xi32, #tpu.memory_space<vmem>> -> memref<1x128xi32, #tpu.memory_space<vmem>>
        %dma_wait3A_115 = tpu.memref_squeeze %dma_wait3A_114 : memref<1x128xi32, #tpu.memory_space<vmem>> -> memref<128xi32, #tpu.memory_space<vmem>>
        %dma_wait3A_116 = arith.constant 0 : i32
        %dma_wait3A_117 = arith.constant 0 : i32
        %dma_wait3A_118 = tpu.memref_slice %arg2[%dma_wait3A_116, %dma_wait3A_117] : memref<10240x128xf32, #tpu.memory_space<hbm>> -> memref<10240x128xf32, #tpu.memory_space<hbm>>
        tpu.wait_indirect_dma semaphore(%arg11 : memref<!tpu.dma_semaphore, #tpu.memory_space<semaphore_mem>>) src(%dma_wait3A_118 : memref<10240x128xf32, #tpu.memory_space<hbm>>) dst(%arg8 : memref<128x128xf32, #tpu.memory_space<vmem>>)
        %add3A_119 = arith.constant 0 : i32
        %add3A_120 = arith.addi %mul3A_111, %add3A_119 : i32
        "tpu.region"() ({
          %run_scoped3A = tpu.sem_alloc : memref<!tpu.dma_semaphore, #tpu.memory_space<semaphore_mem>>
          %dma_start3A_148 = arith.constant 0 : i32
          %dma_start3A_149 = tpu.memref_slice %arg7[%add3A_120, %dma_start3A_148] : memref<56x128xi32, #tpu.memory_space<vmem>> -> memref<1x128xi32, #tpu.memory_space<vmem>>
          %dma_start3A_150 = tpu.memref_squeeze %dma_start3A_149 : memref<1x128xi32, #tpu.memory_space<vmem>> -> memref<128xi32, #tpu.memory_space<vmem>>
          %dma_start3A_151 = arith.constant 0 : i32
          %dma_start3A_152 = arith.constant 0 : i32
          %dma_start3A_153 = tpu.memref_slice %arg10[%dma_start3A_151, %dma_start3A_152] : memref<10240x128xf32, #tpu.memory_space<vmem_shared>> -> memref<10240x128xf32, #tpu.memory_space<vmem_shared>>
          tpu.enqueue_indirect_dma source(%arg8 : memref<128x128xf32, #tpu.memory_space<vmem>>) target(%dma_start3A_153 : memref<10240x128xf32, #tpu.memory_space<vmem_shared>>) offsets(%dma_start3A_150 : memref<128xi32, #tpu.memory_space<vmem>>) semaphore(%run_scoped3A : memref<!tpu.dma_semaphore, #tpu.memory_space<semaphore_mem>>) {add = true}
          %dma_wait3A_154 = arith.constant 0 : i32
          %dma_wait3A_155 = tpu.memref_slice %arg7[%add3A_120, %dma_wait3A_154] : memref<56x128xi32, #tpu.memory_space<vmem>> -> memref<1x128xi32, #tpu.memory_space<vmem>>
          %dma_wait3A_156 = tpu.memref_squeeze %dma_wait3A_155 : memref<1x128xi32, #tpu.memory_space<vmem>> -> memref<128xi32, #tpu.memory_space<vmem>>
          %dma_wait3A_157 = arith.constant 0 : i32
          %dma_wait3A_158 = arith.constant 0 : i32
          %dma_wait3A_159 = tpu.memref_slice %arg10[%dma_wait3A_157, %dma_wait3A_158] : memref<10240x128xf32, #tpu.memory_space<vmem_shared>> -> memref<10240x128xf32, #tpu.memory_space<vmem_shared>>
          tpu.wait_indirect_dma semaphore(%run_scoped3A : memref<!tpu.dma_semaphore, #tpu.memory_space<semaphore_mem>>) src(%arg8 : memref<128x128xf32, #tpu.memory_space<vmem>>) dst(%dma_wait3A_159 : memref<10240x128xf32, #tpu.memory_space<vmem_shared>>)
          tpu.yield
        }) : () -> ()
        %add3A_121 = arith.constant 0 : i32
        %add3A_122 = arith.addi %mul3A_111, %add3A_121 : i32
        %add3A_123 = arith.constant 2 : i32
        %add3A_124 = arith.addi %add3A_122, %add3A_123 : i32
        %lt3A = arith.constant 56 : i32
        %lt3A_125 = arith.cmpi slt, %add3A_124, %lt3A : i32
        %convert_element_type3A_126 = arith.extui %lt3A_125 : i1 to i32
        %cond3A_127 = arith.constant 0 : i32
        %cond3A_128 = arith.cmpi ne, %convert_element_type3A_126, %cond3A_127 : i32
        scf.if %cond3A_128 {
          %add3A_148 = arith.constant 0 : i32
          %add3A_149 = arith.addi %mul3A_111, %add3A_148 : i32
          %add3A_150 = arith.constant 2 : i32
          %add3A_151 = arith.addi %add3A_149, %add3A_150 : i32
          %dma_start3A_152 = arith.constant 0 : i32
          %dma_start3A_153 = tpu.memref_slice %arg6[%add3A_151, %dma_start3A_152] : memref<56x128xi32, #tpu.memory_space<vmem>> -> memref<1x128xi32, #tpu.memory_space<vmem>>
          %dma_start3A_154 = tpu.memref_squeeze %dma_start3A_153 : memref<1x128xi32, #tpu.memory_space<vmem>> -> memref<128xi32, #tpu.memory_space<vmem>>
          %dma_start3A_155 = arith.constant 0 : i32
          %dma_start3A_156 = arith.constant 0 : i32
          %dma_start3A_157 = tpu.memref_slice %arg2[%dma_start3A_155, %dma_start3A_156] : memref<10240x128xf32, #tpu.memory_space<hbm>> -> memref<10240x128xf32, #tpu.memory_space<hbm>>
          tpu.enqueue_indirect_dma source(%dma_start3A_157 : memref<10240x128xf32, #tpu.memory_space<hbm>>) target(%arg8 : memref<128x128xf32, #tpu.memory_space<vmem>>) offsets(%dma_start3A_154 : memref<128xi32, #tpu.memory_space<vmem>>) semaphore(%arg11 : memref<!tpu.dma_semaphore, #tpu.memory_space<semaphore_mem>>)
        } else {
        }
        %add3A_129 = arith.constant 1 : i32
        %add3A_130 = arith.addi %mul3A_111, %add3A_129 : i32
        %dma_wait3A_131 = arith.constant 0 : i32
        %dma_wait3A_132 = tpu.memref_slice %arg6[%add3A_130, %dma_wait3A_131] : memref<56x128xi32, #tpu.memory_space<vmem>> -> memref<1x128xi32, #tpu.memory_space<vmem>>
        %dma_wait3A_133 = tpu.memref_squeeze %dma_wait3A_132 : memref<1x128xi32, #tpu.memory_space<vmem>> -> memref<128xi32, #tpu.memory_space<vmem>>
        %dma_wait3A_134 = arith.constant 0 : i32
        %dma_wait3A_135 = arith.constant 0 : i32
        %dma_wait3A_136 = tpu.memref_slice %arg2[%dma_wait3A_134, %dma_wait3A_135] : memref<10240x128xf32, #tpu.memory_space<hbm>> -> memref<10240x128xf32, #tpu.memory_space<hbm>>
        tpu.wait_indirect_dma semaphore(%arg12 : memref<!tpu.dma_semaphore, #tpu.memory_space<semaphore_mem>>) src(%dma_wait3A_136 : memref<10240x128xf32, #tpu.memory_space<hbm>>) dst(%arg9 : memref<128x128xf32, #tpu.memory_space<vmem>>)
        %add3A_137 = arith.constant 1 : i32
        %add3A_138 = arith.addi %mul3A_111, %add3A_137 : i32
        "tpu.region"() ({
          %run_scoped3A = tpu.sem_alloc : memref<!tpu.dma_semaphore, #tpu.memory_space<semaphore_mem>>
          %dma_start3A_148 = arith.constant 0 : i32
          %dma_start3A_149 = tpu.memref_slice %arg7[%add3A_138, %dma_start3A_148] : memref<56x128xi32, #tpu.memory_space<vmem>> -> memref<1x128xi32, #tpu.memory_space<vmem>>
          %dma_start3A_150 = tpu.memref_squeeze %dma_start3A_149 : memref<1x128xi32, #tpu.memory_space<vmem>> -> memref<128xi32, #tpu.memory_space<vmem>>
          %dma_start3A_151 = arith.constant 0 : i32
          %dma_start3A_152 = arith.constant 0 : i32
          %dma_start3A_153 = tpu.memref_slice %arg10[%dma_start3A_151, %dma_start3A_152] : memref<10240x128xf32, #tpu.memory_space<vmem_shared>> -> memref<10240x128xf32, #tpu.memory_space<vmem_shared>>
          tpu.enqueue_indirect_dma source(%arg9 : memref<128x128xf32, #tpu.memory_space<vmem>>) target(%dma_start3A_153 : memref<10240x128xf32, #tpu.memory_space<vmem_shared>>) offsets(%dma_start3A_150 : memref<128xi32, #tpu.memory_space<vmem>>) semaphore(%run_scoped3A : memref<!tpu.dma_semaphore, #tpu.memory_space<semaphore_mem>>) {add = true}
          %dma_wait3A_154 = arith.constant 0 : i32
          %dma_wait3A_155 = tpu.memref_slice %arg7[%add3A_138, %dma_wait3A_154] : memref<56x128xi32, #tpu.memory_space<vmem>> -> memref<1x128xi32, #tpu.memory_space<vmem>>
          %dma_wait3A_156 = tpu.memref_squeeze %dma_wait3A_155 : memref<1x128xi32, #tpu.memory_space<vmem>> -> memref<128xi32, #tpu.memory_space<vmem>>
          %dma_wait3A_157 = arith.constant 0 : i32
          %dma_wait3A_158 = arith.constant 0 : i32
          %dma_wait3A_159 = tpu.memref_slice %arg10[%dma_wait3A_157, %dma_wait3A_158] : memref<10240x128xf32, #tpu.memory_space<vmem_shared>> -> memref<10240x128xf32, #tpu.memory_space<vmem_shared>>
          tpu.wait_indirect_dma semaphore(%run_scoped3A : memref<!tpu.dma_semaphore, #tpu.memory_space<semaphore_mem>>) src(%arg9 : memref<128x128xf32, #tpu.memory_space<vmem>>) dst(%dma_wait3A_159 : memref<10240x128xf32, #tpu.memory_space<vmem_shared>>)
          tpu.yield
        }) : () -> ()
        %add3A_139 = arith.constant 1 : i32
        %add3A_140 = arith.addi %mul3A_111, %add3A_139 : i32
        %add3A_141 = arith.constant 2 : i32
        %add3A_142 = arith.addi %add3A_140, %add3A_141 : i32
        %lt3A_143 = arith.constant 56 : i32
        %lt3A_144 = arith.cmpi slt, %add3A_142, %lt3A_143 : i32
        %convert_element_type3A_145 = arith.extui %lt3A_144 : i1 to i32
        %cond3A_146 = arith.constant 0 : i32
        %cond3A_147 = arith.cmpi ne, %convert_element_type3A_145, %cond3A_146 : i32
        scf.if %cond3A_147 {
          %add3A_148 = arith.constant 1 : i32
          %add3A_149 = arith.addi %mul3A_111, %add3A_148 : i32
          %add3A_150 = arith.constant 2 : i32
          %add3A_151 = arith.addi %add3A_149, %add3A_150 : i32
          %dma_start3A_152 = arith.constant 0 : i32
          %dma_start3A_153 = tpu.memref_slice %arg6[%add3A_151, %dma_start3A_152] : memref<56x128xi32, #tpu.memory_space<vmem>> -> memref<1x128xi32, #tpu.memory_space<vmem>>
          %dma_start3A_154 = tpu.memref_squeeze %dma_start3A_153 : memref<1x128xi32, #tpu.memory_space<vmem>> -> memref<128xi32, #tpu.memory_space<vmem>>
          %dma_start3A_155 = arith.constant 0 : i32
          %dma_start3A_156 = arith.constant 0 : i32
          %dma_start3A_157 = tpu.memref_slice %arg2[%dma_start3A_155, %dma_start3A_156] : memref<10240x128xf32, #tpu.memory_space<hbm>> -> memref<10240x128xf32, #tpu.memory_space<hbm>>
          tpu.enqueue_indirect_dma source(%dma_start3A_157 : memref<10240x128xf32, #tpu.memory_space<hbm>>) target(%arg9 : memref<128x128xf32, #tpu.memory_space<vmem>>) offsets(%dma_start3A_154 : memref<128xi32, #tpu.memory_space<vmem>>) semaphore(%arg12 : memref<!tpu.dma_semaphore, #tpu.memory_space<semaphore_mem>>)
        } else {
        }
      }
      %scan3A_84 = arith.constant 28 : i32
      %add3A_85 = arith.constant 112 : i32
      %add3A_86 = arith.addi %mul3A_37, %add3A_85 : i32
      "tpu.region"() ({
        %run_scoped3A = tpu.sem_alloc : memref<!tpu.dma_semaphore, #tpu.memory_space<semaphore_mem>>
        %dma_start3A_109 = arith.constant 0 : i32
        %dma_start3A_110 = arith.constant 0 : i32
        %dma_start3A_111 = tpu.memref_slice %arg6[%dma_start3A_109, %dma_start3A_110] : memref<56x128xi32, #tpu.memory_space<vmem>> -> memref<40x128xi32, #tpu.memory_space<vmem>>
        %dma_start3A_112 = arith.constant 0 : i32
        %dma_start3A_113 = tpu.memref_slice %arg3[%add3A_86, %dma_start3A_112] : memref<2560x128xi32, #tpu.memory_space<hbm>> -> memref<40x128xi32, #tpu.memory_space<hbm>>
        %dma_start3A_114 = arith.constant 0 : i32
        %dma_start3A_115 = arith.constant 0 : i32
        %dma_start3A_116 = tpu.memref_slice %arg6[%dma_start3A_114, %dma_start3A_115] : memref<56x128xi32, #tpu.memory_space<vmem>> -> memref<40x128xi32, #tpu.memory_space<vmem>>
        %dma_start3A_117 = arith.constant 0 : i32
        %dma_start3A_118 = tpu.memref_slice %arg3[%add3A_86, %dma_start3A_117] : memref<2560x128xi32, #tpu.memory_space<hbm>> -> memref<40x128xi32, #tpu.memory_space<hbm>>
        tpu.enqueue_dma source(%dma_start3A_118 : memref<40x128xi32, #tpu.memory_space<hbm>>) target(%dma_start3A_116 : memref<40x128xi32, #tpu.memory_space<vmem>>) target_semaphore(%run_scoped3A : memref<!tpu.dma_semaphore, #tpu.memory_space<semaphore_mem>>)
        %dma_wait3A = arith.constant 0 : i32
        %dma_wait3A_119 = arith.constant 0 : i32
        %dma_wait3A_120 = tpu.memref_slice %arg6[%dma_wait3A, %dma_wait3A_119] : memref<56x128xi32, #tpu.memory_space<vmem>> -> memref<40x128xi32, #tpu.memory_space<vmem>>
        %dma_wait3A_121 = arith.constant 0 : i32
        %dma_wait3A_122 = tpu.memref_slice %arg3[%add3A_86, %dma_wait3A_121] : memref<2560x128xi32, #tpu.memory_space<hbm>> -> memref<40x128xi32, #tpu.memory_space<hbm>>
        %dma_wait3A_123 = arith.constant 0 : i32
        %dma_wait3A_124 = arith.constant 0 : i32
        %dma_wait3A_125 = tpu.memref_slice %arg6[%dma_wait3A_123, %dma_wait3A_124] : memref<56x128xi32, #tpu.memory_space<vmem>> -> memref<40x128xi32, #tpu.memory_space<vmem>>
        %dma_wait3A_126 = arith.constant 0 : i32
        %dma_wait3A_127 = tpu.memref_slice %arg3[%add3A_86, %dma_wait3A_126] : memref<2560x128xi32, #tpu.memory_space<hbm>> -> memref<40x128xi32, #tpu.memory_space<hbm>>
        tpu.wait_dma2 semaphore(%run_scoped3A : memref<!tpu.dma_semaphore, #tpu.memory_space<semaphore_mem>>) src(%dma_wait3A_127 : memref<40x128xi32, #tpu.memory_space<hbm>>) dst(%dma_wait3A_125 : memref<40x128xi32, #tpu.memory_space<vmem>>)
        tpu.yield
      }) : () -> ()
      %add3A_87 = arith.constant 112 : i32
      %add3A_88 = arith.addi %mul3A_37, %add3A_87 : i32
      "tpu.region"() ({
        %run_scoped3A = tpu.sem_alloc : memref<!tpu.dma_semaphore, #tpu.memory_space<semaphore_mem>>
        %dma_start3A_109 = arith.constant 0 : i32
        %dma_start3A_110 = arith.constant 0 : i32
        %dma_start3A_111 = tpu.memref_slice %arg7[%dma_start3A_109, %dma_start3A_110] : memref<56x128xi32, #tpu.memory_space<vmem>> -> memref<40x128xi32, #tpu.memory_space<vmem>>
        %dma_start3A_112 = arith.constant 0 : i32
        %dma_start3A_113 = tpu.memref_slice %arg4[%add3A_88, %dma_start3A_112] : memref<2560x128xi32, #tpu.memory_space<hbm>> -> memref<40x128xi32, #tpu.memory_space<hbm>>
        %dma_start3A_114 = arith.constant 0 : i32
        %dma_start3A_115 = arith.constant 0 : i32
        %dma_start3A_116 = tpu.memref_slice %arg7[%dma_start3A_114, %dma_start3A_115] : memref<56x128xi32, #tpu.memory_space<vmem>> -> memref<40x128xi32, #tpu.memory_space<vmem>>
        %dma_start3A_117 = arith.constant 0 : i32
        %dma_start3A_118 = tpu.memref_slice %arg4[%add3A_88, %dma_start3A_117] : memref<2560x128xi32, #tpu.memory_space<hbm>> -> memref<40x128xi32, #tpu.memory_space<hbm>>
        tpu.enqueue_dma source(%dma_start3A_118 : memref<40x128xi32, #tpu.memory_space<hbm>>) target(%dma_start3A_116 : memref<40x128xi32, #tpu.memory_space<vmem>>) target_semaphore(%run_scoped3A : memref<!tpu.dma_semaphore, #tpu.memory_space<semaphore_mem>>)
        %dma_wait3A = arith.constant 0 : i32
        %dma_wait3A_119 = arith.constant 0 : i32
        %dma_wait3A_120 = tpu.memref_slice %arg7[%dma_wait3A, %dma_wait3A_119] : memref<56x128xi32, #tpu.memory_space<vmem>> -> memref<40x128xi32, #tpu.memory_space<vmem>>
        %dma_wait3A_121 = arith.constant 0 : i32
        %dma_wait3A_122 = tpu.memref_slice %arg4[%add3A_88, %dma_wait3A_121] : memref<2560x128xi32, #tpu.memory_space<hbm>> -> memref<40x128xi32, #tpu.memory_space<hbm>>
        %dma_wait3A_123 = arith.constant 0 : i32
        %dma_wait3A_124 = arith.constant 0 : i32
        %dma_wait3A_125 = tpu.memref_slice %arg7[%dma_wait3A_123, %dma_wait3A_124] : memref<56x128xi32, #tpu.memory_space<vmem>> -> memref<40x128xi32, #tpu.memory_space<vmem>>
        %dma_wait3A_126 = arith.constant 0 : i32
        %dma_wait3A_127 = tpu.memref_slice %arg4[%add3A_88, %dma_wait3A_126] : memref<2560x128xi32, #tpu.memory_space<hbm>> -> memref<40x128xi32, #tpu.memory_space<hbm>>
        tpu.wait_dma2 semaphore(%run_scoped3A : memref<!tpu.dma_semaphore, #tpu.memory_space<semaphore_mem>>) src(%dma_wait3A_127 : memref<40x128xi32, #tpu.memory_space<hbm>>) dst(%dma_wait3A_125 : memref<40x128xi32, #tpu.memory_space<vmem>>)
        tpu.yield
      }) : () -> ()
      %dma_start3A_89 = arith.constant 0 : i32
      %dma_start3A_90 = arith.constant 0 : i32
      %dma_start3A_91 = tpu.memref_slice %arg6[%dma_start3A_89, %dma_start3A_90] : memref<56x128xi32, #tpu.memory_space<vmem>> -> memref<1x128xi32, #tpu.memory_space<vmem>>
      %dma_start3A_92 = tpu.memref_squeeze %dma_start3A_91 : memref<1x128xi32, #tpu.memory_space<vmem>> -> memref<128xi32, #tpu.memory_space<vmem>>
      %dma_start3A_93 = arith.constant 0 : i32
      %dma_start3A_94 = arith.constant 0 : i32
      %dma_start3A_95 = tpu.memref_slice %arg2[%dma_start3A_93, %dma_start3A_94] : memref<10240x128xf32, #tpu.memory_space<hbm>> -> memref<10240x128xf32, #tpu.memory_space<hbm>>
      tpu.enqueue_indirect_dma source(%dma_start3A_95 : memref<10240x128xf32, #tpu.memory_space<hbm>>) target(%arg8 : memref<128x128xf32, #tpu.memory_space<vmem>>) offsets(%dma_start3A_92 : memref<128xi32, #tpu.memory_space<vmem>>) semaphore(%arg11 : memref<!tpu.dma_semaphore, #tpu.memory_space<semaphore_mem>>)
      %dma_start3A_96 = arith.constant 1 : i32
      %dma_start3A_97 = arith.constant 0 : i32
      %dma_start3A_98 = tpu.memref_slice %arg6[%dma_start3A_96, %dma_start3A_97] : memref<56x128xi32, #tpu.memory_space<vmem>> -> memref<1x128xi32, #tpu.memory_space<vmem>>
      %dma_start3A_99 = tpu.memref_squeeze %dma_start3A_98 : memref<1x128xi32, #tpu.memory_space<vmem>> -> memref<128xi32, #tpu.memory_space<vmem>>
      %dma_start3A_100 = arith.constant 0 : i32
      %dma_start3A_101 = arith.constant 0 : i32
      %dma_start3A_102 = tpu.memref_slice %arg2[%dma_start3A_100, %dma_start3A_101] : memref<10240x128xf32, #tpu.memory_space<hbm>> -> memref<10240x128xf32, #tpu.memory_space<hbm>>
      tpu.enqueue_indirect_dma source(%dma_start3A_102 : memref<10240x128xf32, #tpu.memory_space<hbm>>) target(%arg9 : memref<128x128xf32, #tpu.memory_space<vmem>>) offsets(%dma_start3A_99 : memref<128xi32, #tpu.memory_space<vmem>>) semaphore(%arg12 : memref<!tpu.dma_semaphore, #tpu.memory_space<semaphore_mem>>)
      %scan3A_103 = arith.constant 0 : i32
      %scan3A_104 = arith.constant 0 : i32
      %scan3A_105 = arith.constant 20 : i32
      %scan3A_106 = arith.addi %scan3A_104, %scan3A_105 : i32
      %scan3A_107 = arith.constant 1 : i32
      scf.for %scan3A_109 = %scan3A_104 to %scan3A_106 step %scan3A_107  : i32 {
        %mul3A_110 = arith.constant 2 : i32
        %mul3A_111 = arith.muli %scan3A_109, %mul3A_110 : i32
        %add3A_112 = arith.constant 0 : i32
        %add3A_113 = arith.addi %mul3A_111, %add3A_112 : i32
        %dma_wait3A = arith.constant 0 : i32
        %dma_wait3A_114 = tpu.memref_slice %arg6[%add3A_113, %dma_wait3A] : memref<56x128xi32, #tpu.memory_space<vmem>> -> memref<1x128xi32, #tpu.memory_space<vmem>>
        %dma_wait3A_115 = tpu.memref_squeeze %dma_wait3A_114 : memref<1x128xi32, #tpu.memory_space<vmem>> -> memref<128xi32, #tpu.memory_space<vmem>>
        %dma_wait3A_116 = arith.constant 0 : i32
        %dma_wait3A_117 = arith.constant 0 : i32
        %dma_wait3A_118 = tpu.memref_slice %arg2[%dma_wait3A_116, %dma_wait3A_117] : memref<10240x128xf32, #tpu.memory_space<hbm>> -> memref<10240x128xf32, #tpu.memory_space<hbm>>
        tpu.wait_indirect_dma semaphore(%arg11 : memref<!tpu.dma_semaphore, #tpu.memory_space<semaphore_mem>>) src(%dma_wait3A_118 : memref<10240x128xf32, #tpu.memory_space<hbm>>) dst(%arg8 : memref<128x128xf32, #tpu.memory_space<vmem>>)
        %add3A_119 = arith.constant 0 : i32
        %add3A_120 = arith.addi %mul3A_111, %add3A_119 : i32
        "tpu.region"() ({
          %run_scoped3A = tpu.sem_alloc : memref<!tpu.dma_semaphore, #tpu.memory_space<semaphore_mem>>
          %dma_start3A_148 = arith.constant 0 : i32
          %dma_start3A_149 = tpu.memref_slice %arg7[%add3A_120, %dma_start3A_148] : memref<56x128xi32, #tpu.memory_space<vmem>> -> memref<1x128xi32, #tpu.memory_space<vmem>>
          %dma_start3A_150 = tpu.memref_squeeze %dma_start3A_149 : memref<1x128xi32, #tpu.memory_space<vmem>> -> memref<128xi32, #tpu.memory_space<vmem>>
          %dma_start3A_151 = arith.constant 0 : i32
          %dma_start3A_152 = arith.constant 0 : i32
          %dma_start3A_153 = tpu.memref_slice %arg10[%dma_start3A_151, %dma_start3A_152] : memref<10240x128xf32, #tpu.memory_space<vmem_shared>> -> memref<10240x128xf32, #tpu.memory_space<vmem_shared>>
          tpu.enqueue_indirect_dma source(%arg8 : memref<128x128xf32, #tpu.memory_space<vmem>>) target(%dma_start3A_153 : memref<10240x128xf32, #tpu.memory_space<vmem_shared>>) offsets(%dma_start3A_150 : memref<128xi32, #tpu.memory_space<vmem>>) semaphore(%run_scoped3A : memref<!tpu.dma_semaphore, #tpu.memory_space<semaphore_mem>>) {add = true}
          %dma_wait3A_154 = arith.constant 0 : i32
          %dma_wait3A_155 = tpu.memref_slice %arg7[%add3A_120, %dma_wait3A_154] : memref<56x128xi32, #tpu.memory_space<vmem>> -> memref<1x128xi32, #tpu.memory_space<vmem>>
          %dma_wait3A_156 = tpu.memref_squeeze %dma_wait3A_155 : memref<1x128xi32, #tpu.memory_space<vmem>> -> memref<128xi32, #tpu.memory_space<vmem>>
          %dma_wait3A_157 = arith.constant 0 : i32
          %dma_wait3A_158 = arith.constant 0 : i32
          %dma_wait3A_159 = tpu.memref_slice %arg10[%dma_wait3A_157, %dma_wait3A_158] : memref<10240x128xf32, #tpu.memory_space<vmem_shared>> -> memref<10240x128xf32, #tpu.memory_space<vmem_shared>>
          tpu.wait_indirect_dma semaphore(%run_scoped3A : memref<!tpu.dma_semaphore, #tpu.memory_space<semaphore_mem>>) src(%arg8 : memref<128x128xf32, #tpu.memory_space<vmem>>) dst(%dma_wait3A_159 : memref<10240x128xf32, #tpu.memory_space<vmem_shared>>)
          tpu.yield
        }) : () -> ()
        %add3A_121 = arith.constant 0 : i32
        %add3A_122 = arith.addi %mul3A_111, %add3A_121 : i32
        %add3A_123 = arith.constant 2 : i32
        %add3A_124 = arith.addi %add3A_122, %add3A_123 : i32
        %lt3A = arith.constant 40 : i32
        %lt3A_125 = arith.cmpi slt, %add3A_124, %lt3A : i32
        %convert_element_type3A_126 = arith.extui %lt3A_125 : i1 to i32
        %cond3A_127 = arith.constant 0 : i32
        %cond3A_128 = arith.cmpi ne, %convert_element_type3A_126, %cond3A_127 : i32
        scf.if %cond3A_128 {
          %add3A_148 = arith.constant 0 : i32
          %add3A_149 = arith.addi %mul3A_111, %add3A_148 : i32
          %add3A_150 = arith.constant 2 : i32
          %add3A_151 = arith.addi %add3A_149, %add3A_150 : i32
          %dma_start3A_152 = arith.constant 0 : i32
          %dma_start3A_153 = tpu.memref_slice %arg6[%add3A_151, %dma_start3A_152] : memref<56x128xi32, #tpu.memory_space<vmem>> -> memref<1x128xi32, #tpu.memory_space<vmem>>
          %dma_start3A_154 = tpu.memref_squeeze %dma_start3A_153 : memref<1x128xi32, #tpu.memory_space<vmem>> -> memref<128xi32, #tpu.memory_space<vmem>>
          %dma_start3A_155 = arith.constant 0 : i32
          %dma_start3A_156 = arith.constant 0 : i32
          %dma_start3A_157 = tpu.memref_slice %arg2[%dma_start3A_155, %dma_start3A_156] : memref<10240x128xf32, #tpu.memory_space<hbm>> -> memref<10240x128xf32, #tpu.memory_space<hbm>>
          tpu.enqueue_indirect_dma source(%dma_start3A_157 : memref<10240x128xf32, #tpu.memory_space<hbm>>) target(%arg8 : memref<128x128xf32, #tpu.memory_space<vmem>>) offsets(%dma_start3A_154 : memref<128xi32, #tpu.memory_space<vmem>>) semaphore(%arg11 : memref<!tpu.dma_semaphore, #tpu.memory_space<semaphore_mem>>)
        } else {
        }
        %add3A_129 = arith.constant 1 : i32
        %add3A_130 = arith.addi %mul3A_111, %add3A_129 : i32
        %dma_wait3A_131 = arith.constant 0 : i32
        %dma_wait3A_132 = tpu.memref_slice %arg6[%add3A_130, %dma_wait3A_131] : memref<56x128xi32, #tpu.memory_space<vmem>> -> memref<1x128xi32, #tpu.memory_space<vmem>>
        %dma_wait3A_133 = tpu.memref_squeeze %dma_wait3A_132 : memref<1x128xi32, #tpu.memory_space<vmem>> -> memref<128xi32, #tpu.memory_space<vmem>>
        %dma_wait3A_134 = arith.constant 0 : i32
        %dma_wait3A_135 = arith.constant 0 : i32
        %dma_wait3A_136 = tpu.memref_slice %arg2[%dma_wait3A_134, %dma_wait3A_135] : memref<10240x128xf32, #tpu.memory_space<hbm>> -> memref<10240x128xf32, #tpu.memory_space<hbm>>
        tpu.wait_indirect_dma semaphore(%arg12 : memref<!tpu.dma_semaphore, #tpu.memory_space<semaphore_mem>>) src(%dma_wait3A_136 : memref<10240x128xf32, #tpu.memory_space<hbm>>) dst(%arg9 : memref<128x128xf32, #tpu.memory_space<vmem>>)
        %add3A_137 = arith.constant 1 : i32
        %add3A_138 = arith.addi %mul3A_111, %add3A_137 : i32
        "tpu.region"() ({
          %run_scoped3A = tpu.sem_alloc : memref<!tpu.dma_semaphore, #tpu.memory_space<semaphore_mem>>
          %dma_start3A_148 = arith.constant 0 : i32
          %dma_start3A_149 = tpu.memref_slice %arg7[%add3A_138, %dma_start3A_148] : memref<56x128xi32, #tpu.memory_space<vmem>> -> memref<1x128xi32, #tpu.memory_space<vmem>>
          %dma_start3A_150 = tpu.memref_squeeze %dma_start3A_149 : memref<1x128xi32, #tpu.memory_space<vmem>> -> memref<128xi32, #tpu.memory_space<vmem>>
          %dma_start3A_151 = arith.constant 0 : i32
          %dma_start3A_152 = arith.constant 0 : i32
          %dma_start3A_153 = tpu.memref_slice %arg10[%dma_start3A_151, %dma_start3A_152] : memref<10240x128xf32, #tpu.memory_space<vmem_shared>> -> memref<10240x128xf32, #tpu.memory_space<vmem_shared>>
          tpu.enqueue_indirect_dma source(%arg9 : memref<128x128xf32, #tpu.memory_space<vmem>>) target(%dma_start3A_153 : memref<10240x128xf32, #tpu.memory_space<vmem_shared>>) offsets(%dma_start3A_150 : memref<128xi32, #tpu.memory_space<vmem>>) semaphore(%run_scoped3A : memref<!tpu.dma_semaphore, #tpu.memory_space<semaphore_mem>>) {add = true}
          %dma_wait3A_154 = arith.constant 0 : i32
          %dma_wait3A_155 = tpu.memref_slice %arg7[%add3A_138, %dma_wait3A_154] : memref<56x128xi32, #tpu.memory_space<vmem>> -> memref<1x128xi32, #tpu.memory_space<vmem>>
          %dma_wait3A_156 = tpu.memref_squeeze %dma_wait3A_155 : memref<1x128xi32, #tpu.memory_space<vmem>> -> memref<128xi32, #tpu.memory_space<vmem>>
          %dma_wait3A_157 = arith.constant 0 : i32
          %dma_wait3A_158 = arith.constant 0 : i32
          %dma_wait3A_159 = tpu.memref_slice %arg10[%dma_wait3A_157, %dma_wait3A_158] : memref<10240x128xf32, #tpu.memory_space<vmem_shared>> -> memref<10240x128xf32, #tpu.memory_space<vmem_shared>>
          tpu.wait_indirect_dma semaphore(%run_scoped3A : memref<!tpu.dma_semaphore, #tpu.memory_space<semaphore_mem>>) src(%arg9 : memref<128x128xf32, #tpu.memory_space<vmem>>) dst(%dma_wait3A_159 : memref<10240x128xf32, #tpu.memory_space<vmem_shared>>)
          tpu.yield
        }) : () -> ()
        %add3A_139 = arith.constant 1 : i32
        %add3A_140 = arith.addi %mul3A_111, %add3A_139 : i32
        %add3A_141 = arith.constant 2 : i32
        %add3A_142 = arith.addi %add3A_140, %add3A_141 : i32
        %lt3A_143 = arith.constant 40 : i32
        %lt3A_144 = arith.cmpi slt, %add3A_142, %lt3A_143 : i32
        %convert_element_type3A_145 = arith.extui %lt3A_144 : i1 to i32
        %cond3A_146 = arith.constant 0 : i32
        %cond3A_147 = arith.cmpi ne, %convert_element_type3A_145, %cond3A_146 : i32
        scf.if %cond3A_147 {
          %add3A_148 = arith.constant 1 : i32
          %add3A_149 = arith.addi %mul3A_111, %add3A_148 : i32
          %add3A_150 = arith.constant 2 : i32
          %add3A_151 = arith.addi %add3A_149, %add3A_150 : i32
          %dma_start3A_152 = arith.constant 0 : i32
          %dma_start3A_153 = tpu.memref_slice %arg6[%add3A_151, %dma_start3A_152] : memref<56x128xi32, #tpu.memory_space<vmem>> -> memref<1x128xi32, #tpu.memory_space<vmem>>
          %dma_start3A_154 = tpu.memref_squeeze %dma_start3A_153 : memref<1x128xi32, #tpu.memory_space<vmem>> -> memref<128xi32, #tpu.memory_space<vmem>>
          %dma_start3A_155 = arith.constant 0 : i32
          %dma_start3A_156 = arith.constant 0 : i32
          %dma_start3A_157 = tpu.memref_slice %arg2[%dma_start3A_155, %dma_start3A_156] : memref<10240x128xf32, #tpu.memory_space<hbm>> -> memref<10240x128xf32, #tpu.memory_space<hbm>>
          tpu.enqueue_indirect_dma source(%dma_start3A_157 : memref<10240x128xf32, #tpu.memory_space<hbm>>) target(%arg9 : memref<128x128xf32, #tpu.memory_space<vmem>>) offsets(%dma_start3A_154 : memref<128xi32, #tpu.memory_space<vmem>>) semaphore(%arg12 : memref<!tpu.dma_semaphore, #tpu.memory_space<semaphore_mem>>)
        } else {
        }
      }
      %scan3A_108 = arith.constant 20 : i32
    } else {
    }
    %eq3A_26 = arith.constant 1 : i32
    %eq3A_27 = arith.cmpi eq, %arg0, %eq3A_26 : i32
    %convert_element_type3A_28 = arith.extui %eq3A_27 : i1 to i32
    %cond3A_29 = arith.constant 0 : i32
    %cond3A_30 = arith.cmpi ne, %convert_element_type3A_28, %cond3A_29 : i32
    scf.if %cond3A_30 {
      %mul3A_36 = arith.constant 8 : i32
      %mul3A_37 = arith.muli %arg1, %mul3A_36 : i32
      %add3A_38 = arith.constant 2432 : i32
      %add3A_39 = arith.addi %add3A_38, %mul3A_37 : i32
      %add3A_40 = arith.constant 0 : i32
      %add3A_41 = arith.addi %add3A_39, %add3A_40 : i32
      "tpu.region"() ({
        %run_scoped3A = tpu.sem_alloc : memref<!tpu.dma_semaphore, #tpu.memory_space<semaphore_mem>>
        %dma_start3A_63 = arith.constant 0 : i32
        %dma_start3A_64 = arith.constant 0 : i32
        %dma_start3A_65 = tpu.memref_slice %arg6[%dma_start3A_63, %dma_start3A_64] : memref<56x128xi32, #tpu.memory_space<vmem>> -> memref<8x128xi32, #tpu.memory_space<vmem>>
        %dma_start3A_66 = arith.constant 0 : i32
        %dma_start3A_67 = tpu.memref_slice %arg3[%add3A_41, %dma_start3A_66] : memref<2560x128xi32, #tpu.memory_space<hbm>> -> memref<8x128xi32, #tpu.memory_space<hbm>>
        %dma_start3A_68 = arith.constant 0 : i32
        %dma_start3A_69 = arith.constant 0 : i32
        %dma_start3A_70 = tpu.memref_slice %arg6[%dma_start3A_68, %dma_start3A_69] : memref<56x128xi32, #tpu.memory_space<vmem>> -> memref<8x128xi32, #tpu.memory_space<vmem>>
        %dma_start3A_71 = arith.constant 0 : i32
        %dma_start3A_72 = tpu.memref_slice %arg3[%add3A_41, %dma_start3A_71] : memref<2560x128xi32, #tpu.memory_space<hbm>> -> memref<8x128xi32, #tpu.memory_space<hbm>>
        tpu.enqueue_dma source(%dma_start3A_72 : memref<8x128xi32, #tpu.memory_space<hbm>>) target(%dma_start3A_70 : memref<8x128xi32, #tpu.memory_space<vmem>>) target_semaphore(%run_scoped3A : memref<!tpu.dma_semaphore, #tpu.memory_space<semaphore_mem>>)
        %dma_wait3A = arith.constant 0 : i32
        %dma_wait3A_73 = arith.constant 0 : i32
        %dma_wait3A_74 = tpu.memref_slice %arg6[%dma_wait3A, %dma_wait3A_73] : memref<56x128xi32, #tpu.memory_space<vmem>> -> memref<8x128xi32, #tpu.memory_space<vmem>>
        %dma_wait3A_75 = arith.constant 0 : i32
        %dma_wait3A_76 = tpu.memref_slice %arg3[%add3A_41, %dma_wait3A_75] : memref<2560x128xi32, #tpu.memory_space<hbm>> -> memref<8x128xi32, #tpu.memory_space<hbm>>
        %dma_wait3A_77 = arith.constant 0 : i32
        %dma_wait3A_78 = arith.constant 0 : i32
        %dma_wait3A_79 = tpu.memref_slice %arg6[%dma_wait3A_77, %dma_wait3A_78] : memref<56x128xi32, #tpu.memory_space<vmem>> -> memref<8x128xi32, #tpu.memory_space<vmem>>
        %dma_wait3A_80 = arith.constant 0 : i32
        %dma_wait3A_81 = tpu.memref_slice %arg3[%add3A_41, %dma_wait3A_80] : memref<2560x128xi32, #tpu.memory_space<hbm>> -> memref<8x128xi32, #tpu.memory_space<hbm>>
        tpu.wait_dma2 semaphore(%run_scoped3A : memref<!tpu.dma_semaphore, #tpu.memory_space<semaphore_mem>>) src(%dma_wait3A_81 : memref<8x128xi32, #tpu.memory_space<hbm>>) dst(%dma_wait3A_79 : memref<8x128xi32, #tpu.memory_space<vmem>>)
        tpu.yield
      }) : () -> ()
      %add3A_42 = arith.constant 0 : i32
      %add3A_43 = arith.addi %add3A_39, %add3A_42 : i32
      "tpu.region"() ({
        %run_scoped3A = tpu.sem_alloc : memref<!tpu.dma_semaphore, #tpu.memory_space<semaphore_mem>>
        %dma_start3A_63 = arith.constant 0 : i32
        %dma_start3A_64 = arith.constant 0 : i32
        %dma_start3A_65 = tpu.memref_slice %arg7[%dma_start3A_63, %dma_start3A_64] : memref<56x128xi32, #tpu.memory_space<vmem>> -> memref<8x128xi32, #tpu.memory_space<vmem>>
        %dma_start3A_66 = arith.constant 0 : i32
        %dma_start3A_67 = tpu.memref_slice %arg4[%add3A_43, %dma_start3A_66] : memref<2560x128xi32, #tpu.memory_space<hbm>> -> memref<8x128xi32, #tpu.memory_space<hbm>>
        %dma_start3A_68 = arith.constant 0 : i32
        %dma_start3A_69 = arith.constant 0 : i32
        %dma_start3A_70 = tpu.memref_slice %arg7[%dma_start3A_68, %dma_start3A_69] : memref<56x128xi32, #tpu.memory_space<vmem>> -> memref<8x128xi32, #tpu.memory_space<vmem>>
        %dma_start3A_71 = arith.constant 0 : i32
        %dma_start3A_72 = tpu.memref_slice %arg4[%add3A_43, %dma_start3A_71] : memref<2560x128xi32, #tpu.memory_space<hbm>> -> memref<8x128xi32, #tpu.memory_space<hbm>>
        tpu.enqueue_dma source(%dma_start3A_72 : memref<8x128xi32, #tpu.memory_space<hbm>>) target(%dma_start3A_70 : memref<8x128xi32, #tpu.memory_space<vmem>>) target_semaphore(%run_scoped3A : memref<!tpu.dma_semaphore, #tpu.memory_space<semaphore_mem>>)
        %dma_wait3A = arith.constant 0 : i32
        %dma_wait3A_73 = arith.constant 0 : i32
        %dma_wait3A_74 = tpu.memref_slice %arg7[%dma_wait3A, %dma_wait3A_73] : memref<56x128xi32, #tpu.memory_space<vmem>> -> memref<8x128xi32, #tpu.memory_space<vmem>>
        %dma_wait3A_75 = arith.constant 0 : i32
        %dma_wait3A_76 = tpu.memref_slice %arg4[%add3A_43, %dma_wait3A_75] : memref<2560x128xi32, #tpu.memory_space<hbm>> -> memref<8x128xi32, #tpu.memory_space<hbm>>
        %dma_wait3A_77 = arith.constant 0 : i32
        %dma_wait3A_78 = arith.constant 0 : i32
        %dma_wait3A_79 = tpu.memref_slice %arg7[%dma_wait3A_77, %dma_wait3A_78] : memref<56x128xi32, #tpu.memory_space<vmem>> -> memref<8x128xi32, #tpu.memory_space<vmem>>
        %dma_wait3A_80 = arith.constant 0 : i32
        %dma_wait3A_81 = tpu.memref_slice %arg4[%add3A_43, %dma_wait3A_80] : memref<2560x128xi32, #tpu.memory_space<hbm>> -> memref<8x128xi32, #tpu.memory_space<hbm>>
        tpu.wait_dma2 semaphore(%run_scoped3A : memref<!tpu.dma_semaphore, #tpu.memory_space<semaphore_mem>>) src(%dma_wait3A_81 : memref<8x128xi32, #tpu.memory_space<hbm>>) dst(%dma_wait3A_79 : memref<8x128xi32, #tpu.memory_space<vmem>>)
        tpu.yield
      }) : () -> ()
      %dma_start3A = arith.constant 0 : i32
      %dma_start3A_44 = arith.constant 0 : i32
      %dma_start3A_45 = tpu.memref_slice %arg6[%dma_start3A, %dma_start3A_44] : memref<56x128xi32, #tpu.memory_space<vmem>> -> memref<1x128xi32, #tpu.memory_space<vmem>>
      %dma_start3A_46 = tpu.memref_squeeze %dma_start3A_45 : memref<1x128xi32, #tpu.memory_space<vmem>> -> memref<128xi32, #tpu.memory_space<vmem>>
      %dma_start3A_47 = arith.constant 0 : i32
      %dma_start3A_48 = arith.constant 0 : i32
      %dma_start3A_49 = tpu.memref_slice %arg2[%dma_start3A_47, %dma_start3A_48] : memref<10240x128xf32, #tpu.memory_space<hbm>> -> memref<10240x128xf32, #tpu.memory_space<hbm>>
      tpu.enqueue_indirect_dma source(%dma_start3A_49 : memref<10240x128xf32, #tpu.memory_space<hbm>>) target(%arg8 : memref<128x128xf32, #tpu.memory_space<vmem>>) offsets(%dma_start3A_46 : memref<128xi32, #tpu.memory_space<vmem>>) semaphore(%arg11 : memref<!tpu.dma_semaphore, #tpu.memory_space<semaphore_mem>>)
      %dma_start3A_50 = arith.constant 1 : i32
      %dma_start3A_51 = arith.constant 0 : i32
      %dma_start3A_52 = tpu.memref_slice %arg6[%dma_start3A_50, %dma_start3A_51] : memref<56x128xi32, #tpu.memory_space<vmem>> -> memref<1x128xi32, #tpu.memory_space<vmem>>
      %dma_start3A_53 = tpu.memref_squeeze %dma_start3A_52 : memref<1x128xi32, #tpu.memory_space<vmem>> -> memref<128xi32, #tpu.memory_space<vmem>>
      %dma_start3A_54 = arith.constant 0 : i32
      %dma_start3A_55 = arith.constant 0 : i32
      %dma_start3A_56 = tpu.memref_slice %arg2[%dma_start3A_54, %dma_start3A_55] : memref<10240x128xf32, #tpu.memory_space<hbm>> -> memref<10240x128xf32, #tpu.memory_space<hbm>>
      tpu.enqueue_indirect_dma source(%dma_start3A_56 : memref<10240x128xf32, #tpu.memory_space<hbm>>) target(%arg9 : memref<128x128xf32, #tpu.memory_space<vmem>>) offsets(%dma_start3A_53 : memref<128xi32, #tpu.memory_space<vmem>>) semaphore(%arg12 : memref<!tpu.dma_semaphore, #tpu.memory_space<semaphore_mem>>)
      %scan3A_57 = arith.constant 0 : i32
      %scan3A_58 = arith.constant 0 : i32
      %scan3A_59 = arith.constant 4 : i32
      %scan3A_60 = arith.addi %scan3A_58, %scan3A_59 : i32
      %scan3A_61 = arith.constant 1 : i32
      scf.for %scan3A_63 = %scan3A_58 to %scan3A_60 step %scan3A_61  : i32 {
        %mul3A_64 = arith.constant 2 : i32
        %mul3A_65 = arith.muli %scan3A_63, %mul3A_64 : i32
        %add3A_66 = arith.constant 0 : i32
        %add3A_67 = arith.addi %mul3A_65, %add3A_66 : i32
        %dma_wait3A = arith.constant 0 : i32
        %dma_wait3A_68 = tpu.memref_slice %arg6[%add3A_67, %dma_wait3A] : memref<56x128xi32, #tpu.memory_space<vmem>> -> memref<1x128xi32, #tpu.memory_space<vmem>>
        %dma_wait3A_69 = tpu.memref_squeeze %dma_wait3A_68 : memref<1x128xi32, #tpu.memory_space<vmem>> -> memref<128xi32, #tpu.memory_space<vmem>>
        %dma_wait3A_70 = arith.constant 0 : i32
        %dma_wait3A_71 = arith.constant 0 : i32
        %dma_wait3A_72 = tpu.memref_slice %arg2[%dma_wait3A_70, %dma_wait3A_71] : memref<10240x128xf32, #tpu.memory_space<hbm>> -> memref<10240x128xf32, #tpu.memory_space<hbm>>
        tpu.wait_indirect_dma semaphore(%arg11 : memref<!tpu.dma_semaphore, #tpu.memory_space<semaphore_mem>>) src(%dma_wait3A_72 : memref<10240x128xf32, #tpu.memory_space<hbm>>) dst(%arg8 : memref<128x128xf32, #tpu.memory_space<vmem>>)
        %add3A_73 = arith.constant 0 : i32
        %add3A_74 = arith.addi %mul3A_65, %add3A_73 : i32
        "tpu.region"() ({
          %run_scoped3A = tpu.sem_alloc : memref<!tpu.dma_semaphore, #tpu.memory_space<semaphore_mem>>
          %dma_start3A_102 = arith.constant 0 : i32
          %dma_start3A_103 = tpu.memref_slice %arg7[%add3A_74, %dma_start3A_102] : memref<56x128xi32, #tpu.memory_space<vmem>> -> memref<1x128xi32, #tpu.memory_space<vmem>>
          %dma_start3A_104 = tpu.memref_squeeze %dma_start3A_103 : memref<1x128xi32, #tpu.memory_space<vmem>> -> memref<128xi32, #tpu.memory_space<vmem>>
          %dma_start3A_105 = arith.constant 0 : i32
          %dma_start3A_106 = arith.constant 0 : i32
          %dma_start3A_107 = tpu.memref_slice %arg10[%dma_start3A_105, %dma_start3A_106] : memref<10240x128xf32, #tpu.memory_space<vmem_shared>> -> memref<10240x128xf32, #tpu.memory_space<vmem_shared>>
          tpu.enqueue_indirect_dma source(%arg8 : memref<128x128xf32, #tpu.memory_space<vmem>>) target(%dma_start3A_107 : memref<10240x128xf32, #tpu.memory_space<vmem_shared>>) offsets(%dma_start3A_104 : memref<128xi32, #tpu.memory_space<vmem>>) semaphore(%run_scoped3A : memref<!tpu.dma_semaphore, #tpu.memory_space<semaphore_mem>>) {add = true}
          %dma_wait3A_108 = arith.constant 0 : i32
          %dma_wait3A_109 = tpu.memref_slice %arg7[%add3A_74, %dma_wait3A_108] : memref<56x128xi32, #tpu.memory_space<vmem>> -> memref<1x128xi32, #tpu.memory_space<vmem>>
          %dma_wait3A_110 = tpu.memref_squeeze %dma_wait3A_109 : memref<1x128xi32, #tpu.memory_space<vmem>> -> memref<128xi32, #tpu.memory_space<vmem>>
          %dma_wait3A_111 = arith.constant 0 : i32
          %dma_wait3A_112 = arith.constant 0 : i32
          %dma_wait3A_113 = tpu.memref_slice %arg10[%dma_wait3A_111, %dma_wait3A_112] : memref<10240x128xf32, #tpu.memory_space<vmem_shared>> -> memref<10240x128xf32, #tpu.memory_space<vmem_shared>>
          tpu.wait_indirect_dma semaphore(%run_scoped3A : memref<!tpu.dma_semaphore, #tpu.memory_space<semaphore_mem>>) src(%arg8 : memref<128x128xf32, #tpu.memory_space<vmem>>) dst(%dma_wait3A_113 : memref<10240x128xf32, #tpu.memory_space<vmem_shared>>)
          tpu.yield
        }) : () -> ()
        %add3A_75 = arith.constant 0 : i32
        %add3A_76 = arith.addi %mul3A_65, %add3A_75 : i32
        %add3A_77 = arith.constant 2 : i32
        %add3A_78 = arith.addi %add3A_76, %add3A_77 : i32
        %lt3A = arith.constant 8 : i32
        %lt3A_79 = arith.cmpi slt, %add3A_78, %lt3A : i32
        %convert_element_type3A_80 = arith.extui %lt3A_79 : i1 to i32
        %cond3A_81 = arith.constant 0 : i32
        %cond3A_82 = arith.cmpi ne, %convert_element_type3A_80, %cond3A_81 : i32
        scf.if %cond3A_82 {
          %add3A_102 = arith.constant 0 : i32
          %add3A_103 = arith.addi %mul3A_65, %add3A_102 : i32
          %add3A_104 = arith.constant 2 : i32
          %add3A_105 = arith.addi %add3A_103, %add3A_104 : i32
          %dma_start3A_106 = arith.constant 0 : i32
          %dma_start3A_107 = tpu.memref_slice %arg6[%add3A_105, %dma_start3A_106] : memref<56x128xi32, #tpu.memory_space<vmem>> -> memref<1x128xi32, #tpu.memory_space<vmem>>
          %dma_start3A_108 = tpu.memref_squeeze %dma_start3A_107 : memref<1x128xi32, #tpu.memory_space<vmem>> -> memref<128xi32, #tpu.memory_space<vmem>>
          %dma_start3A_109 = arith.constant 0 : i32
          %dma_start3A_110 = arith.constant 0 : i32
          %dma_start3A_111 = tpu.memref_slice %arg2[%dma_start3A_109, %dma_start3A_110] : memref<10240x128xf32, #tpu.memory_space<hbm>> -> memref<10240x128xf32, #tpu.memory_space<hbm>>
          tpu.enqueue_indirect_dma source(%dma_start3A_111 : memref<10240x128xf32, #tpu.memory_space<hbm>>) target(%arg8 : memref<128x128xf32, #tpu.memory_space<vmem>>) offsets(%dma_start3A_108 : memref<128xi32, #tpu.memory_space<vmem>>) semaphore(%arg11 : memref<!tpu.dma_semaphore, #tpu.memory_space<semaphore_mem>>)
        } else {
        }
        %add3A_83 = arith.constant 1 : i32
        %add3A_84 = arith.addi %mul3A_65, %add3A_83 : i32
        %dma_wait3A_85 = arith.constant 0 : i32
        %dma_wait3A_86 = tpu.memref_slice %arg6[%add3A_84, %dma_wait3A_85] : memref<56x128xi32, #tpu.memory_space<vmem>> -> memref<1x128xi32, #tpu.memory_space<vmem>>
        %dma_wait3A_87 = tpu.memref_squeeze %dma_wait3A_86 : memref<1x128xi32, #tpu.memory_space<vmem>> -> memref<128xi32, #tpu.memory_space<vmem>>
        %dma_wait3A_88 = arith.constant 0 : i32
        %dma_wait3A_89 = arith.constant 0 : i32
        %dma_wait3A_90 = tpu.memref_slice %arg2[%dma_wait3A_88, %dma_wait3A_89] : memref<10240x128xf32, #tpu.memory_space<hbm>> -> memref<10240x128xf32, #tpu.memory_space<hbm>>
        tpu.wait_indirect_dma semaphore(%arg12 : memref<!tpu.dma_semaphore, #tpu.memory_space<semaphore_mem>>) src(%dma_wait3A_90 : memref<10240x128xf32, #tpu.memory_space<hbm>>) dst(%arg9 : memref<128x128xf32, #tpu.memory_space<vmem>>)
        %add3A_91 = arith.constant 1 : i32
        %add3A_92 = arith.addi %mul3A_65, %add3A_91 : i32
        "tpu.region"() ({
          %run_scoped3A = tpu.sem_alloc : memref<!tpu.dma_semaphore, #tpu.memory_space<semaphore_mem>>
          %dma_start3A_102 = arith.constant 0 : i32
          %dma_start3A_103 = tpu.memref_slice %arg7[%add3A_92, %dma_start3A_102] : memref<56x128xi32, #tpu.memory_space<vmem>> -> memref<1x128xi32, #tpu.memory_space<vmem>>
          %dma_start3A_104 = tpu.memref_squeeze %dma_start3A_103 : memref<1x128xi32, #tpu.memory_space<vmem>> -> memref<128xi32, #tpu.memory_space<vmem>>
          %dma_start3A_105 = arith.constant 0 : i32
          %dma_start3A_106 = arith.constant 0 : i32
          %dma_start3A_107 = tpu.memref_slice %arg10[%dma_start3A_105, %dma_start3A_106] : memref<10240x128xf32, #tpu.memory_space<vmem_shared>> -> memref<10240x128xf32, #tpu.memory_space<vmem_shared>>
          tpu.enqueue_indirect_dma source(%arg9 : memref<128x128xf32, #tpu.memory_space<vmem>>) target(%dma_start3A_107 : memref<10240x128xf32, #tpu.memory_space<vmem_shared>>) offsets(%dma_start3A_104 : memref<128xi32, #tpu.memory_space<vmem>>) semaphore(%run_scoped3A : memref<!tpu.dma_semaphore, #tpu.memory_space<semaphore_mem>>) {add = true}
          %dma_wait3A_108 = arith.constant 0 : i32
          %dma_wait3A_109 = tpu.memref_slice %arg7[%add3A_92, %dma_wait3A_108] : memref<56x128xi32, #tpu.memory_space<vmem>> -> memref<1x128xi32, #tpu.memory_space<vmem>>
          %dma_wait3A_110 = tpu.memref_squeeze %dma_wait3A_109 : memref<1x128xi32, #tpu.memory_space<vmem>> -> memref<128xi32, #tpu.memory_space<vmem>>
          %dma_wait3A_111 = arith.constant 0 : i32
          %dma_wait3A_112 = arith.constant 0 : i32
          %dma_wait3A_113 = tpu.memref_slice %arg10[%dma_wait3A_111, %dma_wait3A_112] : memref<10240x128xf32, #tpu.memory_space<vmem_shared>> -> memref<10240x128xf32, #tpu.memory_space<vmem_shared>>
          tpu.wait_indirect_dma semaphore(%run_scoped3A : memref<!tpu.dma_semaphore, #tpu.memory_space<semaphore_mem>>) src(%arg9 : memref<128x128xf32, #tpu.memory_space<vmem>>) dst(%dma_wait3A_113 : memref<10240x128xf32, #tpu.memory_space<vmem_shared>>)
          tpu.yield
        }) : () -> ()
        %add3A_93 = arith.constant 1 : i32
        %add3A_94 = arith.addi %mul3A_65, %add3A_93 : i32
        %add3A_95 = arith.constant 2 : i32
        %add3A_96 = arith.addi %add3A_94, %add3A_95 : i32
        %lt3A_97 = arith.constant 8 : i32
        %lt3A_98 = arith.cmpi slt, %add3A_96, %lt3A_97 : i32
        %convert_element_type3A_99 = arith.extui %lt3A_98 : i1 to i32
        %cond3A_100 = arith.constant 0 : i32
        %cond3A_101 = arith.cmpi ne, %convert_element_type3A_99, %cond3A_100 : i32
        scf.if %cond3A_101 {
          %add3A_102 = arith.constant 1 : i32
          %add3A_103 = arith.addi %mul3A_65, %add3A_102 : i32
          %add3A_104 = arith.constant 2 : i32
          %add3A_105 = arith.addi %add3A_103, %add3A_104 : i32
          %dma_start3A_106 = arith.constant 0 : i32
          %dma_start3A_107 = tpu.memref_slice %arg6[%add3A_105, %dma_start3A_106] : memref<56x128xi32, #tpu.memory_space<vmem>> -> memref<1x128xi32, #tpu.memory_space<vmem>>
          %dma_start3A_108 = tpu.memref_squeeze %dma_start3A_107 : memref<1x128xi32, #tpu.memory_space<vmem>> -> memref<128xi32, #tpu.memory_space<vmem>>
          %dma_start3A_109 = arith.constant 0 : i32
          %dma_start3A_110 = arith.constant 0 : i32
          %dma_start3A_111 = tpu.memref_slice %arg2[%dma_start3A_109, %dma_start3A_110] : memref<10240x128xf32, #tpu.memory_space<hbm>> -> memref<10240x128xf32, #tpu.memory_space<hbm>>
          tpu.enqueue_indirect_dma source(%dma_start3A_111 : memref<10240x128xf32, #tpu.memory_space<hbm>>) target(%arg9 : memref<128x128xf32, #tpu.memory_space<vmem>>) offsets(%dma_start3A_108 : memref<128xi32, #tpu.memory_space<vmem>>) semaphore(%arg12 : memref<!tpu.dma_semaphore, #tpu.memory_space<semaphore_mem>>)
        } else {
        }
      }
      %scan3A_62 = arith.constant 4 : i32
    } else {
    }
    %barrier3A_31 = arith.constant 0 : index
    tpu.barrier barrier_id(%barrier3A_31)
    %mul3A_32 = arith.constant 640 : i32
    %mul3A_33 = arith.muli %arg1, %mul3A_32 : i32
    %mul3A_34 = arith.constant 640 : i32
    %mul3A_35 = arith.muli %arg1, %mul3A_34 : i32
    "tpu.region"() ({
      %run_scoped3A = tpu.sem_alloc : memref<!tpu.dma_semaphore, #tpu.memory_space<semaphore_mem>>
      %dma_start3A = arith.constant 0 : i32
      %dma_start3A_36 = tpu.memref_slice %arg5[%arg0, %mul3A_35, %dma_start3A] : memref<2x10240x128xf32, #tpu.memory_space<hbm>> -> memref<1x640x128xf32, #tpu.memory_space<hbm>>
      %dma_start3A_37 = tpu.memref_squeeze %dma_start3A_36 : memref<1x640x128xf32, #tpu.memory_space<hbm>> -> memref<640x128xf32, #tpu.memory_space<hbm>>
      %dma_start3A_38 = arith.constant 0 : i32
      %dma_start3A_39 = tpu.memref_slice %arg10[%mul3A_33, %dma_start3A_38] : memref<10240x128xf32, #tpu.memory_space<vmem_shared>> -> memref<640x128xf32, #tpu.memory_space<vmem_shared>>
      tpu.enqueue_dma source(%dma_start3A_39 : memref<640x128xf32, #tpu.memory_space<vmem_shared>>) target(%dma_start3A_37 : memref<640x128xf32, #tpu.memory_space<hbm>>) target_semaphore(%run_scoped3A : memref<!tpu.dma_semaphore, #tpu.memory_space<semaphore_mem>>)
      %dma_wait3A = arith.constant 0 : i32
      %dma_wait3A_40 = tpu.memref_slice %arg5[%arg0, %mul3A_35, %dma_wait3A] : memref<2x10240x128xf32, #tpu.memory_space<hbm>> -> memref<1x640x128xf32, #tpu.memory_space<hbm>>
      %dma_wait3A_41 = tpu.memref_squeeze %dma_wait3A_40 : memref<1x640x128xf32, #tpu.memory_space<hbm>> -> memref<640x128xf32, #tpu.memory_space<hbm>>
      %dma_wait3A_42 = arith.constant 0 : i32
      %dma_wait3A_43 = tpu.memref_slice %arg10[%mul3A_33, %dma_wait3A_42] : memref<10240x128xf32, #tpu.memory_space<vmem_shared>> -> memref<640x128xf32, #tpu.memory_space<vmem_shared>>
      tpu.wait_dma2 semaphore(%run_scoped3A : memref<!tpu.dma_semaphore, #tpu.memory_space<semaphore_mem>>) src(%dma_wait3A_43 : memref<640x128xf32, #tpu.memory_space<vmem_shared>>) dst(%dma_wait3A_41 : memref<640x128xf32, #tpu.memory_space<hbm>>)
      tpu.yield
    }) : () -> ()
    return
  }
}

module attributes {stable_mosaic.version = 14 : i64} {
  func.func @_tc1_body(%arg0: i32, %arg1: memref<640x128xf32, #tpu.memory_space<vmem>>, %arg2: memref<128x128xf32, #tpu.memory_space<vmem>>, %arg3: memref<640x1xf32, #tpu.memory_space<vmem>>, %arg4: memref<640x1xf32, #tpu.memory_space<vmem>>, %arg5: memref<640x128xf32, #tpu.memory_space<vmem>>, %arg6: memref<640x1xf32, #tpu.memory_space<vmem>>) attributes {dimension_semantics = [#tpu.dimension_semantics<arbitrary>], iteration_bounds = array<i64: 16>, scalar_prefetch = 0 : i64, scratch_operands = 0 : i64, tpu.core_type = #tpu.core_type<tc>, window_params = [{transform_indices = @transform_0, window_bounds = array<i64: 640, 128>}, {pipeline_mode = #tpu.pipeline_mode<synchronous>, transform_indices = @transform_1, window_bounds = array<i64: 128, 128>}, {transform_indices = @transform_2, window_bounds = array<i64: 640, 1>}, {transform_indices = @transform_3, window_bounds = array<i64: 640, 1>}, {transform_indices = @transform_4, window_bounds = array<i64: 640, 128>}, {transform_indices = @transform_5, window_bounds = array<i64: 640, 1>}]} {
    %get3A = arith.constant 0 : index
    %get3A_0 = arith.constant 0 : index
    %get3A_1 = vector.load %arg3[%get3A, %get3A_0] : memref<640x1xf32, #tpu.memory_space<vmem>>, vector<640x1xf32>
    %get3A_2 = arith.constant 0 : index
    %get3A_3 = arith.constant 0 : index
    %get3A_4 = vector.load %arg4[%get3A_2, %get3A_3] : memref<640x1xf32, #tpu.memory_space<vmem>>, vector<640x1xf32>
    %add3A = arith.addf %get3A_1, %get3A_4 : vector<640x1xf32>
    %add3A_5 = arith.constant 1.000000e+00 : f32
    %add3A_6 = vector.broadcast %add3A_5 : f32 to vector<640x1xf32>
    %add3A_7 = arith.addf %add3A, %add3A_6 : vector<640x1xf32>
    %mul3A = arith.constant 640 : i32
    %mul3A_8 = arith.muli %arg0, %mul3A : i32
    %iota3A = tpu.iota {dimensions = array<i32: 0>} : vector<640x1xi32>
    %add3A_9 = vector.broadcast %mul3A_8 : i32 to vector<640x1xi32>
    %add3A_10 = arith.addi %add3A_9, %iota3A : vector<640x1xi32>
    %lt3A = arith.constant 10000 : i32
    %lt3A_11 = vector.broadcast %lt3A : i32 to vector<640x1xi32>
    %lt3A_12 = arith.cmpi slt, %add3A_10, %lt3A_11 : vector<640x1xi32>
    %rsqrt3A = math.rsqrt %add3A_7 : vector<640x1xf32>
    %jit3A = arith.constant 0.000000e+00 : f32
    %broadcast_in_dim3A = vector.broadcast %jit3A : f32 to vector<640x1xf32>
    %select_n3A = arith.select %lt3A_12, %rsqrt3A, %broadcast_in_dim3A : vector<640x1xi1>, vector<640x1xf32>
    %get3A_13 = arith.constant 0 : index
    %get3A_14 = arith.constant 0 : index
    %get3A_15 = vector.load %arg1[%get3A_13, %get3A_14] : memref<640x128xf32, #tpu.memory_space<vmem>>, vector<640x128xf32>
    %get3A_16 = arith.constant 0 : index
    %get3A_17 = arith.constant 0 : index
    %get3A_18 = vector.load %arg2[%get3A_16, %get3A_17] : memref<128x128xf32, #tpu.memory_space<vmem>>, vector<128x128xf32>
    %dot_general3A = arith.constant dense<0.000000e+00> : vector<640x128xf32>
    %dot_general3A_19 = tpu.matmul %get3A_15, %get3A_18, %dot_general3A {dimension_numbers = #tpu.dot_dimension_numbers<[1], [0], [0], [1], [0, 0, 1, 1], [], []>, transpose_lhs_hint = false} : vector<640x128xf32>, vector<128x128xf32>, vector<640x128xf32> -> vector<640x128xf32>
    %mul3A_20 = vector.broadcast %select_n3A : vector<640x1xf32> to vector<640x128xf32>
    %mul3A_21 = arith.mulf %mul3A_20, %dot_general3A_19 : vector<640x128xf32>
    %swap3A = arith.constant 0 : index
    %swap3A_22 = arith.constant 0 : index
    %swap3A_23 = vector.load %arg5[%swap3A, %swap3A_22] : memref<640x128xf32, #tpu.memory_space<vmem>>, vector<640x128xf32>
    tpu.vector_store %arg5[%swap3A, %swap3A_22], %mul3A_21 {strides = array<i32>} : memref<640x128xf32, #tpu.memory_space<vmem>>, vector<640x128xf32>,
    %swap3A_24 = arith.constant 0 : index
    %swap3A_25 = arith.constant 0 : index
    %swap3A_26 = vector.load %arg6[%swap3A_24, %swap3A_25] : memref<640x1xf32, #tpu.memory_space<vmem>>, vector<640x1xf32>
    tpu.vector_store %arg6[%swap3A_24, %swap3A_25], %select_n3A {strides = array<i32>} : memref<640x1xf32, #tpu.memory_space<vmem>>, vector<640x1xf32>,
    return
  }
  func.func @transform_0(%arg0: i32) -> (i32, i32) {
    %c0_i32 = arith.constant 0 : i32
    %c0_i32_0 = arith.constant 0 : i32
    return %arg0, %c0_i32 : i32, i32
  }
  func.func @transform_1(%arg0: i32) -> (i32, i32) {
    %c0_i32 = arith.constant 0 : i32
    %c0_i32_0 = arith.constant 0 : i32
    %c0_i32_1 = arith.constant 0 : i32
    return %c0_i32, %c0_i32_0 : i32, i32
  }
  func.func @transform_2(%arg0: i32) -> (i32, i32) {
    %c0_i32 = arith.constant 0 : i32
    %c0_i32_0 = arith.constant 0 : i32
    return %arg0, %c0_i32 : i32, i32
  }
  func.func @transform_3(%arg0: i32) -> (i32, i32) {
    %c0_i32 = arith.constant 0 : i32
    %c0_i32_0 = arith.constant 0 : i32
    return %arg0, %c0_i32 : i32, i32
  }
  func.func @transform_4(%arg0: i32) -> (i32, i32) {
    %c0_i32 = arith.constant 0 : i32
    %c0_i32_0 = arith.constant 0 : i32
    return %arg0, %c0_i32 : i32, i32
  }
  func.func @transform_5(%arg0: i32) -> (i32, i32) {
    %c0_i32 = arith.constant 0 : i32
    %c0_i32_0 = arith.constant 0 : i32
    return %arg0, %c0_i32 : i32, i32
  }
}

module attributes {stable_mosaic.version = 14 : i64} {
  func.func @_tc2_body(%arg0: i32, %arg1: memref<640x128xf32, #tpu.memory_space<vmem>>, %arg2: memref<640x128xf32, #tpu.memory_space<vmem>>, %arg3: memref<640x128xf32, #tpu.memory_space<vmem>>, %arg4: memref<640x1xf32, #tpu.memory_space<vmem>>, %arg5: memref<1x128xf32, #tpu.memory_space<vmem>>, %arg6: memref<128x128xf32, #tpu.memory_space<vmem>>, %arg7: memref<640x128xf32, #tpu.memory_space<vmem>>) attributes {dimension_semantics = [#tpu.dimension_semantics<arbitrary>], iteration_bounds = array<i64: 16>, scalar_prefetch = 0 : i64, scratch_operands = 0 : i64, tpu.core_type = #tpu.core_type<tc>, window_params = [{transform_indices = @transform_0, window_bounds = array<i64: 640, 128>}, {transform_indices = @transform_1, window_bounds = array<i64: 640, 128>}, {transform_indices = @transform_2, window_bounds = array<i64: 640, 128>}, {transform_indices = @transform_3, window_bounds = array<i64: 640, 1>}, {pipeline_mode = #tpu.pipeline_mode<synchronous>, transform_indices = @transform_4, window_bounds = array<i64: 1, 128>}, {pipeline_mode = #tpu.pipeline_mode<synchronous>, transform_indices = @transform_5, window_bounds = array<i64: 128, 128>}, {transform_indices = @transform_6, window_bounds = array<i64: 640, 128>}]} {
    %get3A = arith.constant 0 : index
    %get3A_0 = arith.constant 0 : index
    %get3A_1 = vector.load %arg4[%get3A, %get3A_0] : memref<640x1xf32, #tpu.memory_space<vmem>>, vector<640x1xf32>
    %get3A_2 = arith.constant 0 : index
    %get3A_3 = arith.constant 0 : index
    %get3A_4 = vector.load %arg2[%get3A_2, %get3A_3] : memref<640x128xf32, #tpu.memory_space<vmem>>, vector<640x128xf32>
    %get3A_5 = arith.constant 0 : index
    %get3A_6 = arith.constant 0 : index
    %get3A_7 = vector.load %arg3[%get3A_5, %get3A_6] : memref<640x128xf32, #tpu.memory_space<vmem>>, vector<640x128xf32>
    %add3A = arith.addf %get3A_4, %get3A_7 : vector<640x128xf32>
    %get3A_8 = arith.constant 0 : index
    %get3A_9 = arith.constant 0 : index
    %get3A_10 = vector.load %arg1[%get3A_8, %get3A_9] : memref<640x128xf32, #tpu.memory_space<vmem>>, vector<640x128xf32>
    %add3A_11 = arith.addf %add3A, %get3A_10 : vector<640x128xf32>
    %mul3A = vector.broadcast %get3A_1 : vector<640x1xf32> to vector<640x128xf32>
    %mul3A_12 = arith.mulf %mul3A, %add3A_11 : vector<640x128xf32>
    %get3A_13 = arith.constant 0 : index
    %get3A_14 = arith.constant 0 : index
    %get3A_15 = vector.load %arg5[%get3A_13, %get3A_14] : memref<1x128xf32, #tpu.memory_space<vmem>>, vector<1x128xf32>
    %add3A_16 = vector.broadcast %get3A_15 : vector<1x128xf32> to vector<640x128xf32>
    %add3A_17 = arith.addf %mul3A_12, %add3A_16 : vector<640x128xf32>
    %max3A = arith.constant 0.000000e+00 : f32
    %max3A_18 = vector.broadcast %max3A : f32 to vector<640x128xf32>
    %max3A_19 = arith.maximumf %add3A_17, %max3A_18 : vector<640x128xf32>
    %get3A_20 = arith.constant 0 : index
    %get3A_21 = arith.constant 0 : index
    %get3A_22 = vector.load %arg6[%get3A_20, %get3A_21] : memref<128x128xf32, #tpu.memory_space<vmem>>, vector<128x128xf32>
    %dot_general3A = arith.constant dense<0.000000e+00> : vector<640x128xf32>
    %dot_general3A_23 = tpu.matmul %max3A_19, %get3A_22, %dot_general3A {dimension_numbers = #tpu.dot_dimension_numbers<[1], [0], [0], [1], [0, 0, 1, 1], [], []>, transpose_lhs_hint = false} : vector<640x128xf32>, vector<128x128xf32>, vector<640x128xf32> -> vector<640x128xf32>
    %mul3A_24 = vector.broadcast %get3A_1 : vector<640x1xf32> to vector<640x128xf32>
    %mul3A_25 = arith.mulf %mul3A_24, %dot_general3A_23 : vector<640x128xf32>
    %swap3A = arith.constant 0 : index
    %swap3A_26 = arith.constant 0 : index
    %swap3A_27 = vector.load %arg7[%swap3A, %swap3A_26] : memref<640x128xf32, #tpu.memory_space<vmem>>, vector<640x128xf32>
    tpu.vector_store %arg7[%swap3A, %swap3A_26], %mul3A_25 {strides = array<i32>} : memref<640x128xf32, #tpu.memory_space<vmem>>, vector<640x128xf32>,
    return
  }
  func.func @transform_0(%arg0: i32) -> (i32, i32) {
    %c0_i32 = arith.constant 0 : i32
    %c0_i32_0 = arith.constant 0 : i32
    return %arg0, %c0_i32 : i32, i32
  }
  func.func @transform_1(%arg0: i32) -> (i32, i32) {
    %c0_i32 = arith.constant 0 : i32
    %c0_i32_0 = arith.constant 0 : i32
    return %arg0, %c0_i32 : i32, i32
  }
  func.func @transform_2(%arg0: i32) -> (i32, i32) {
    %c0_i32 = arith.constant 0 : i32
    %c0_i32_0 = arith.constant 0 : i32
    return %arg0, %c0_i32 : i32, i32
  }
  func.func @transform_3(%arg0: i32) -> (i32, i32) {
    %c0_i32 = arith.constant 0 : i32
    %c0_i32_0 = arith.constant 0 : i32
    return %arg0, %c0_i32 : i32, i32
  }
  func.func @transform_4(%arg0: i32) -> (i32, i32) {
    %c0_i32 = arith.constant 0 : i32
    %c0_i32_0 = arith.constant 0 : i32
    %c0_i32_1 = arith.constant 0 : i32
    return %c0_i32, %c0_i32_0 : i32, i32
  }
  func.func @transform_5(%arg0: i32) -> (i32, i32) {
    %c0_i32 = arith.constant 0 : i32
    %c0_i32_0 = arith.constant 0 : i32
    %c0_i32_1 = arith.constant 0 : i32
    return %c0_i32, %c0_i32_0 : i32, i32
  }
  func.func @transform_6(%arg0: i32) -> (i32, i32) {
    %c0_i32 = arith.constant 0 : i32
    %c0_i32_0 = arith.constant 0 : i32
    return %arg0, %c0_i32 : i32, i32
  }
}

module attributes {stable_mosaic.version = 14 : i64} {
  func.func @_tc3_body(%arg0: i32, %arg1: memref<640x128xf32, #tpu.memory_space<vmem>>, %arg2: memref<640x128xf32, #tpu.memory_space<vmem>>, %arg3: memref<640x128xf32, #tpu.memory_space<vmem>>, %arg4: memref<640x1xf32, #tpu.memory_space<vmem>>, %arg5: memref<1x128xf32, #tpu.memory_space<vmem>>, %arg6: memref<128x128xf32, #tpu.memory_space<vmem>>, %arg7: memref<1x128xf32, #tpu.memory_space<vmem>>, %arg8: memref<640x128xf32, #tpu.memory_space<vmem>>, %arg9: memref<640x128xf32, #tpu.memory_space<vmem>>) attributes {dimension_semantics = [#tpu.dimension_semantics<arbitrary>], iteration_bounds = array<i64: 16>, scalar_prefetch = 0 : i64, scratch_operands = 0 : i64, tpu.core_type = #tpu.core_type<tc>, window_params = [{transform_indices = @transform_0, window_bounds = array<i64: 640, 128>}, {transform_indices = @transform_1, window_bounds = array<i64: 640, 128>}, {transform_indices = @transform_2, window_bounds = array<i64: 640, 128>}, {transform_indices = @transform_3, window_bounds = array<i64: 640, 1>}, {pipeline_mode = #tpu.pipeline_mode<synchronous>, transform_indices = @transform_4, window_bounds = array<i64: 1, 128>}, {pipeline_mode = #tpu.pipeline_mode<synchronous>, transform_indices = @transform_5, window_bounds = array<i64: 128, 128>}, {pipeline_mode = #tpu.pipeline_mode<synchronous>, transform_indices = @transform_6, window_bounds = array<i64: 1, 128>}, {transform_indices = @transform_7, window_bounds = array<i64: 640, 128>}, {transform_indices = @transform_8, window_bounds = array<i64: 640, 128>}]} {
    %get3A = arith.constant 0 : index
    %get3A_0 = arith.constant 0 : index
    %get3A_1 = vector.load %arg4[%get3A, %get3A_0] : memref<640x1xf32, #tpu.memory_space<vmem>>, vector<640x1xf32>
    %get3A_2 = arith.constant 0 : index
    %get3A_3 = arith.constant 0 : index
    %get3A_4 = vector.load %arg2[%get3A_2, %get3A_3] : memref<640x128xf32, #tpu.memory_space<vmem>>, vector<640x128xf32>
    %get3A_5 = arith.constant 0 : index
    %get3A_6 = arith.constant 0 : index
    %get3A_7 = vector.load %arg3[%get3A_5, %get3A_6] : memref<640x128xf32, #tpu.memory_space<vmem>>, vector<640x128xf32>
    %add3A = arith.addf %get3A_4, %get3A_7 : vector<640x128xf32>
    %get3A_8 = arith.constant 0 : index
    %get3A_9 = arith.constant 0 : index
    %get3A_10 = vector.load %arg1[%get3A_8, %get3A_9] : memref<640x128xf32, #tpu.memory_space<vmem>>, vector<640x128xf32>
    %add3A_11 = arith.addf %add3A, %get3A_10 : vector<640x128xf32>
    %mul3A = vector.broadcast %get3A_1 : vector<640x1xf32> to vector<640x128xf32>
    %mul3A_12 = arith.mulf %mul3A, %add3A_11 : vector<640x128xf32>
    %get3A_13 = arith.constant 0 : index
    %get3A_14 = arith.constant 0 : index
    %get3A_15 = vector.load %arg5[%get3A_13, %get3A_14] : memref<1x128xf32, #tpu.memory_space<vmem>>, vector<1x128xf32>
    %add3A_16 = vector.broadcast %get3A_15 : vector<1x128xf32> to vector<640x128xf32>
    %add3A_17 = arith.addf %mul3A_12, %add3A_16 : vector<640x128xf32>
    %swap3A = arith.constant 0 : index
    %swap3A_18 = arith.constant 0 : index
    %swap3A_19 = vector.load %arg8[%swap3A, %swap3A_18] : memref<640x128xf32, #tpu.memory_space<vmem>>, vector<640x128xf32>
    tpu.vector_store %arg8[%swap3A, %swap3A_18], %add3A_17 {strides = array<i32>} : memref<640x128xf32, #tpu.memory_space<vmem>>, vector<640x128xf32>,
    %get3A_20 = arith.constant 0 : index
    %get3A_21 = arith.constant 0 : index
    %get3A_22 = vector.load %arg6[%get3A_20, %get3A_21] : memref<128x128xf32, #tpu.memory_space<vmem>>, vector<128x128xf32>
    %dot_general3A = arith.constant dense<0.000000e+00> : vector<640x128xf32>
    %dot_general3A_23 = tpu.matmul %add3A_17, %get3A_22, %dot_general3A {dimension_numbers = #tpu.dot_dimension_numbers<[1], [0], [0], [1], [0, 0, 1, 1], [], []>, transpose_lhs_hint = false} : vector<640x128xf32>, vector<128x128xf32>, vector<640x128xf32> -> vector<640x128xf32>
    %get3A_24 = arith.constant 0 : index
    %get3A_25 = arith.constant 0 : index
    %get3A_26 = vector.load %arg7[%get3A_24, %get3A_25] : memref<1x128xf32, #tpu.memory_space<vmem>>, vector<1x128xf32>
    %add3A_27 = vector.broadcast %get3A_26 : vector<1x128xf32> to vector<640x128xf32>
    %add3A_28 = arith.addf %dot_general3A_23, %add3A_27 : vector<640x128xf32>
    %swap3A_29 = arith.constant 0 : index
    %swap3A_30 = arith.constant 0 : index
    %swap3A_31 = vector.load %arg9[%swap3A_29, %swap3A_30] : memref<640x128xf32, #tpu.memory_space<vmem>>, vector<640x128xf32>
    tpu.vector_store %arg9[%swap3A_29, %swap3A_30], %add3A_28 {strides = array<i32>} : memref<640x128xf32, #tpu.memory_space<vmem>>, vector<640x128xf32>,
    return
  }
  func.func @transform_0(%arg0: i32) -> (i32, i32) {
    %c0_i32 = arith.constant 0 : i32
    %c0_i32_0 = arith.constant 0 : i32
    return %arg0, %c0_i32 : i32, i32
  }
  func.func @transform_1(%arg0: i32) -> (i32, i32) {
    %c0_i32 = arith.constant 0 : i32
    %c0_i32_0 = arith.constant 0 : i32
    return %arg0, %c0_i32 : i32, i32
  }
  func.func @transform_2(%arg0: i32) -> (i32, i32) {
    %c0_i32 = arith.constant 0 : i32
    %c0_i32_0 = arith.constant 0 : i32
    return %arg0, %c0_i32 : i32, i32
  }
  func.func @transform_3(%arg0: i32) -> (i32, i32) {
    %c0_i32 = arith.constant 0 : i32
    %c0_i32_0 = arith.constant 0 : i32
    return %arg0, %c0_i32 : i32, i32
  }
  func.func @transform_4(%arg0: i32) -> (i32, i32) {
    %c0_i32 = arith.constant 0 : i32
    %c0_i32_0 = arith.constant 0 : i32
    %c0_i32_1 = arith.constant 0 : i32
    return %c0_i32, %c0_i32_0 : i32, i32
  }
  func.func @transform_5(%arg0: i32) -> (i32, i32) {
    %c0_i32 = arith.constant 0 : i32
    %c0_i32_0 = arith.constant 0 : i32
    %c0_i32_1 = arith.constant 0 : i32
    return %c0_i32, %c0_i32_0 : i32, i32
  }
  func.func @transform_6(%arg0: i32) -> (i32, i32) {
    %c0_i32 = arith.constant 0 : i32
    %c0_i32_0 = arith.constant 0 : i32
    %c0_i32_1 = arith.constant 0 : i32
    return %c0_i32, %c0_i32_0 : i32, i32
  }
  func.func @transform_7(%arg0: i32) -> (i32, i32) {
    %c0_i32 = arith.constant 0 : i32
    %c0_i32_0 = arith.constant 0 : i32
    return %arg0, %c0_i32 : i32, i32
  }
  func.func @transform_8(%arg0: i32) -> (i32, i32) {
    %c0_i32 = arith.constant 0 : i32
    %c0_i32_0 = arith.constant 0 : i32
    return %arg0, %c0_i32 : i32, i32
  }
}

</mosaic_0001>

<sc_bundles>
// kernel: kernel.11.cloned.1.call-start
scs
__scs_entry_jumppad:
0x0: {  	(pc) =	sbr.rel $0x88, $3  }
0x1: {  	(tag) =	ssettag $0x0;
	lr =	simm.s32 $0x1  }
0x2: {  	[smem:$0x3F99] =	sst lr;
	_ =	strace $0xD0000000  }
0x3: {  	_ = 	snop  }
0x4: {  	_ = 	snop  }
0x5: {  	_ = 	snop  }
0x6: {  	_ = 	snop  }
0x7: {  	_ = 	snop  }
__scs_overlays_trampoline_lowered:
0x8: {  	[smem:$0x3FA8] =	sst s0  }
0x9: {  	[smem:$0x3FA9] =	sst s1  }
0xa: {  	[smem:$0x3FAA] =	sst s2  }
0xb: {  	[smem:$0x3FAB] =	sst s3  }
0xc: {  	[smem:$0x3FAC] =	sst s4  }
0xd: {  	[smem:$0x3FAD] =	sst s5  }
0xe: {  	[smem:$0x3FAE] =	sst s6  }
0xf: {  	[smem:$0x3FAF] =	sst s7  }
0x10: {  	[smem:$0x3FB0] =	sst s8  }
0x11: {  	[smem:$0x3FB1] =	sst s9;
	s0 =	simm.s32 @!p0 $0x0  }
0x12: {  	s1 =	sld [smem:$0x3F97];
	s0 =	simm.s32 @p0 $0x1  }
0x13: {  	[smem:$0x3FB2] =	sst s0;
	s0 =	simm.s32 @!p1 $0x0  }
0x14: {  	s2 =	sld [smem:$0x3F96];
	s0 =	simm.s32 @p1 $0x1  }
0x15: {  	[smem:$0x3FB3] =	sst s0;
	s0 =	simm.s32 @!p2 $0x0  }
0x16: {  	s3 =	sld [smem:$0x3FDB];
	s0 =	simm.s32 @p2 $0x1  }
0x17: {  	s4 =	simm.s32 $0x1BF5;
	[smem:$0x3FB5] =	sst s0  }
0x18: {  	s0 =	sld [smem:$0x3F98];
	_ =	swait.ge [sflag:s4], $0x0  }
0x19: {  	s7 =	sld [smem:$0x3F99]  }
0x1a: {  	s8 =	sadd.s32 $0xFFFFE003, lr  }
0x1b: {  	s9 =	sadd.s32 $0xFFFFFEF7, lr;
	s5 =	simm.s32 $0xFFFFFFFF;
	p2 =	slt.u32 s8, $0xFFFFF086  }
0x1c: {  	p1 =	slt.u32 s9, $0xF7A;
	s5 =	simm.s32 @!p2 $0x0  }
0x1d: {  	s5 =	simm.s32 @p1 $0x1;
	p0 =	seq.s32 s7, s2  }
0x1e: {  	s7 =	smul.u32 @!p0 $0xF7A, s2;
	p2 =	seq.s32 @!p0 s5, $0x0  }
0x1f: {  	s9 =	smul.u32 $0xF7A, s1;
	s8 =	simm.s32 @!p0 $0x1BF5;
	p2 =	por !p2, p0  }
0x20: {  	[sflag:s8] =	ssyncset.s32 @!p0 $0xFFFFF086;
	s6 =	sadd.s32 @!p0 s3, s7;
	s7 =	simm.s32 @!p0 $0x108  }
0x21: {  	s3 =	sadd.s32 s3, s9;
	s6 =	sadd.s32 @!p0 $0x88, s6;
	s7 =	simm.s32 @p2 $0x1082  }
0x22: {  	[simem:s7], [sflag:s8] =	dma.local @!p0 [hbm:s6], $0xF7A  }
0x23: {  	s9 =	sor.u32 $0xD0000000, s2;
	s6 =	simm.s32 $0x108;
	_ =	swait.ge @!p0 [sflag:s8], $0x0  }
0x24: {  	s3 =	sadd.s32 $0x88, s3;
	s6 =	simm.s32 @!p1 $0x1082;
	[sflag:s4] =	ssyncset.s32 $0xFFFFF086  }
0x25: {  	[simem:s6], [sflag:s4] =	dma.local [hbm:s3], $0xF7A  }
0x26: {  	[smem:$0x3F99] =	sst s1;
	(tag) =	ssettag s2;
	_ =	strace s9  }
0x27: {  	s1 =	sld [smem:$0x3FA9]  }
0x28: {  	s2 =	sld [smem:$0x3FAA]  }
0x29: {  	s4 =	sld [smem:$0x3FAC]  }
0x2a: {  	p0 =	seq.s32 s5, $0x0;
	s5 =	sld [smem:$0x3FAD]  }
0x2b: {  	s6 =	sld [smem:$0x3FAE]  }
0x2c: {  	s7 =	sld [smem:$0x3FAF]  }
0x2d: {  	s3 =	simm.s32 $0x108;
	s8 =	sld [smem:$0x3FB0]  }
0x2e: {  	s3 =	simm.s32 @!p0 $0x1082;
	s9 =	sld [smem:$0x3FB1]  }
0x2f: {  	lr =	sadd.s32 s0, s3;
	s0 =	sld [smem:$0x3FA8]  }
0x30: {  	s3 =	sld [smem:$0x3FAB]  }
0x31: {  	[smem:$0x3FB4] =	sst s10  }
0x32: {  	s10 =	sld [smem:$0x3FB2];
	_ =	sdelay $0x3  }
0x33: {  	p0 =	seq.s32 s10, $0x1;
	s10 =	sld [smem:$0x3FB4];
	_ =	sdelay $0x3  }
0x34: {  	[smem:$0x3FB4] =	sst s10  }
0x35: {  	s10 =	sld [smem:$0x3FB3];
	_ =	sdelay $0x3  }
0x36: {  	p1 =	seq.s32 s10, $0x1;
	s10 =	sld [smem:$0x3FB4];
	_ =	sdelay $0x3  }
0x37: {  	[smem:$0x3FB4] =	sst s10  }
0x38: {  	s10 =	sld [smem:$0x3FB5]  }
0x39: {  	_ = 	snop;
	(pc) =	sbr.ind lr, $3  }
0x3a: {  	_ = 	snop  }
0x3b: {  	_ = 	snop  }
0x3c: {  	p2 =	seq.s32 s10, $0x1;
	s10 =	sld [smem:$0x3FB4]  }
0x3d: {  	_ =	shalt  }
0x3e: {  	_ =	shalt  }
0x3f: {  	_ =	shalt  }
0x40: {  	_ =	shalt  }
0x41: {  	_ =	shalt  }
0x42: {  	_ =	shalt  }
0x43: {  	_ =	shalt  }
0x44: {  	_ =	shalt  }
0x45: {  	_ =	shalt  }
0x46: {  	_ =	shalt  }
0x47: {  	_ =	shalt  }
0x48: {  	_ =	shalt  }
0x49: {  	_ =	shalt  }
0x4a: {  	_ =	shalt  }
0x4b: {  	_ =	shalt  }
0x4c: {  	_ =	shalt  }
0x4d: {  	_ =	shalt  }
0x4e: {  	_ =	shalt  }
0x4f: {  	_ =	shalt  }
0x50: {  	_ =	shalt  }
0x51: {  	_ =	shalt  }
0x52: {  	_ =	shalt  }
0x53: {  	_ =	shalt  }
0x54: {  	_ =	shalt  }
0x55: {  	_ =	shalt  }
0x56: {  	_ =	shalt  }
0x57: {  	_ =	shalt  }
0x58: {  	_ =	shalt  }
0x59: {  	_ =	shalt  }
0x5a: {  	_ =	shalt  }
0x5b: {  	_ =	shalt  }
0x5c: {  	_ =	shalt  }
0x5d: {  	_ =	shalt  }
0x5e: {  	_ =	shalt  }
0x5f: {  	_ =	shalt  }
0x60: {  	_ =	shalt  }
0x61: {  	_ =	shalt  }
0x62: {  	_ =	shalt  }
0x63: {  	_ =	shalt  }
0x64: {  	_ =	shalt  }
0x65: {  	_ =	shalt  }
0x66: {  	_ =	shalt  }
0x67: {  	_ =	shalt  }
0x68: {  	_ =	shalt  }
0x69: {  	_ =	shalt  }
0x6a: {  	_ =	shalt  }
0x6b: {  	_ =	shalt  }
0x6c: {  	_ =	shalt  }
0x6d: {  	_ =	shalt  }
0x6e: {  	_ =	shalt  }
0x6f: {  	_ =	shalt  }
0x70: {  	_ =	shalt  }
0x71: {  	_ =	shalt  }
0x72: {  	_ =	shalt  }
0x73: {  	_ =	shalt  }
0x74: {  	_ =	shalt  }
0x75: {  	_ =	shalt  }
0x76: {  	_ =	shalt  }
0x77: {  	_ =	shalt  }
0x78: {  	_ =	shalt  }
0x79: {  	_ =	shalt  }
0x7a: {  	_ =	shalt  }
0x7b: {  	_ =	shalt  }
0x7c: {  	_ =	shalt  }
0x7d: {  	_ =	shalt  }
0x7e: {  	_ =	shalt  }
0x7f: {  	_ =	shalt  }
0x80: {  	_ =	shalt  }
0x81: {  	_ =	shalt  }
0x82: {  	_ =	shalt  }
0x83: {  	_ =	shalt  }
0x84: {  	_ =	shalt  }
0x85: {  	_ =	shalt  }
0x86: {  	_ =	shalt  }
0x87: {  	_ =	shalt  }
.Lfunc_end0:
.L_simem_size_0:
called_computation.1_lowered:
.L_overlay_start_0:
0x88: {  	s2 =	sld [smem:$0x3FD9]  }
0x89: {  	s3 =	sld [smem:$0x3FFE];
	_ =	sdelay $0x1  }
0x8a: {  	s1 =	srdreg.scid  }
0x8b: {  	s0 =	sand.u32 $0x1, s1  }
0x8c: {  	s14 =	sshll.u32 s0, $0xA;
	s2 =	sadd.s32 s3, s2  }
0x8d: {  	s2 =	sadd.s32 s2, s14  }
0x8e: {  	[smem:$0x3FC0] =	sst s2  }
0x8f: {  	_ = 	snop  }
0x90: {  	s2 =	sld [smem:$0x3FD0];
	_ =	sdelay $0x2  }
0x91: {  	s15 =	simm.s32 $0xA;
	s4 =	simm.s32 $0x10  }
0x92: {  	[smem:s4], [sflag:s15] =	dma.local [hbm:s2], $0x1  }
0x93: {  	_ =	swait.eq [sflag:s15], $0x1  }
0x94: {  	[sflag:s15] =	ssyncset.done $0x0  }
0x95: {  	[sflag:s15] =	ssyncadd.s32 $0xFFFFFFFF  }
0x96: {  	s16 =	sld [smem:$0x10];
	(tm) =	ssettm $0x1  }
0x97: {  	s17 =	sld [smem:$0x3FFB];
	_ =	sdelay $0x3  }
0x98: {  	_ =	strace s17  }
0x99: {  	s3 =	sld [smem:$0x3FFC];
	_ =	sdelay $0x3  }
0x9a: {  	_ =	strace s3  }
0x9b: {  	s3 =	sld [smem:$0x3FFD];
	_ =	sdelay $0x3  }
0x9c: {  	_ =	strace s3  }
0x9d: {  	_ =	strace $0x8FFFFFFF  }
0x9e: {  	s18 =	sld [smem:$0x3FDB];
	_ =	sdelay $0x1  }
0x9f: {  	s19 =	simm.s32 $_scs_section_size  }
0xa0: {  	s5 =	simm.s32 $_size__tile_overlayer_lowered;
	s6 =	simm.s32 $_tile_overlayer_lowered  }
0xa1: {  	s22 =	simm.s32 $0x1BFF;
	s21 =	sshll.u32 s6, $0x1;
	s3 =	sadd.s32 s19, s18  }
0xa2: {  	s7 =	simm.s32 $0x0;
	s20 =	sshll.u32 s5, $0x1;
	s5 =	sadd.s32 s21, s3  }
0xa3: {  	[timem:s7], [sflag:s22] =	dma.local [hbm:s5], s20  }
0xa4: {  	_ =	swait.ge [sflag:s22], s20  }
0xa5: {  	s4 =	ssub.s32 $0x0, s20;
	[sflag:s22] =	ssyncset.done $0x0  }
0xa6: {  	[sflag:s22] =	ssyncadd.s32 s4;
	_ =	sdelay $0x1  }
0xa7: {  	s23 =	simm.s32 $0x1B8B  }
0xa8: {  	_ =	swait.ge [sflag:s23], $0x1  }
0xa9: {  	[sflag:s23] =	ssyncset.done $0x0  }
0xaa: {  	s25 =	simm.s32 $0x1B8E;
	s24 =	sld [smem:$0x3FFE];
	[sflag:s23] =	ssyncadd.s32 $0xFFFFFFFF  }
0xab: {  	s26 =	simm.s32 $execute0_lowered;
	[smem:$0x3FD2] =	sst s25  }
0xac: {  	s5 =	sshll.u32 s26, $0x1;
	_ =	strace $0x80000049;
	[dreg:$0x1] =	wrdreg $0xFFFFFFFF  }
0xad: {  	s28 =	simm.s32 $_size_execute0_lowered;
	s3 =	sadd.s32 s3, s5;
	[dreg:$0x0] =	wrdreg $0x0  }
0xae: {  	s5 =	sshll.u32 s28, $0x1;
	[dreg:$0x2] =	wrdreg s3  }
0xaf: {  	[dreg:$0x3] =	wrdreg s5  }
0xb0: {  	[dreg:$0x4] =	wrdreg $0xC0  }
0xb1: {  	_ =	task [dreg:s7], $0x5FFFF  }
0xb2: {  	[dreg:$0x1] =	wrdreg $0xFFFFFFFF  }
0xb3: {  	[dreg:$0x0] =	wrdreg $0x60  }
0xb4: {  	[dreg:$0x2] =	wrdreg s24  }
0xb5: {  	[dreg:$0x3] =	wrdreg s16  }
0xb6: {  	[dreg:$0x4] =	wrdreg $0xB8000  }
0xb7: {  	[dreg:$0x5] =	wrdreg $0x9  }
0xb8: {  	_ =	task.clear_ibuf [dreg:s7], $0x6FFFF;
	_ =	strace $0x90000049  }
0xb9: {  	s29 =	simm.s32 $0x9;
	_ =	strace $0x8000004B  }
0xba: {  	_ =	swait.ge [sflag:s29], $0x1  }
0xbb: {  	[sflag:s29] =	ssyncadd.s32 $0xFFFFFFFF  }
0xbc: {  	_ =	strace $0x9000004B  }
0xbd: {  	_ =	sfence  }
0xbe: {  	s30 =	sld [smem:$0x0];
	_ =	sdelay $0x2  }
0xbf: {  	s31 =	sshll.u32 s1, $0xD;
	s1 =	sshrl.u32 s1, $0x2  }
0xc0: {  	s3 =	sand.u32 $0x4000, s31;
	s1 =	sadd.s32 s1, s30  }
0xc1: {  	s0 =	sor.u32 s3, s0;
	s1 =	sshll.u32 s1, $0x11  }
0xc2: {  	s0 =	sor.u32 s1, s0  }
0xc3: {  	s0 =	sadd.s32 $0x8F2B, s0  }
0xc4: {  	[sflag:s0] =	ssyncadd.remote.s32 $0x1  }
0xc5: {  	_ =	sfence.sel $0xFFFF  }
0xc6: {  	[dreg:$0x0] =	wrdreg $0xFFFFFFFF;
	(pc) =	sbr.abs _section_cstart, $3  }
0xc7: {  	[dreg:$0x1] =	wrdreg $0xFFFFFFFF  }
0xc8: {  	_ =	task.clear_ibuf [dreg:s7], $0x2FFFF;
	_ =	strace $0x9FFFFFFF  }
0xc9: {  	(tm) =	ssettm $0x7FFFFFFF  }
tec
execute0_lowered:
.L_overlay_start_1:
0x0: {  	(tag) =	ssettag $0x1  }
0x1: {  	s0 =	rddreg [dreg:$0x0]  }
0x2: {  	s16 =	rddreg [dreg:$0x1]  }
0x3: {  	s1 =	rddreg [dreg:$0x2];
	s2 =	srdreg.scid;
	s3 =	simm.s32 $0x0  }
0x4: {  	s21 =	simm.s32 $0x3;
	s22 =	simm.s32 $0x1C00;
	s23 =	simm.s32 $0x80  }
0x5: {  	s28 =	simm.s32 $0x2;
	s29 =	simm.s32 $0x3700;
	s10 =	sand.u32 $0x1, s2  }
0x6: {  	s30 =	simm.s32 $0x3780;
	s2 =	stileid.u32;
	s5 =	smul.u32 $0x140000, s10  }
0x7: {  	s31 =	simm.s32 $0x0;
	[smem:$0x7FF] =	sst s3;
	s6 =	smul.u32 $0x14000, s2  }
0x8: {  	s4 =	sadd.s32 $0xDA00, s0;
	s17 =	sadd.s32 $0x3A00, s0;
	s24 =	smul.u32 $0x50000, s2  }
0x9: {  	_ =	strace $0x8000004A;
	s7 =	ssub.s32 $0x2, s10;
	s11 =	smul.u32 $0x4C00, s2  }
0xa: {  	s12 =	smul.u32 $0x980, s2;
	p0 =	seq.s32 s10, $0x1;
	s15 =	sshll.u32 s2, $0x7  }
0xb: {  	s25 =	sshrl.u32 s7, $0x1;
	s20 =	sor.u32 $0x9800, s15;
	s5 =	sadd.s32 s6, s5  }
0xc: {  	s6 =	sshrl.u32 s24, $0x2;
	s19 =	ssub.s32 s7, s25;
	s14 =	sshrl.u32 s11, $0x3  }
0xd: {  	s26 =	sadd.s32 s16, s12;
	s11 =	sadd.s32 s17, s12;
	s24 =	simm.s32 $0x7800  }
0xe: {  	s25 =	simm.s32 $0x1;
	s5 =	sshrl.u32 s5, $0x3;
	[dreg:$0x4] =	wrdreg s26  }
0xf: {  	s13 =	sadd.s32 $0x380, s14;
	s18 =	sadd.s32 $0x700, s14;
	s19 =	smax.u32 s19, $0x1  }
.Ltmp0:
0x10: {  	s0 =	sadd.s32 s5, s0;
	s5 =	sadd.s32 s6, s1;
	(pc) =	sbr.rel .LBB2_1-.Ltmp0, $4  }
0x11: {  	s12 =	sadd.s32 s16, s13;
	s13 =	sadd.s32 s17, s13;
	s14 =	sadd.s32 s16, s18  }
0x12: {  	s15 =	sadd.s32 s17, s18;
	s16 =	sadd.s32 s16, s20;
	s17 =	sadd.s32 s17, s20  }
0x13: {  	s20 =	simm.s32 $0x3800;
	s6 =	sadd.s32 $0x4000, s5;
	s7 =	sadd.s32 $0x8000, s5  }
0x14: {  	v0 =	vimm.f32 $0.0e+00;
	s8 =	sadd.s32 $0xC000, s5;
	s9 =	sadd.s32 $0x10000, s5;
	s18 =	sadd.s32 $0x5DA00, s0  }
.LBB2_11:
0x15: {  	[tilespmem:s3], [sflag:$0x3] =	stream.linear.gather [hbm4b:s16+s3], $0x400, $0x38;
	[tilespmem:$0x1F800] =	vst v63  }
0x16: {  	_ =	swait.ge [sflag:s21], $0x400  }
0x17: {  	[sflag:s21] =	ssyncset.done $0x0  }
0x18: {  	[sflag:s21] =	ssyncadd.s32 $0xFFFFFC00  }
0x19: {  	[tilespmem:s22], [sflag:$0x3] =	stream.linear.gather [hbm4b:s17+s3], $0x400, $0x38;
	[tilespmem:$0x1F800] =	vst v63  }
0x1a: {  	_ =	swait.ge [sflag:s21], $0x400  }
0x1b: {  	[sflag:s21] =	ssyncset.done $0x0  }
0x1c: {  	[sflag:s21] =	ssyncadd.s32 $0xFFFFFC00  }
0x1d: {  	[tilespmem:s20], [sflag:$0x1] =	stream.indirect.gather [hbm4b:s4+s23], $0x80, s3, s23, $0xb8;
	[tilespmem:$0x1F800] =	vst v63  }
0x1e: {  	_ = 	snop  }
0x1f: {  	[tilespmem:s24], [sflag:$0x2] =	stream.indirect.gather [hbm4b:s4+s23], $0x80, s23, s23, $0xb8;
	[tilespmem:$0x1F800] =	vst v63  }
0x20: {  	_ =	swait.ge [sflag:s25], $0x4000  }
0x21: {  	[sflag:s25] =	ssyncset.done $0x0  }
0x22: {  	[sflag:s25] =	ssyncadd.s32 $0xFFFFC000  }
0x23: {  	[spmem:s1] =	stream.indirect.scatter.add.f32 [tilespmem:s20], [sflag:$0x3], $0x80, s22, s23, $0xb8;
	[tilespmem:$0x1F800] =	vst v63  }
0x24: {  	_ =	swait.ge [sflag:s21], $0x4000  }
0x25: {  	[sflag:s21] =	ssyncset.done $0x0  }
0x26: {  	s0 =	simm.s32 $0x100;
	[sflag:s21] =	ssyncadd.s32 $0xFFFFC000  }
0x27: {  	[tilespmem:s20], [sflag:$0x1] =	stream.indirect.gather [hbm4b:s4+s23], $0x80, s0, s23, $0xb8;
	[tilespmem:$0x1F800] =	vst v63  }
0x28: {  	_ =	swait.ge [sflag:s28], $0x4000  }
0x29: {  	[sflag:s28] =	ssyncset.done $0x0  }
0x2a: {  	s10 =	simm.s32 $0x1C80;
	[sflag:s28] =	ssyncadd.s32 $0xFFFFC000  }
0x2b: {  	[spmem:s1] =	stream.indirect.scatter.add.f32 [tilespmem:s24], [sflag:$0x3], $0x80, s10, s23, $0xb8;
	[tilespmem:$0x1F800] =	vst v63  }
0x2c: {  	_ =	swait.ge [sflag:s21], $0x4000  }
0x2d: {  	[sflag:s21] =	ssyncset.done $0x0  }
0x2e: {  	s26 =	simm.s32 $0x180;
	[sflag:s21] =	ssyncadd.s32 $0xFFFFC000  }
0x2f: {  	[tilespmem:s24], [sflag:$0x2] =	stream.indirect.gather [hbm4b:s4+s23], $0x80, s26, s23, $0xb8;
	[tilespmem:$0x1F800] =	vst v63  }
0x30: {  	_ =	swait.ge [sflag:s25], $0x4000  }
0x31: {  	[sflag:s25] =	ssyncset.done $0x0  }
0x32: {  	s10 =	simm.s32 $0x1D00;
	[sflag:s25] =	ssyncadd.s32 $0xFFFFC000  }
0x33: {  	[spmem:s1] =	stream.indirect.scatter.add.f32 [tilespmem:s20], [sflag:$0x3], $0x80, s10, s23, $0xb8;
	[tilespmem:$0x1F800] =	vst v63  }
0x34: {  	_ =	swait.ge [sflag:s21], $0x4000  }
0x35: {  	[sflag:s21] =	ssyncset.done $0x0  }
0x36: {  	s26 =	simm.s32 $0x200;
	[sflag:s21] =	ssyncadd.s32 $0xFFFFC000  }
0x37: {  	[tilespmem:s20], [sflag:$0x1] =	stream.indirect.gather [hbm4b:s4+s23], $0x80, s26, s23, $0xb8;
	[tilespmem:$0x1F800] =	vst v63  }
0x38: {  	_ =	swait.ge [sflag:s28], $0x4000  }
0x39: {  	[sflag:s28] =	ssyncset.done $0x0  }
0x3a: {  	s10 =	simm.s32 $0x1D80;
	[sflag:s28] =	ssyncadd.s32 $0xFFFFC000  }
0x3b: {  	[spmem:s1] =	stream.indirect.scatter.add.f32 [tilespmem:s24], [sflag:$0x3], $0x80, s10, s23, $0xb8;
	[tilespmem:$0x1F800] =	vst v63  }
0x3c: {  	_ =	swait.ge [sflag:s21], $0x4000  }
0x3d: {  	[sflag:s21] =	ssyncset.done $0x0  }
0x3e: {  	s26 =	simm.s32 $0x280;
	[sflag:s21] =	ssyncadd.s32 $0xFFFFC000  }
0x3f: {  	[tilespmem:s24], [sflag:$0x2] =	stream.indirect.gather [hbm4b:s4+s23], $0x80, s26, s23, $0xb8;
	[tilespmem:$0x1F800] =	vst v63  }
0x40: {  	_ =	swait.ge [sflag:s25], $0x4000  }
0x41: {  	[sflag:s25] =	ssyncset.done $0x0  }
0x42: {  	s10 =	simm.s32 $0x1E00;
	[sflag:s25] =	ssyncadd.s32 $0xFFFFC000  }
0x43: {  	[spmem:s1] =	stream.indirect.scatter.add.f32 [tilespmem:s20], [sflag:$0x3], $0x80, s10, s23, $0xb8;
	[tilespmem:$0x1F800] =	vst v63  }
0x44: {  	_ =	swait.ge [sflag:s21], $0x4000  }
0x45: {  	[sflag:s21] =	ssyncset.done $0x0  }
0x46: {  	s26 =	simm.s32 $0x300;
	[sflag:s21] =	ssyncadd.s32 $0xFFFFC000  }
0x47: {  	[tilespmem:s20], [sflag:$0x1] =	stream.indirect.gather [hbm4b:s4+s23], $0x80, s26, s23, $0xb8;
	[tilespmem:$0x1F800] =	vst v63  }
0x48: {  	_ =	swait.ge [sflag:s28], $0x4000  }
0x49: {  	[sflag:s28] =	ssyncset.done $0x0  }
0x4a: {  	s10 =	simm.s32 $0x1E80;
	[sflag:s28] =	ssyncadd.s32 $0xFFFFC000  }
0x4b: {  	[spmem:s1] =	stream.indirect.scatter.add.f32 [tilespmem:s24], [sflag:$0x3], $0x80, s10, s23, $0xb8;
	[tilespmem:$0x1F800] =	vst v63  }
0x4c: {  	_ =	swait.ge [sflag:s21], $0x4000  }
0x4d: {  	[sflag:s21] =	ssyncset.done $0x0  }
0x4e: {  	s26 =	simm.s32 $0x380;
	[sflag:s21] =	ssyncadd.s32 $0xFFFFC000  }
0x4f: {  	[tilespmem:s24], [sflag:$0x2] =	stream.indirect.gather [hbm4b:s4+s23], $0x80, s26, s23, $0xb8;
	[tilespmem:$0x1F800] =	vst v63  }
0x50: {  	s0 =	simm.s32 $0x1F80;
	s26 =	simm.s32 $0x1F00  }
.LBB2_12:
0x51: {  	_ =	swait.ge [sflag:s25], $0x4000  }
0x52: {  	[sflag:s25] =	ssyncset.done $0x0  }
0x53: {  	[sflag:s25] =	ssyncadd.s32 $0xFFFFC000  }
0x54: {  	[spmem:s1] =	stream.indirect.scatter.add.f32 [tilespmem:s20], [sflag:$0x3], $0x80, s26, s23, $0xb8;
	[tilespmem:$0x1F800] =	vst v63  }
0x55: {  	_ =	swait.ge [sflag:s21], $0x4000  }
0x56: {  	[sflag:s21] =	ssyncset.done $0x0  }
0x57: {  	[sflag:s21] =	ssyncadd.s32 $0xFFFFC000  }
0x58: {  	_ =	swait.ge [sflag:s28], $0x4000  }
0x59: {  	[sflag:s28] =	ssyncset.done $0x0  }
0x5a: {  	[sflag:s28] =	ssyncadd.s32 $0xFFFFC000  }
0x5b: {  	[spmem:s1] =	stream.indirect.scatter.add.f32 [tilespmem:s24], [sflag:$0x3], $0x80, s0, s23, $0xb8;
	[tilespmem:$0x1F800] =	vst v63  }
0x5c: {  	_ =	swait.ge [sflag:s21], $0x4000  }
0x5d: {  	s10 =	sshrl.u32 s5, $0x3;
	s31 =	sadd.s32 $0x1, s31;
	[sflag:s21] =	ssyncset.done $0x0  }
0x5e: {  	p1 =	sne.s32 s31, s19;
	s26 =	sshll.u32 s2, $0x6;
	[sflag:s21] =	ssyncadd.s32 $0xFFFFC000  }
.Ltmp1:
0x5f: {  	s0 =	sor.u32 $0x1C03, s26;
	[bflag:$0x0] =	sbarrier.arrive $0xFFFF;
	(pc) =	sbr.rel @!p1 .LBB2_13-.Ltmp1, $4  }
0x60: {  	[hbm:s18], [sflag:s0] =	dma.local [spmem:s10], $0x2800  }
0x61: {  	_ =	swait.ge [sflag:s21], $0x2800  }
0x62: {  	[sflag:s21] =	ssyncset.done $0x0  }
0x63: {  	[sflag:s21] =	ssyncadd.s32 $0xFFFFD800  }
.LBB2_1:
0x64: {  	s0 =	simm.s32 $0x0;
	s26 =	simm.s32 $0x200  }
.LBB2_2:
0x65: {  	p1 =	sne.s32 s26, $0xFE00;
	[tilespmem:s0+$0x3870] =	vst v0  }
0x66: {  	[tilespmem:s0+$0x3800] =	vst v0  }
0x67: {  	[tilespmem:s0+$0x3810] =	vst v0  }
.Ltmp2:
0x68: {  	[tilespmem:s0+$0x3820] =	vst v0;
	(pc) =	sbr.rel @p1 .LBB2_2-.Ltmp2, $4  }
0x69: {  	[tilespmem:s0+$0x3830] =	vst v0  }
0x6a: {  	[tilespmem:s0+$0x3840] =	vst v0  }
0x6b: {  	[tilespmem:s0+$0x3850] =	vst v0  }
0x6c: {  	[tilespmem:s0+$0x3860] =	vst v0;
	s0 =	sshra.s32 s26, $0x2;
	s26 =	sadd.s32 $0x200, s26  }
0x6d: {  	[tilespmem:s0+$0x3870] =	vst v0  }
0x6e: {  	[tilespmem:s0+$0x3800] =	vst v0  }
0x6f: {  	[tilespmem:s0+$0x3810] =	vst v0  }
0x70: {  	[tilespmem:s0+$0x3820] =	vst v0  }
0x71: {  	[tilespmem:s0+$0x3830] =	vst v0  }
0x72: {  	[tilespmem:s0+$0x3840] =	vst v0  }
0x73: {  	[tilespmem:s0+$0x3850] =	vst v0  }
0x74: {  	[tilespmem:s0+$0x3860] =	vst v0  }
0x75: {  	[spmem:s5] =	stream.linear.scatter [tilespmem:s20], [sflag:$0x3], $0x4000, $0x38;
	[tilespmem:$0x1F800] =	vst v63  }
0x76: {  	_ =	swait.ge [sflag:s21], $0x4000  }
0x77: {  	[sflag:s21] =	ssyncset.done $0x0  }
0x78: {  	[sflag:s21] =	ssyncadd.s32 $0xFFFFC000  }
0x79: {  	[spmem:s6] =	stream.linear.scatter [tilespmem:s20], [sflag:$0x3], $0x4000, $0x38;
	[tilespmem:$0x1F800] =	vst v63  }
0x7a: {  	_ =	swait.ge [sflag:s21], $0x4000  }
0x7b: {  	[sflag:s21] =	ssyncset.done $0x0  }
0x7c: {  	[sflag:s21] =	ssyncadd.s32 $0xFFFFC000  }
0x7d: {  	[spmem:s7] =	stream.linear.scatter [tilespmem:s20], [sflag:$0x3], $0x4000, $0x38;
	[tilespmem:$0x1F800] =	vst v63  }
0x7e: {  	_ =	swait.ge [sflag:s21], $0x4000  }
0x7f: {  	[sflag:s21] =	ssyncset.done $0x0  }
0x80: {  	[sflag:s21] =	ssyncadd.s32 $0xFFFFC000  }
0x81: {  	[spmem:s8] =	stream.linear.scatter [tilespmem:s20], [sflag:$0x3], $0x4000, $0x38;
	[tilespmem:$0x1F800] =	vst v63  }
0x82: {  	_ =	swait.ge [sflag:s21], $0x4000  }
0x83: {  	[sflag:s21] =	ssyncset.done $0x0  }
0x84: {  	[sflag:s21] =	ssyncadd.s32 $0xFFFFC000  }
0x85: {  	[spmem:s9] =	stream.linear.scatter [tilespmem:s20], [sflag:$0x3], $0x4000, $0x38;
	[tilespmem:$0x1F800] =	vst v63  }
.Ltmp3:
0x86: {  	_ =	swait.ge [sflag:s21], $0x4000;
	(pc) =	sbr.rel @p0 .LBB2_11-.Ltmp3, $3  }
0x87: {  	[sflag:s21] =	ssyncset.done $0x0  }
0x88: {  	[sflag:s21] =	ssyncadd.s32 $0xFFFFC000  }
0x89: {  	[bflag:$0x0] =	sbarrier.arrive $0xFFFF;
	_ =	sdelay $0x1  }
0x8a: {  	s0 =	simm.s32 $0x0;
	s10 =	rddreg [dreg:$0x4]  }
0x8b: {  	[tilespmem:s0], [sflag:$0x3] =	stream.linear.gather [hbm4b:s10+s0], $0x1C00, $0x38;
	[tilespmem:$0x1F800] =	vst v63  }
0x8c: {  	_ =	swait.ge [sflag:s21], $0x1C00  }
0x8d: {  	[sflag:s21] =	ssyncset.done $0x0  }
0x8e: {  	[sflag:s21] =	ssyncadd.s32 $0xFFFFE400  }
0x8f: {  	[tilespmem:s22], [sflag:$0x3] =	stream.linear.gather [hbm4b:s11+s0], $0x1C00, $0x38;
	[tilespmem:$0x1F800] =	vst v63  }
0x90: {  	_ =	swait.ge [sflag:s21], $0x1C00  }
0x91: {  	[sflag:s21] =	ssyncset.done $0x0  }
0x92: {  	[sflag:s21] =	ssyncadd.s32 $0xFFFFE400  }
0x93: {  	[tilespmem:s20], [sflag:$0x1] =	stream.indirect.gather [hbm4b:s4+s23], $0x80, s0, s23, $0xb8;
	[tilespmem:$0x1F800] =	vst v63  }
0x94: {  	_ = 	snop  }
0x95: {  	[tilespmem:s24], [sflag:$0x2] =	stream.indirect.gather [hbm4b:s4+s23], $0x80, s23, s23, $0xb8;
	[tilespmem:$0x1F800] =	vst v63  }
0x96: {  	_ =	swait.ge [sflag:s25], $0x4000  }
0x97: {  	[sflag:s25] =	ssyncset.done $0x0  }
0x98: {  	s26 =	simm.s32 $0x1C00;
	[sflag:s25] =	ssyncadd.s32 $0xFFFFC000  }
0x99: {  	[spmem:s1] =	stream.indirect.scatter.add.f32 [tilespmem:s20], [sflag:$0x3], $0x80, s26, s23, $0xb8;
	[tilespmem:$0x1F800] =	vst v63  }
0x9a: {  	_ =	swait.ge [sflag:s21], $0x4000  }
0x9b: {  	[sflag:s21] =	ssyncset.done $0x0  }
0x9c: {  	s10 =	simm.s32 $0x100;
	[sflag:s21] =	ssyncadd.s32 $0xFFFFC000  }
0x9d: {  	[tilespmem:s20], [sflag:$0x1] =	stream.indirect.gather [hbm4b:s4+s23], $0x80, s10, s23, $0xb8;
	[tilespmem:$0x1F800] =	vst v63  }
0x9e: {  	_ =	swait.ge [sflag:s28], $0x4000  }
0x9f: {  	[sflag:s28] =	ssyncset.done $0x0  }
0xa0: {  	s26 =	simm.s32 $0x1C80;
	[sflag:s28] =	ssyncadd.s32 $0xFFFFC000  }
0xa1: {  	[spmem:s1] =	stream.indirect.scatter.add.f32 [tilespmem:s24], [sflag:$0x3], $0x80, s26, s23, $0xb8;
	[tilespmem:$0x1F800] =	vst v63  }
0xa2: {  	_ =	swait.ge [sflag:s21], $0x4000  }
0xa3: {  	[sflag:s21] =	ssyncset.done $0x0  }
0xa4: {  	s0 =	simm.s32 $0x400;
	s26 =	simm.s32 $0x180;
	[sflag:s21] =	ssyncadd.s32 $0xFFFFC000  }
.LBB2_5:
0xa5: {  	[tilespmem:s24], [sflag:$0x2] =	stream.indirect.gather [hbm4b:s4+s23], $0x80, s26, s23, $0xb8;
	[tilespmem:$0x1F800] =	vst v63  }
0xa6: {  	s26 =	smov.u32 s0  }
0xa7: {  	p1 =	sne.s32 s0, $0x6800;
	s0 =	sadd.s32 $0x400, s0;
	_ =	swait.ge [sflag:s25], $0x4000  }
0xa8: {  	s26 =	sshra.s32 s26, $0x2;
	[sflag:s25] =	ssyncset.done $0x0  }
0xa9: {  	s10 =	sadd.s32 $0x1C00, s26;
	[sflag:s25] =	ssyncadd.s32 $0xFFFFC000  }
0xaa: {  	[spmem:s1] =	stream.indirect.scatter.add.f32 [tilespmem:s20], [sflag:$0x3], $0x80, s10, s23, $0xb8;
	[tilespmem:$0x1F800] =	vst v63  }
0xab: {  	_ =	swait.ge [sflag:s21], $0x4000  }
0xac: {  	[sflag:s21] =	ssyncset.done $0x0  }
0xad: {  	s10 =	sadd.s32 $0x100, s26;
	[sflag:s21] =	ssyncadd.s32 $0xFFFFC000  }
0xae: {  	[tilespmem:s20], [sflag:$0x1] =	stream.indirect.gather [hbm4b:s4+s23], $0x80, s10, s23, $0xb8;
	[tilespmem:$0x1F800] =	vst v63  }
0xaf: {  	_ =	swait.ge [sflag:s28], $0x4000  }
0xb0: {  	[sflag:s28] =	ssyncset.done $0x0  }
.Ltmp4:
0xb1: {  	s10 =	sadd.s32 $0x1C80, s26;
	[sflag:s28] =	ssyncadd.s32 $0xFFFFC000;
	(pc) =	sbr.rel @p1 .LBB2_5-.Ltmp4, $4  }
0xb2: {  	[spmem:s1] =	stream.indirect.scatter.add.f32 [tilespmem:s24], [sflag:$0x3], $0x80, s10, s23, $0xb8;
	[tilespmem:$0x1F800] =	vst v63  }
0xb3: {  	_ =	swait.ge [sflag:s21], $0x4000  }
0xb4: {  	[sflag:s21] =	ssyncset.done $0x0  }
0xb5: {  	s26 =	sadd.s32 $0x180, s26;
	[sflag:s21] =	ssyncadd.s32 $0xFFFFC000  }
0xb6: {  	[tilespmem:s24], [sflag:$0x2] =	stream.indirect.gather [hbm4b:s4+s23], $0x80, s26, s23, $0xb8;
	[tilespmem:$0x1F800] =	vst v63  }
0xb7: {  	_ =	swait.ge [sflag:s25], $0x4000  }
0xb8: {  	[sflag:s25] =	ssyncset.done $0x0  }
0xb9: {  	[sflag:s25] =	ssyncadd.s32 $0xFFFFC000  }
0xba: {  	[spmem:s1] =	stream.indirect.scatter.add.f32 [tilespmem:s20], [sflag:$0x3], $0x80, s29, s23, $0xb8;
	[tilespmem:$0x1F800] =	vst v63  }
0xbb: {  	_ =	swait.ge [sflag:s21], $0x4000  }
0xbc: {  	[sflag:s21] =	ssyncset.done $0x0  }
0xbd: {  	[sflag:s21] =	ssyncadd.s32 $0xFFFFC000  }
0xbe: {  	_ =	swait.ge [sflag:s28], $0x4000  }
0xbf: {  	[sflag:s28] =	ssyncset.done $0x0  }
0xc0: {  	[sflag:s28] =	ssyncadd.s32 $0xFFFFC000  }
0xc1: {  	[spmem:s1] =	stream.indirect.scatter.add.f32 [tilespmem:s24], [sflag:$0x3], $0x80, s30, s23, $0xb8;
	[tilespmem:$0x1F800] =	vst v63  }
0xc2: {  	_ =	swait.ge [sflag:s21], $0x4000  }
0xc3: {  	[sflag:s21] =	ssyncset.done $0x0  }
0xc4: {  	s0 =	simm.s32 $0x0;
	[sflag:s21] =	ssyncadd.s32 $0xFFFFC000  }
0xc5: {  	[tilespmem:s0], [sflag:$0x3] =	stream.linear.gather [hbm4b:s12+s0], $0x1C00, $0x38;
	[tilespmem:$0x1F800] =	vst v63  }
0xc6: {  	_ =	swait.ge [sflag:s21], $0x1C00  }
0xc7: {  	[sflag:s21] =	ssyncset.done $0x0  }
0xc8: {  	[sflag:s21] =	ssyncadd.s32 $0xFFFFE400  }
0xc9: {  	[tilespmem:s22], [sflag:$0x3] =	stream.linear.gather [hbm4b:s13+s0], $0x1C00, $0x38;
	[tilespmem:$0x1F800] =	vst v63  }
0xca: {  	_ =	swait.ge [sflag:s21], $0x1C00  }
0xcb: {  	[sflag:s21] =	ssyncset.done $0x0  }
0xcc: {  	[sflag:s21] =	ssyncadd.s32 $0xFFFFE400  }
0xcd: {  	[tilespmem:s20], [sflag:$0x1] =	stream.indirect.gather [hbm4b:s4+s23], $0x80, s0, s23, $0xb8;
	[tilespmem:$0x1F800] =	vst v63  }
0xce: {  	_ = 	snop  }
0xcf: {  	[tilespmem:s24], [sflag:$0x2] =	stream.indirect.gather [hbm4b:s4+s23], $0x80, s23, s23, $0xb8;
	[tilespmem:$0x1F800] =	vst v63  }
0xd0: {  	_ =	swait.ge [sflag:s25], $0x4000  }
0xd1: {  	[sflag:s25] =	ssyncset.done $0x0  }
0xd2: {  	s26 =	simm.s32 $0x1C00;
	[sflag:s25] =	ssyncadd.s32 $0xFFFFC000  }
0xd3: {  	[spmem:s1] =	stream.indirect.scatter.add.f32 [tilespmem:s20], [sflag:$0x3], $0x80, s26, s23, $0xb8;
	[tilespmem:$0x1F800] =	vst v63  }
0xd4: {  	_ =	swait.ge [sflag:s21], $0x4000  }
0xd5: {  	[sflag:s21] =	ssyncset.done $0x0  }
0xd6: {  	s10 =	simm.s32 $0x100;
	[sflag:s21] =	ssyncadd.s32 $0xFFFFC000  }
0xd7: {  	[tilespmem:s20], [sflag:$0x1] =	stream.indirect.gather [hbm4b:s4+s23], $0x80, s10, s23, $0xb8;
	[tilespmem:$0x1F800] =	vst v63  }
0xd8: {  	_ =	swait.ge [sflag:s28], $0x4000  }
0xd9: {  	[sflag:s28] =	ssyncset.done $0x0  }
0xda: {  	s26 =	simm.s32 $0x1C80;
	[sflag:s28] =	ssyncadd.s32 $0xFFFFC000  }
0xdb: {  	[spmem:s1] =	stream.indirect.scatter.add.f32 [tilespmem:s24], [sflag:$0x3], $0x80, s26, s23, $0xb8;
	[tilespmem:$0x1F800] =	vst v63  }
0xdc: {  	_ =	swait.ge [sflag:s21], $0x4000  }
0xdd: {  	[sflag:s21] =	ssyncset.done $0x0  }
0xde: {  	s0 =	simm.s32 $0x400;
	s26 =	simm.s32 $0x180;
	[sflag:s21] =	ssyncadd.s32 $0xFFFFC000  }
.LBB2_7:
0xdf: {  	[tilespmem:s24], [sflag:$0x2] =	stream.indirect.gather [hbm4b:s4+s23], $0x80, s26, s23, $0xb8;
	[tilespmem:$0x1F800] =	vst v63  }
0xe0: {  	s10 =	smov.u32 s0  }
0xe1: {  	p1 =	sne.s32 s0, $0x6800;
	s0 =	sadd.s32 $0x400, s0;
	_ =	swait.ge [sflag:s25], $0x4000  }
0xe2: {  	s10 =	sshra.s32 s10, $0x2;
	[sflag:s25] =	ssyncset.done $0x0  }
0xe3: {  	s26 =	sadd.s32 $0x1C00, s10;
	[sflag:s25] =	ssyncadd.s32 $0xFFFFC000  }
0xe4: {  	[spmem:s1] =	stream.indirect.scatter.add.f32 [tilespmem:s20], [sflag:$0x3], $0x80, s26, s23, $0xb8;
	[tilespmem:$0x1F800] =	vst v63  }
0xe5: {  	_ =	swait.ge [sflag:s21], $0x4000  }
0xe6: {  	[sflag:s21] =	ssyncset.done $0x0  }
0xe7: {  	s26 =	sadd.s32 $0x100, s10;
	[sflag:s21] =	ssyncadd.s32 $0xFFFFC000  }
0xe8: {  	[tilespmem:s20], [sflag:$0x1] =	stream.indirect.gather [hbm4b:s4+s23], $0x80, s26, s23, $0xb8;
	[tilespmem:$0x1F800] =	vst v63  }
0xe9: {  	_ =	swait.ge [sflag:s28], $0x4000  }
0xea: {  	[sflag:s28] =	ssyncset.done $0x0  }
.Ltmp5:
0xeb: {  	s26 =	sadd.s32 $0x1C80, s10;
	[sflag:s28] =	ssyncadd.s32 $0xFFFFC000;
	(pc) =	sbr.rel @p1 .LBB2_7-.Ltmp5, $4  }
0xec: {  	[spmem:s1] =	stream.indirect.scatter.add.f32 [tilespmem:s24], [sflag:$0x3], $0x80, s26, s23, $0xb8;
	[tilespmem:$0x1F800] =	vst v63  }
0xed: {  	_ =	swait.ge [sflag:s21], $0x4000  }
0xee: {  	[sflag:s21] =	ssyncset.done $0x0  }
0xef: {  	s26 =	sadd.s32 $0x180, s10;
	[sflag:s21] =	ssyncadd.s32 $0xFFFFC000  }
0xf0: {  	[tilespmem:s24], [sflag:$0x2] =	stream.indirect.gather [hbm4b:s4+s23], $0x80, s26, s23, $0xb8;
	[tilespmem:$0x1F800] =	vst v63  }
0xf1: {  	_ =	swait.ge [sflag:s25], $0x4000  }
0xf2: {  	[sflag:s25] =	ssyncset.done $0x0  }
0xf3: {  	[sflag:s25] =	ssyncadd.s32 $0xFFFFC000  }
0xf4: {  	[spmem:s1] =	stream.indirect.scatter.add.f32 [tilespmem:s20], [sflag:$0x3], $0x80, s29, s23, $0xb8;
	[tilespmem:$0x1F800] =	vst v63  }
0xf5: {  	_ =	swait.ge [sflag:s21], $0x4000  }
0xf6: {  	[sflag:s21] =	ssyncset.done $0x0  }
0xf7: {  	[sflag:s21] =	ssyncadd.s32 $0xFFFFC000  }
0xf8: {  	_ =	swait.ge [sflag:s28], $0x4000  }
0xf9: {  	[sflag:s28] =	ssyncset.done $0x0  }
0xfa: {  	[sflag:s28] =	ssyncadd.s32 $0xFFFFC000  }
0xfb: {  	[spmem:s1] =	stream.indirect.scatter.add.f32 [tilespmem:s24], [sflag:$0x3], $0x80, s30, s23, $0xb8;
	[tilespmem:$0x1F800] =	vst v63  }
0xfc: {  	_ =	swait.ge [sflag:s21], $0x4000  }
0xfd: {  	[sflag:s21] =	ssyncset.done $0x0  }
0xfe: {  	s0 =	simm.s32 $0x0;
	[sflag:s21] =	ssyncadd.s32 $0xFFFFC000  }
0xff: {  	[tilespmem:s0], [sflag:$0x3] =	stream.linear.gather [hbm4b:s14+s0], $0x1400, $0x38;
	[tilespmem:$0x1F800] =	vst v63  }
0x100: {  	_ =	swait.ge [sflag:s21], $0x1400  }
0x101: {  	[sflag:s21] =	ssyncset.done $0x0  }
0x102: {  	[sflag:s21] =	ssyncadd.s32 $0xFFFFEC00  }
0x103: {  	[tilespmem:s22], [sflag:$0x3] =	stream.linear.gather [hbm4b:s15+s0], $0x1400, $0x38;
	[tilespmem:$0x1F800] =	vst v63  }
0x104: {  	_ =	swait.ge [sflag:s21], $0x1400  }
0x105: {  	[sflag:s21] =	ssyncset.done $0x0  }
0x106: {  	[sflag:s21] =	ssyncadd.s32 $0xFFFFEC00  }
0x107: {  	[tilespmem:s20], [sflag:$0x1] =	stream.indirect.gather [hbm4b:s4+s23], $0x80, s0, s23, $0xb8;
	[tilespmem:$0x1F800] =	vst v63  }
0x108: {  	_ = 	snop  }
0x109: {  	[tilespmem:s24], [sflag:$0x2] =	stream.indirect.gather [hbm4b:s4+s23], $0x80, s23, s23, $0xb8;
	[tilespmem:$0x1F800] =	vst v63  }
0x10a: {  	_ =	swait.ge [sflag:s25], $0x4000  }
0x10b: {  	[sflag:s25] =	ssyncset.done $0x0  }
0x10c: {  	s26 =	simm.s32 $0x1C00;
	[sflag:s25] =	ssyncadd.s32 $0xFFFFC000  }
0x10d: {  	[spmem:s1] =	stream.indirect.scatter.add.f32 [tilespmem:s20], [sflag:$0x3], $0x80, s26, s23, $0xb8;
	[tilespmem:$0x1F800] =	vst v63  }
0x10e: {  	_ =	swait.ge [sflag:s21], $0x4000  }
0x10f: {  	[sflag:s21] =	ssyncset.done $0x0  }
0x110: {  	s10 =	simm.s32 $0x100;
	[sflag:s21] =	ssyncadd.s32 $0xFFFFC000  }
0x111: {  	[tilespmem:s20], [sflag:$0x1] =	stream.indirect.gather [hbm4b:s4+s23], $0x80, s10, s23, $0xb8;
	[tilespmem:$0x1F800] =	vst v63  }
0x112: {  	_ =	swait.ge [sflag:s28], $0x4000  }
0x113: {  	p1 =	por $0x0, $0x0;
	[sflag:s28] =	ssyncset.done $0x0  }
.Ltmp6:
0x114: {  	s26 =	simm.s32 $0x1C80;
	[sflag:s28] =	ssyncadd.s32 $0xFFFFC000;
	(pc) =	sbr.rel @p1 .LBB2_10-.Ltmp6, $4  }
0x115: {  	[spmem:s1] =	stream.indirect.scatter.add.f32 [tilespmem:s24], [sflag:$0x3], $0x80, s26, s23, $0xb8;
	[tilespmem:$0x1F800] =	vst v63  }
0x116: {  	_ =	swait.ge [sflag:s21], $0x4000  }
0x117: {  	[sflag:s21] =	ssyncset.done $0x0  }
0x118: {  	s0 =	simm.s32 $0x400;
	s26 =	simm.s32 $0x180;
	[sflag:s21] =	ssyncadd.s32 $0xFFFFC000  }
.LBB2_9:
0x119: {  	[tilespmem:s24], [sflag:$0x2] =	stream.indirect.gather [hbm4b:s4+s23], $0x80, s26, s23, $0xb8;
	[tilespmem:$0x1F800] =	vst v63  }
0x11a: {  	s10 =	smov.u32 s0  }
0x11b: {  	p1 =	seq.s32 s0, $0x4800;
	s0 =	sadd.s32 $0x400, s0;
	_ =	swait.ge [sflag:s25], $0x4000  }
0x11c: {  	s10 =	sshra.s32 s10, $0x2;
	[sflag:s25] =	ssyncset.done $0x0  }
0x11d: {  	s26 =	sadd.s32 $0x1C00, s10;
	[sflag:s25] =	ssyncadd.s32 $0xFFFFC000  }
0x11e: {  	[spmem:s1] =	stream.indirect.scatter.add.f32 [tilespmem:s20], [sflag:$0x3], $0x80, s26, s23, $0xb8;
	[tilespmem:$0x1F800] =	vst v63  }
0x11f: {  	_ =	swait.ge [sflag:s21], $0x4000  }
0x120: {  	[sflag:s21] =	ssyncset.done $0x0  }
0x121: {  	s26 =	sadd.s32 $0x100, s10;
	[sflag:s21] =	ssyncadd.s32 $0xFFFFC000  }
0x122: {  	[tilespmem:s20], [sflag:$0x1] =	stream.indirect.gather [hbm4b:s4+s23], $0x80, s26, s23, $0xb8;
	[tilespmem:$0x1F800] =	vst v63  }
0x123: {  	_ =	swait.ge [sflag:s28], $0x4000  }
0x124: {  	[sflag:s28] =	ssyncset.done $0x0  }
.Ltmp7:
0x125: {  	s26 =	sadd.s32 $0x1C80, s10;
	[sflag:s28] =	ssyncadd.s32 $0xFFFFC000;
	(pc) =	sbr.rel @!p1 .LBB2_9-.Ltmp7, $4  }
0x126: {  	[spmem:s1] =	stream.indirect.scatter.add.f32 [tilespmem:s24], [sflag:$0x3], $0x80, s26, s23, $0xb8;
	[tilespmem:$0x1F800] =	vst v63  }
0x127: {  	_ =	swait.ge [sflag:s21], $0x4000  }
0x128: {  	[sflag:s21] =	ssyncset.done $0x0  }
0x129: {  	s26 =	sadd.s32 $0x180, s10;
	[sflag:s21] =	ssyncadd.s32 $0xFFFFC000  }
.LBB2_10:
.Ltmp8:
0x12a: {  	(pc) =	sbr.rel .LBB2_12-.Ltmp8, $3  }
0x12b: {  	_ =	sdelay $0x1  }
0x12c: {  	[tilespmem:s24], [sflag:$0x2] =	stream.indirect.gather [hbm4b:s4+s23], $0x80, s26, s23, $0xb8;
	[tilespmem:$0x1F800] =	vst v63  }
0x12d: {  	s0 =	simm.s32 $0x2F80;
	s26 =	simm.s32 $0x2F00  }
.LBB2_13:
0x12e: {  	_ =	sfence.sel $0x180000  }
0x12f: {  	[bflag:$0x0] =	sbarrier.arrive $0xFFFF  }
0x130: {  	_ =	strace $0x9000004A  }
0x131: {  	[bflag:$0x2] =	sbarrier.arrive $0xFFFF  }
0x132: {  	p0 =	sne.s32 s2, $0x0;
	s0 =	rddreg [dreg:$0x3]  }
0x133: {  	s0 =	sadd.s32 @!p0 $0x100000, s0  }
0x134: {  	[sflag:s0] =	ssyncadd.tile.s32 @!p0 $0x1;
	_ =	shalt  }
.Lfunc_end2:
_tile_overlayer_lowered:
.L_overlay_start_2:
0x135: {  	(tag) =	ssettag $0x2  }
0x136: {  	s0 =	rddreg [dreg:$0x0];
	s2 =	stileid.u32  }
0x137: {  	s1 =	rddreg [dreg:$0x1];
	p0 =	sne.s32 s2, $0x0  }
0x138: {  	s3 =	rddreg [dreg:$0x2];
	[bflag:$0x3] =	sbarrier.arrive $0xFFFF;
	s2 =	simm.s32 @!p0 $0x1C03  }
0x139: {  	[timem:s3], [sflag:s2] =	dma.local @!p0 [hbm:s0], s1  }
0x13a: {  	s0 =	simm.s32 @!p0 $0x3  }
0x13b: {  	_ =	swait.ge @!p0 [sflag:s0], s1  }
0x13c: {  	s1 =	ssub.s32 @!p0 $0x0, s1;
	[sflag:s0] =	ssyncset.done @!p0 $0x0  }
0x13d: {  	[sflag:s0] =	ssyncadd.s32 @!p0 s1  }
0x13e: {  	[bflag:$0x3] =	sbarrier.arrive $0xFFFF  }
0x13f: {  	_ =	shalt  }

// kernel: kernel.14.cloned.1.call-start
scs
__scs_entry_jumppad:
0x0: {  	(pc) =	sbr.rel $0x88, $3  }
0x1: {  	(tag) =	ssettag $0x0;
	lr =	simm.s32 $0x1  }
0x2: {  	[smem:$0x3F99] =	sst lr;
	_ =	strace $0xD0000000  }
0x3: {  	_ = 	snop  }
0x4: {  	_ = 	snop  }
0x5: {  	_ = 	snop  }
0x6: {  	_ = 	snop  }
0x7: {  	_ = 	snop  }
__scs_overlays_trampoline_lowered:
0x8: {  	[smem:$0x3FA8] =	sst s0  }
0x9: {  	[smem:$0x3FA9] =	sst s1  }
0xa: {  	[smem:$0x3FAA] =	sst s2  }
0xb: {  	[smem:$0x3FAB] =	sst s3  }
0xc: {  	[smem:$0x3FAC] =	sst s4  }
0xd: {  	[smem:$0x3FAD] =	sst s5  }
0xe: {  	[smem:$0x3FAE] =	sst s6  }
0xf: {  	[smem:$0x3FAF] =	sst s7  }
0x10: {  	[smem:$0x3FB0] =	sst s8  }
0x11: {  	[smem:$0x3FB1] =	sst s9;
	s0 =	simm.s32 @!p0 $0x0  }
0x12: {  	s1 =	sld [smem:$0x3F97];
	s0 =	simm.s32 @p0 $0x1  }
0x13: {  	[smem:$0x3FB2] =	sst s0;
	s0 =	simm.s32 @!p1 $0x0  }
0x14: {  	s2 =	sld [smem:$0x3F96];
	s0 =	simm.s32 @p1 $0x1  }
0x15: {  	[smem:$0x3FB3] =	sst s0;
	s0 =	simm.s32 @!p2 $0x0  }
0x16: {  	s3 =	sld [smem:$0x3FDB];
	s0 =	simm.s32 @p2 $0x1  }
0x17: {  	s4 =	simm.s32 $0x1BF5;
	[smem:$0x3FB5] =	sst s0  }
0x18: {  	s0 =	sld [smem:$0x3F98];
	_ =	swait.ge [sflag:s4], $0x0  }
0x19: {  	s7 =	sld [smem:$0x3F99]  }
0x1a: {  	s8 =	sadd.s32 $0xFFFFE003, lr  }
0x1b: {  	s9 =	sadd.s32 $0xFFFFFEF7, lr;
	s5 =	simm.s32 $0xFFFFFFFF;
	p2 =	slt.u32 s8, $0xFFFFF086  }
0x1c: {  	p1 =	slt.u32 s9, $0xF7A;
	s5 =	simm.s32 @!p2 $0x0  }
0x1d: {  	s5 =	simm.s32 @p1 $0x1;
	p0 =	seq.s32 s7, s2  }
0x1e: {  	s7 =	smul.u32 @!p0 $0xF7A, s2;
	p2 =	seq.s32 @!p0 s5, $0x0  }
0x1f: {  	s9 =	smul.u32 $0xF7A, s1;
	s8 =	simm.s32 @!p0 $0x1BF5;
	p2 =	por !p2, p0  }
0x20: {  	[sflag:s8] =	ssyncset.s32 @!p0 $0xFFFFF086;
	s6 =	sadd.s32 @!p0 s3, s7;
	s7 =	simm.s32 @!p0 $0x108  }
0x21: {  	s3 =	sadd.s32 s3, s9;
	s6 =	sadd.s32 @!p0 $0x88, s6;
	s7 =	simm.s32 @p2 $0x1082  }
0x22: {  	[simem:s7], [sflag:s8] =	dma.local @!p0 [hbm:s6], $0xF7A  }
0x23: {  	s9 =	sor.u32 $0xD0000000, s2;
	s6 =	simm.s32 $0x108;
	_ =	swait.ge @!p0 [sflag:s8], $0x0  }
0x24: {  	s3 =	sadd.s32 $0x88, s3;
	s6 =	simm.s32 @!p1 $0x1082;
	[sflag:s4] =	ssyncset.s32 $0xFFFFF086  }
0x25: {  	[simem:s6], [sflag:s4] =	dma.local [hbm:s3], $0xF7A  }
0x26: {  	[smem:$0x3F99] =	sst s1;
	(tag) =	ssettag s2;
	_ =	strace s9  }
0x27: {  	s1 =	sld [smem:$0x3FA9]  }
0x28: {  	s2 =	sld [smem:$0x3FAA]  }
0x29: {  	s4 =	sld [smem:$0x3FAC]  }
0x2a: {  	p0 =	seq.s32 s5, $0x0;
	s5 =	sld [smem:$0x3FAD]  }
0x2b: {  	s6 =	sld [smem:$0x3FAE]  }
0x2c: {  	s7 =	sld [smem:$0x3FAF]  }
0x2d: {  	s3 =	simm.s32 $0x108;
	s8 =	sld [smem:$0x3FB0]  }
0x2e: {  	s3 =	simm.s32 @!p0 $0x1082;
	s9 =	sld [smem:$0x3FB1]  }
0x2f: {  	lr =	sadd.s32 s0, s3;
	s0 =	sld [smem:$0x3FA8]  }
0x30: {  	s3 =	sld [smem:$0x3FAB]  }
0x31: {  	[smem:$0x3FB4] =	sst s10  }
0x32: {  	s10 =	sld [smem:$0x3FB2];
	_ =	sdelay $0x3  }
0x33: {  	p0 =	seq.s32 s10, $0x1;
	s10 =	sld [smem:$0x3FB4];
	_ =	sdelay $0x3  }
0x34: {  	[smem:$0x3FB4] =	sst s10  }
0x35: {  	s10 =	sld [smem:$0x3FB3];
	_ =	sdelay $0x3  }
0x36: {  	p1 =	seq.s32 s10, $0x1;
	s10 =	sld [smem:$0x3FB4];
	_ =	sdelay $0x3  }
0x37: {  	[smem:$0x3FB4] =	sst s10  }
0x38: {  	s10 =	sld [smem:$0x3FB5]  }
0x39: {  	_ = 	snop;
	(pc) =	sbr.ind lr, $3  }
0x3a: {  	_ = 	snop  }
0x3b: {  	_ = 	snop  }
0x3c: {  	p2 =	seq.s32 s10, $0x1;
	s10 =	sld [smem:$0x3FB4]  }
0x3d: {  	_ =	shalt  }
0x3e: {  	_ =	shalt  }
0x3f: {  	_ =	shalt  }
0x40: {  	_ =	shalt  }
0x41: {  	_ =	shalt  }
0x42: {  	_ =	shalt  }
0x43: {  	_ =	shalt  }
0x44: {  	_ =	shalt  }
0x45: {  	_ =	shalt  }
0x46: {  	_ =	shalt  }
0x47: {  	_ =	shalt  }
0x48: {  	_ =	shalt  }
0x49: {  	_ =	shalt  }
0x4a: {  	_ =	shalt  }
0x4b: {  	_ =	shalt  }
0x4c: {  	_ =	shalt  }
0x4d: {  	_ =	shalt  }
0x4e: {  	_ =	shalt  }
0x4f: {  	_ =	shalt  }
0x50: {  	_ =	shalt  }
0x51: {  	_ =	shalt  }
0x52: {  	_ =	shalt  }
0x53: {  	_ =	shalt  }
0x54: {  	_ =	shalt  }
0x55: {  	_ =	shalt  }
0x56: {  	_ =	shalt  }
0x57: {  	_ =	shalt  }
0x58: {  	_ =	shalt  }
0x59: {  	_ =	shalt  }
0x5a: {  	_ =	shalt  }
0x5b: {  	_ =	shalt  }
0x5c: {  	_ =	shalt  }
0x5d: {  	_ =	shalt  }
0x5e: {  	_ =	shalt  }
0x5f: {  	_ =	shalt  }
0x60: {  	_ =	shalt  }
0x61: {  	_ =	shalt  }
0x62: {  	_ =	shalt  }
0x63: {  	_ =	shalt  }
0x64: {  	_ =	shalt  }
0x65: {  	_ =	shalt  }
0x66: {  	_ =	shalt  }
0x67: {  	_ =	shalt  }
0x68: {  	_ =	shalt  }
0x69: {  	_ =	shalt  }
0x6a: {  	_ =	shalt  }
0x6b: {  	_ =	shalt  }
0x6c: {  	_ =	shalt  }
0x6d: {  	_ =	shalt  }
0x6e: {  	_ =	shalt  }
0x6f: {  	_ =	shalt  }
0x70: {  	_ =	shalt  }
0x71: {  	_ =	shalt  }
0x72: {  	_ =	shalt  }
0x73: {  	_ =	shalt  }
0x74: {  	_ =	shalt  }
0x75: {  	_ =	shalt  }
0x76: {  	_ =	shalt  }
0x77: {  	_ =	shalt  }
0x78: {  	_ =	shalt  }
0x79: {  	_ =	shalt  }
0x7a: {  	_ =	shalt  }
0x7b: {  	_ =	shalt  }
0x7c: {  	_ =	shalt  }
0x7d: {  	_ =	shalt  }
0x7e: {  	_ =	shalt  }
0x7f: {  	_ =	shalt  }
0x80: {  	_ =	shalt  }
0x81: {  	_ =	shalt  }
0x82: {  	_ =	shalt  }
0x83: {  	_ =	shalt  }
0x84: {  	_ =	shalt  }
0x85: {  	_ =	shalt  }
0x86: {  	_ =	shalt  }
0x87: {  	_ =	shalt  }
.Lfunc_end0:
.L_simem_size_0:
called_computation.2_lowered:
.L_overlay_start_0:
0x88: {  	s2 =	sld [smem:$0x3FD9]  }
0x89: {  	s3 =	sld [smem:$0x3FFE];
	_ =	sdelay $0x1  }
0x8a: {  	s1 =	srdreg.scid  }
0x8b: {  	s0 =	sand.u32 $0x1, s1  }
0x8c: {  	s14 =	sshll.u32 s0, $0xA;
	s2 =	sadd.s32 s3, s2  }
0x8d: {  	s2 =	sadd.s32 s2, s14  }
0x8e: {  	[smem:$0x3FC0] =	sst s2  }
0x8f: {  	_ = 	snop  }
0x90: {  	s2 =	sld [smem:$0x3FD0];
	_ =	sdelay $0x2  }
0x91: {  	s15 =	simm.s32 $0xA;
	s4 =	simm.s32 $0x10  }
0x92: {  	[smem:s4], [sflag:s15] =	dma.local [hbm:s2], $0x1  }
0x93: {  	_ =	swait.eq [sflag:s15], $0x1  }
0x94: {  	[sflag:s15] =	ssyncset.done $0x0  }
0x95: {  	[sflag:s15] =	ssyncadd.s32 $0xFFFFFFFF  }
0x96: {  	s16 =	sld [smem:$0x10];
	(tm) =	ssettm $0x1  }
0x97: {  	s17 =	sld [smem:$0x3FFB];
	_ =	sdelay $0x3  }
0x98: {  	_ =	strace s17  }
0x99: {  	s3 =	sld [smem:$0x3FFC];
	_ =	sdelay $0x3  }
0x9a: {  	_ =	strace s3  }
0x9b: {  	s3 =	sld [smem:$0x3FFD];
	_ =	sdelay $0x3  }
0x9c: {  	_ =	strace s3  }
0x9d: {  	_ =	strace $0x8FFFFFFF  }
0x9e: {  	s18 =	sld [smem:$0x3FDB];
	_ =	sdelay $0x1  }
0x9f: {  	s19 =	simm.s32 $_scs_section_size  }
0xa0: {  	s5 =	simm.s32 $_size__tile_overlayer_lowered;
	s6 =	simm.s32 $_tile_overlayer_lowered  }
0xa1: {  	s22 =	simm.s32 $0x1BFF;
	s21 =	sshll.u32 s6, $0x1;
	s3 =	sadd.s32 s19, s18  }
0xa2: {  	s7 =	simm.s32 $0x0;
	s20 =	sshll.u32 s5, $0x1;
	s5 =	sadd.s32 s21, s3  }
0xa3: {  	[timem:s7], [sflag:s22] =	dma.local [hbm:s5], s20  }
0xa4: {  	_ =	swait.ge [sflag:s22], s20  }
0xa5: {  	s4 =	ssub.s32 $0x0, s20;
	[sflag:s22] =	ssyncset.done $0x0  }
0xa6: {  	[sflag:s22] =	ssyncadd.s32 s4;
	_ =	sdelay $0x1  }
0xa7: {  	s23 =	simm.s32 $0x1B8B  }
0xa8: {  	_ =	swait.ge [sflag:s23], $0x1  }
0xa9: {  	[sflag:s23] =	ssyncset.done $0x0  }
0xaa: {  	s25 =	simm.s32 $0x1B8E;
	s24 =	sld [smem:$0x3FFE];
	[sflag:s23] =	ssyncadd.s32 $0xFFFFFFFF  }
0xab: {  	s26 =	simm.s32 $execute0_lowered;
	[smem:$0x3FD2] =	sst s25  }
0xac: {  	s5 =	sshll.u32 s26, $0x1;
	_ =	strace $0x8000004C;
	[dreg:$0x1] =	wrdreg $0xFFFFFFFF  }
0xad: {  	s28 =	simm.s32 $_size_execute0_lowered;
	s3 =	sadd.s32 s3, s5;
	[dreg:$0x0] =	wrdreg $0x0  }
0xae: {  	s5 =	sshll.u32 s28, $0x1;
	[dreg:$0x2] =	wrdreg s3  }
0xaf: {  	[dreg:$0x3] =	wrdreg s5  }
0xb0: {  	[dreg:$0x4] =	wrdreg $0xC0  }
0xb1: {  	_ =	task [dreg:s7], $0x5FFFF  }
0xb2: {  	[dreg:$0x1] =	wrdreg $0xFFFFFFFF  }
0xb3: {  	[dreg:$0x0] =	wrdreg $0x60  }
0xb4: {  	[dreg:$0x2] =	wrdreg s24  }
0xb5: {  	[dreg:$0x3] =	wrdreg s16  }
0xb6: {  	[dreg:$0x4] =	wrdreg $0xB8000  }
0xb7: {  	[dreg:$0x5] =	wrdreg $0x9  }
0xb8: {  	_ =	task.clear_ibuf [dreg:s7], $0x6FFFF;
	_ =	strace $0x9000004C  }
0xb9: {  	s29 =	simm.s32 $0x9;
	_ =	strace $0x8000004E  }
0xba: {  	_ =	swait.ge [sflag:s29], $0x1  }
0xbb: {  	[sflag:s29] =	ssyncadd.s32 $0xFFFFFFFF  }
0xbc: {  	_ =	strace $0x9000004E  }
0xbd: {  	_ =	sfence  }
0xbe: {  	s30 =	sld [smem:$0x0];
	_ =	sdelay $0x2  }
0xbf: {  	s31 =	sshll.u32 s1, $0xD;
	s1 =	sshrl.u32 s1, $0x2  }
0xc0: {  	s3 =	sand.u32 $0x4000, s31;
	s1 =	sadd.s32 s1, s30  }
0xc1: {  	s0 =	sor.u32 s3, s0;
	s1 =	sshll.u32 s1, $0x11  }
0xc2: {  	s0 =	sor.u32 s1, s0  }
0xc3: {  	s0 =	sadd.s32 $0x8F2B, s0  }
0xc4: {  	[sflag:s0] =	ssyncadd.remote.s32 $0x1  }
0xc5: {  	_ =	sfence.sel $0xFFFF  }
0xc6: {  	[dreg:$0x0] =	wrdreg $0xFFFFFFFF;
	(pc) =	sbr.abs _section_cstart, $3  }
0xc7: {  	[dreg:$0x1] =	wrdreg $0xFFFFFFFF  }
0xc8: {  	_ =	task.clear_ibuf [dreg:s7], $0x2FFFF;
	_ =	strace $0x9FFFFFFF  }
0xc9: {  	(tm) =	ssettm $0x7FFFFFFF  }
tec
execute0_lowered:
.L_overlay_start_1:
0x0: {  	(tag) =	ssettag $0x1  }
0x1: {  	s0 =	rddreg [dreg:$0x0]  }
0x2: {  	s16 =	rddreg [dreg:$0x1]  }
0x3: {  	s1 =	rddreg [dreg:$0x2];
	s2 =	srdreg.scid;
	s3 =	simm.s32 $0x0  }
0x4: {  	s21 =	simm.s32 $0x3;
	s22 =	simm.s32 $0x1C00;
	s23 =	simm.s32 $0x80  }
0x5: {  	s28 =	simm.s32 $0x2;
	s29 =	simm.s32 $0x3700;
	s10 =	sand.u32 $0x1, s2  }
0x6: {  	s30 =	simm.s32 $0x3780;
	s2 =	stileid.u32;
	s5 =	smul.u32 $0x140000, s10  }
0x7: {  	s31 =	simm.s32 $0x0;
	[smem:$0x7FF] =	sst s3;
	s6 =	smul.u32 $0x14000, s2  }
0x8: {  	s4 =	sadd.s32 $0xDA00, s0;
	s17 =	sadd.s32 $0x3A00, s0;
	s24 =	smul.u32 $0x50000, s2  }
0x9: {  	_ =	strace $0x8000004D;
	s7 =	ssub.s32 $0x2, s10;
	s11 =	smul.u32 $0x4C00, s2  }
0xa: {  	s12 =	smul.u32 $0x980, s2;
	p0 =	seq.s32 s10, $0x1;
	s15 =	sshll.u32 s2, $0x7  }
0xb: {  	s25 =	sshrl.u32 s7, $0x1;
	s20 =	sor.u32 $0x9800, s15;
	s5 =	sadd.s32 s6, s5  }
0xc: {  	s6 =	sshrl.u32 s24, $0x2;
	s19 =	ssub.s32 s7, s25;
	s14 =	sshrl.u32 s11, $0x3  }
0xd: {  	s26 =	sadd.s32 s16, s12;
	s11 =	sadd.s32 s17, s12;
	s24 =	simm.s32 $0x7800  }
0xe: {  	s25 =	simm.s32 $0x1;
	s5 =	sshrl.u32 s5, $0x3;
	[dreg:$0x4] =	wrdreg s26  }
0xf: {  	s13 =	sadd.s32 $0x380, s14;
	s18 =	sadd.s32 $0x700, s14;
	s19 =	smax.u32 s19, $0x1  }
.Ltmp0:
0x10: {  	s0 =	sadd.s32 s5, s0;
	s5 =	sadd.s32 s6, s1;
	(pc) =	sbr.rel .LBB2_1-.Ltmp0, $4  }
0x11: {  	s12 =	sadd.s32 s16, s13;
	s13 =	sadd.s32 s17, s13;
	s14 =	sadd.s32 s16, s18  }
0x12: {  	s15 =	sadd.s32 s17, s18;
	s16 =	sadd.s32 s16, s20;
	s17 =	sadd.s32 s17, s20  }
0x13: {  	s20 =	simm.s32 $0x3800;
	s6 =	sadd.s32 $0x4000, s5;
	s7 =	sadd.s32 $0x8000, s5  }
0x14: {  	v0 =	vimm.f32 $0.0e+00;
	s8 =	sadd.s32 $0xC000, s5;
	s9 =	sadd.s32 $0x10000, s5;
	s18 =	sadd.s32 $0x5DA00, s0  }
.LBB2_11:
0x15: {  	[tilespmem:s3], [sflag:$0x3] =	stream.linear.gather [hbm4b:s16+s3], $0x400, $0x38;
	[tilespmem:$0x1F800] =	vst v63  }
0x16: {  	_ =	swait.ge [sflag:s21], $0x400  }
0x17: {  	[sflag:s21] =	ssyncset.done $0x0  }
0x18: {  	[sflag:s21] =	ssyncadd.s32 $0xFFFFFC00  }
0x19: {  	[tilespmem:s22], [sflag:$0x3] =	stream.linear.gather [hbm4b:s17+s3], $0x400, $0x38;
	[tilespmem:$0x1F800] =	vst v63  }
0x1a: {  	_ =	swait.ge [sflag:s21], $0x400  }
0x1b: {  	[sflag:s21] =	ssyncset.done $0x0  }
0x1c: {  	[sflag:s21] =	ssyncadd.s32 $0xFFFFFC00  }
0x1d: {  	[tilespmem:s20], [sflag:$0x1] =	stream.indirect.gather [hbm4b:s4+s23], $0x80, s3, s23, $0xb8;
	[tilespmem:$0x1F800] =	vst v63  }
0x1e: {  	_ = 	snop  }
0x1f: {  	[tilespmem:s24], [sflag:$0x2] =	stream.indirect.gather [hbm4b:s4+s23], $0x80, s23, s23, $0xb8;
	[tilespmem:$0x1F800] =	vst v63  }
0x20: {  	_ =	swait.ge [sflag:s25], $0x4000  }
0x21: {  	[sflag:s25] =	ssyncset.done $0x0  }
0x22: {  	[sflag:s25] =	ssyncadd.s32 $0xFFFFC000  }
0x23: {  	[spmem:s1] =	stream.indirect.scatter.add.f32 [tilespmem:s20], [sflag:$0x3], $0x80, s22, s23, $0xb8;
	[tilespmem:$0x1F800] =	vst v63  }
0x24: {  	_ =	swait.ge [sflag:s21], $0x4000  }
0x25: {  	[sflag:s21] =	ssyncset.done $0x0  }
0x26: {  	s0 =	simm.s32 $0x100;
	[sflag:s21] =	ssyncadd.s32 $0xFFFFC000  }
0x27: {  	[tilespmem:s20], [sflag:$0x1] =	stream.indirect.gather [hbm4b:s4+s23], $0x80, s0, s23, $0xb8;
	[tilespmem:$0x1F800] =	vst v63  }
0x28: {  	_ =	swait.ge [sflag:s28], $0x4000  }
0x29: {  	[sflag:s28] =	ssyncset.done $0x0  }
0x2a: {  	s10 =	simm.s32 $0x1C80;
	[sflag:s28] =	ssyncadd.s32 $0xFFFFC000  }
0x2b: {  	[spmem:s1] =	stream.indirect.scatter.add.f32 [tilespmem:s24], [sflag:$0x3], $0x80, s10, s23, $0xb8;
	[tilespmem:$0x1F800] =	vst v63  }
0x2c: {  	_ =	swait.ge [sflag:s21], $0x4000  }
0x2d: {  	[sflag:s21] =	ssyncset.done $0x0  }
0x2e: {  	s26 =	simm.s32 $0x180;
	[sflag:s21] =	ssyncadd.s32 $0xFFFFC000  }
0x2f: {  	[tilespmem:s24], [sflag:$0x2] =	stream.indirect.gather [hbm4b:s4+s23], $0x80, s26, s23, $0xb8;
	[tilespmem:$0x1F800] =	vst v63  }
0x30: {  	_ =	swait.ge [sflag:s25], $0x4000  }
0x31: {  	[sflag:s25] =	ssyncset.done $0x0  }
0x32: {  	s10 =	simm.s32 $0x1D00;
	[sflag:s25] =	ssyncadd.s32 $0xFFFFC000  }
0x33: {  	[spmem:s1] =	stream.indirect.scatter.add.f32 [tilespmem:s20], [sflag:$0x3], $0x80, s10, s23, $0xb8;
	[tilespmem:$0x1F800] =	vst v63  }
0x34: {  	_ =	swait.ge [sflag:s21], $0x4000  }
0x35: {  	[sflag:s21] =	ssyncset.done $0x0  }
0x36: {  	s26 =	simm.s32 $0x200;
	[sflag:s21] =	ssyncadd.s32 $0xFFFFC000  }
0x37: {  	[tilespmem:s20], [sflag:$0x1] =	stream.indirect.gather [hbm4b:s4+s23], $0x80, s26, s23, $0xb8;
	[tilespmem:$0x1F800] =	vst v63  }
0x38: {  	_ =	swait.ge [sflag:s28], $0x4000  }
0x39: {  	[sflag:s28] =	ssyncset.done $0x0  }
0x3a: {  	s10 =	simm.s32 $0x1D80;
	[sflag:s28] =	ssyncadd.s32 $0xFFFFC000  }
0x3b: {  	[spmem:s1] =	stream.indirect.scatter.add.f32 [tilespmem:s24], [sflag:$0x3], $0x80, s10, s23, $0xb8;
	[tilespmem:$0x1F800] =	vst v63  }
0x3c: {  	_ =	swait.ge [sflag:s21], $0x4000  }
0x3d: {  	[sflag:s21] =	ssyncset.done $0x0  }
0x3e: {  	s26 =	simm.s32 $0x280;
	[sflag:s21] =	ssyncadd.s32 $0xFFFFC000  }
0x3f: {  	[tilespmem:s24], [sflag:$0x2] =	stream.indirect.gather [hbm4b:s4+s23], $0x80, s26, s23, $0xb8;
	[tilespmem:$0x1F800] =	vst v63  }
0x40: {  	_ =	swait.ge [sflag:s25], $0x4000  }
0x41: {  	[sflag:s25] =	ssyncset.done $0x0  }
0x42: {  	s10 =	simm.s32 $0x1E00;
	[sflag:s25] =	ssyncadd.s32 $0xFFFFC000  }
0x43: {  	[spmem:s1] =	stream.indirect.scatter.add.f32 [tilespmem:s20], [sflag:$0x3], $0x80, s10, s23, $0xb8;
	[tilespmem:$0x1F800] =	vst v63  }
0x44: {  	_ =	swait.ge [sflag:s21], $0x4000  }
0x45: {  	[sflag:s21] =	ssyncset.done $0x0  }
0x46: {  	s26 =	simm.s32 $0x300;
	[sflag:s21] =	ssyncadd.s32 $0xFFFFC000  }
0x47: {  	[tilespmem:s20], [sflag:$0x1] =	stream.indirect.gather [hbm4b:s4+s23], $0x80, s26, s23, $0xb8;
	[tilespmem:$0x1F800] =	vst v63  }
0x48: {  	_ =	swait.ge [sflag:s28], $0x4000  }
0x49: {  	[sflag:s28] =	ssyncset.done $0x0  }
0x4a: {  	s10 =	simm.s32 $0x1E80;
	[sflag:s28] =	ssyncadd.s32 $0xFFFFC000  }
0x4b: {  	[spmem:s1] =	stream.indirect.scatter.add.f32 [tilespmem:s24], [sflag:$0x3], $0x80, s10, s23, $0xb8;
	[tilespmem:$0x1F800] =	vst v63  }
0x4c: {  	_ =	swait.ge [sflag:s21], $0x4000  }
0x4d: {  	[sflag:s21] =	ssyncset.done $0x0  }
0x4e: {  	s26 =	simm.s32 $0x380;
	[sflag:s21] =	ssyncadd.s32 $0xFFFFC000  }
0x4f: {  	[tilespmem:s24], [sflag:$0x2] =	stream.indirect.gather [hbm4b:s4+s23], $0x80, s26, s23, $0xb8;
	[tilespmem:$0x1F800] =	vst v63  }
0x50: {  	s0 =	simm.s32 $0x1F80;
	s26 =	simm.s32 $0x1F00  }
.LBB2_12:
0x51: {  	_ =	swait.ge [sflag:s25], $0x4000  }
0x52: {  	[sflag:s25] =	ssyncset.done $0x0  }
0x53: {  	[sflag:s25] =	ssyncadd.s32 $0xFFFFC000  }
0x54: {  	[spmem:s1] =	stream.indirect.scatter.add.f32 [tilespmem:s20], [sflag:$0x3], $0x80, s26, s23, $0xb8;
	[tilespmem:$0x1F800] =	vst v63  }
0x55: {  	_ =	swait.ge [sflag:s21], $0x4000  }
0x56: {  	[sflag:s21] =	ssyncset.done $0x0  }
0x57: {  	[sflag:s21] =	ssyncadd.s32 $0xFFFFC000  }
0x58: {  	_ =	swait.ge [sflag:s28], $0x4000  }
0x59: {  	[sflag:s28] =	ssyncset.done $0x0  }
0x5a: {  	[sflag:s28] =	ssyncadd.s32 $0xFFFFC000  }
0x5b: {  	[spmem:s1] =	stream.indirect.scatter.add.f32 [tilespmem:s24], [sflag:$0x3], $0x80, s0, s23, $0xb8;
	[tilespmem:$0x1F800] =	vst v63  }
0x5c: {  	_ =	swait.ge [sflag:s21], $0x4000  }
0x5d: {  	s10 =	sshrl.u32 s5, $0x3;
	s31 =	sadd.s32 $0x1, s31;
	[sflag:s21] =	ssyncset.done $0x0  }
0x5e: {  	p1 =	sne.s32 s31, s19;
	s26 =	sshll.u32 s2, $0x6;
	[sflag:s21] =	ssyncadd.s32 $0xFFFFC000  }
.Ltmp1:
0x5f: {  	s0 =	sor.u32 $0x1C03, s26;
	[bflag:$0x0] =	sbarrier.arrive $0xFFFF;
	(pc) =	sbr.rel @!p1 .LBB2_13-.Ltmp1, $4  }
0x60: {  	[hbm:s18], [sflag:s0] =	dma.local [spmem:s10], $0x2800  }
0x61: {  	_ =	swait.ge [sflag:s21], $0x2800  }
0x62: {  	[sflag:s21] =	ssyncset.done $0x0  }
0x63: {  	[sflag:s21] =	ssyncadd.s32 $0xFFFFD800  }
.LBB2_1:
0x64: {  	s0 =	simm.s32 $0x0;
	s26 =	simm.s32 $0x200  }
.LBB2_2:
0x65: {  	p1 =	sne.s32 s26, $0xFE00;
	[tilespmem:s0+$0x3870] =	vst v0  }
0x66: {  	[tilespmem:s0+$0x3800] =	vst v0  }
0x67: {  	[tilespmem:s0+$0x3810] =	vst v0  }
.Ltmp2:
0x68: {  	[tilespmem:s0+$0x3820] =	vst v0;
	(pc) =	sbr.rel @p1 .LBB2_2-.Ltmp2, $4  }
0x69: {  	[tilespmem:s0+$0x3830] =	vst v0  }
0x6a: {  	[tilespmem:s0+$0x3840] =	vst v0  }
0x6b: {  	[tilespmem:s0+$0x3850] =	vst v0  }
0x6c: {  	[tilespmem:s0+$0x3860] =	vst v0;
	s0 =	sshra.s32 s26, $0x2;
	s26 =	sadd.s32 $0x200, s26  }
0x6d: {  	[tilespmem:s0+$0x3870] =	vst v0  }
0x6e: {  	[tilespmem:s0+$0x3800] =	vst v0  }
0x6f: {  	[tilespmem:s0+$0x3810] =	vst v0  }
0x70: {  	[tilespmem:s0+$0x3820] =	vst v0  }
0x71: {  	[tilespmem:s0+$0x3830] =	vst v0  }
0x72: {  	[tilespmem:s0+$0x3840] =	vst v0  }
0x73: {  	[tilespmem:s0+$0x3850] =	vst v0  }
0x74: {  	[tilespmem:s0+$0x3860] =	vst v0  }
0x75: {  	[spmem:s5] =	stream.linear.scatter [tilespmem:s20], [sflag:$0x3], $0x4000, $0x38;
	[tilespmem:$0x1F800] =	vst v63  }
0x76: {  	_ =	swait.ge [sflag:s21], $0x4000  }
0x77: {  	[sflag:s21] =	ssyncset.done $0x0  }
0x78: {  	[sflag:s21] =	ssyncadd.s32 $0xFFFFC000  }
0x79: {  	[spmem:s6] =	stream.linear.scatter [tilespmem:s20], [sflag:$0x3], $0x4000, $0x38;
	[tilespmem:$0x1F800] =	vst v63  }
0x7a: {  	_ =	swait.ge [sflag:s21], $0x4000  }
0x7b: {  	[sflag:s21] =	ssyncset.done $0x0  }
0x7c: {  	[sflag:s21] =	ssyncadd.s32 $0xFFFFC000  }
0x7d: {  	[spmem:s7] =	stream.linear.scatter [tilespmem:s20], [sflag:$0x3], $0x4000, $0x38;
	[tilespmem:$0x1F800] =	vst v63  }
0x7e: {  	_ =	swait.ge [sflag:s21], $0x4000  }
0x7f: {  	[sflag:s21] =	ssyncset.done $0x0  }
0x80: {  	[sflag:s21] =	ssyncadd.s32 $0xFFFFC000  }
0x81: {  	[spmem:s8] =	stream.linear.scatter [tilespmem:s20], [sflag:$0x3], $0x4000, $0x38;
	[tilespmem:$0x1F800] =	vst v63  }
0x82: {  	_ =	swait.ge [sflag:s21], $0x4000  }
0x83: {  	[sflag:s21] =	ssyncset.done $0x0  }
0x84: {  	[sflag:s21] =	ssyncadd.s32 $0xFFFFC000  }
0x85: {  	[spmem:s9] =	stream.linear.scatter [tilespmem:s20], [sflag:$0x3], $0x4000, $0x38;
	[tilespmem:$0x1F800] =	vst v63  }
.Ltmp3:
0x86: {  	_ =	swait.ge [sflag:s21], $0x4000;
	(pc) =	sbr.rel @p0 .LBB2_11-.Ltmp3, $3  }
0x87: {  	[sflag:s21] =	ssyncset.done $0x0  }
0x88: {  	[sflag:s21] =	ssyncadd.s32 $0xFFFFC000  }
0x89: {  	[bflag:$0x0] =	sbarrier.arrive $0xFFFF;
	_ =	sdelay $0x1  }
0x8a: {  	s0 =	simm.s32 $0x0;
	s10 =	rddreg [dreg:$0x4]  }
0x8b: {  	[tilespmem:s0], [sflag:$0x3] =	stream.linear.gather [hbm4b:s10+s0], $0x1C00, $0x38;
	[tilespmem:$0x1F800] =	vst v63  }
0x8c: {  	_ =	swait.ge [sflag:s21], $0x1C00  }
0x8d: {  	[sflag:s21] =	ssyncset.done $0x0  }
0x8e: {  	[sflag:s21] =	ssyncadd.s32 $0xFFFFE400  }
0x8f: {  	[tilespmem:s22], [sflag:$0x3] =	stream.linear.gather [hbm4b:s11+s0], $0x1C00, $0x38;
	[tilespmem:$0x1F800] =	vst v63  }
0x90: {  	_ =	swait.ge [sflag:s21], $0x1C00  }
0x91: {  	[sflag:s21] =	ssyncset.done $0x0  }
0x92: {  	[sflag:s21] =	ssyncadd.s32 $0xFFFFE400  }
0x93: {  	[tilespmem:s20], [sflag:$0x1] =	stream.indirect.gather [hbm4b:s4+s23], $0x80, s0, s23, $0xb8;
	[tilespmem:$0x1F800] =	vst v63  }
0x94: {  	_ = 	snop  }
0x95: {  	[tilespmem:s24], [sflag:$0x2] =	stream.indirect.gather [hbm4b:s4+s23], $0x80, s23, s23, $0xb8;
	[tilespmem:$0x1F800] =	vst v63  }
0x96: {  	_ =	swait.ge [sflag:s25], $0x4000  }
0x97: {  	[sflag:s25] =	ssyncset.done $0x0  }
0x98: {  	s26 =	simm.s32 $0x1C00;
	[sflag:s25] =	ssyncadd.s32 $0xFFFFC000  }
0x99: {  	[spmem:s1] =	stream.indirect.scatter.add.f32 [tilespmem:s20], [sflag:$0x3], $0x80, s26, s23, $0xb8;
	[tilespmem:$0x1F800] =	vst v63  }
0x9a: {  	_ =	swait.ge [sflag:s21], $0x4000  }
0x9b: {  	[sflag:s21] =	ssyncset.done $0x0  }
0x9c: {  	s10 =	simm.s32 $0x100;
	[sflag:s21] =	ssyncadd.s32 $0xFFFFC000  }
0x9d: {  	[tilespmem:s20], [sflag:$0x1] =	stream.indirect.gather [hbm4b:s4+s23], $0x80, s10, s23, $0xb8;
	[tilespmem:$0x1F800] =	vst v63  }
0x9e: {  	_ =	swait.ge [sflag:s28], $0x4000  }
0x9f: {  	[sflag:s28] =	ssyncset.done $0x0  }
0xa0: {  	s26 =	simm.s32 $0x1C80;
	[sflag:s28] =	ssyncadd.s32 $0xFFFFC000  }
0xa1: {  	[spmem:s1] =	stream.indirect.scatter.add.f32 [tilespmem:s24], [sflag:$0x3], $0x80, s26, s23, $0xb8;
	[tilespmem:$0x1F800] =	vst v63  }
0xa2: {  	_ =	swait.ge [sflag:s21], $0x4000  }
0xa3: {  	[sflag:s21] =	ssyncset.done $0x0  }
0xa4: {  	s0 =	simm.s32 $0x400;
	s26 =	simm.s32 $0x180;
	[sflag:s21] =	ssyncadd.s32 $0xFFFFC000  }
.LBB2_5:
0xa5: {  	[tilespmem:s24], [sflag:$0x2] =	stream.indirect.gather [hbm4b:s4+s23], $0x80, s26, s23, $0xb8;
	[tilespmem:$0x1F800] =	vst v63  }
0xa6: {  	s26 =	smov.u32 s0  }
0xa7: {  	p1 =	sne.s32 s0, $0x6800;
	s0 =	sadd.s32 $0x400, s0;
	_ =	swait.ge [sflag:s25], $0x4000  }
0xa8: {  	s26 =	sshra.s32 s26, $0x2;
	[sflag:s25] =	ssyncset.done $0x0  }
0xa9: {  	s10 =	sadd.s32 $0x1C00, s26;
	[sflag:s25] =	ssyncadd.s32 $0xFFFFC000  }
0xaa: {  	[spmem:s1] =	stream.indirect.scatter.add.f32 [tilespmem:s20], [sflag:$0x3], $0x80, s10, s23, $0xb8;
	[tilespmem:$0x1F800] =	vst v63  }
0xab: {  	_ =	swait.ge [sflag:s21], $0x4000  }
0xac: {  	[sflag:s21] =	ssyncset.done $0x0  }
0xad: {  	s10 =	sadd.s32 $0x100, s26;
	[sflag:s21] =	ssyncadd.s32 $0xFFFFC000  }
0xae: {  	[tilespmem:s20], [sflag:$0x1] =	stream.indirect.gather [hbm4b:s4+s23], $0x80, s10, s23, $0xb8;
	[tilespmem:$0x1F800] =	vst v63  }
0xaf: {  	_ =	swait.ge [sflag:s28], $0x4000  }
0xb0: {  	[sflag:s28] =	ssyncset.done $0x0  }
.Ltmp4:
0xb1: {  	s10 =	sadd.s32 $0x1C80, s26;
	[sflag:s28] =	ssyncadd.s32 $0xFFFFC000;
	(pc) =	sbr.rel @p1 .LBB2_5-.Ltmp4, $4  }
0xb2: {  	[spmem:s1] =	stream.indirect.scatter.add.f32 [tilespmem:s24], [sflag:$0x3], $0x80, s10, s23, $0xb8;
	[tilespmem:$0x1F800] =	vst v63  }
0xb3: {  	_ =	swait.ge [sflag:s21], $0x4000  }
0xb4: {  	[sflag:s21] =	ssyncset.done $0x0  }
0xb5: {  	s26 =	sadd.s32 $0x180, s26;
	[sflag:s21] =	ssyncadd.s32 $0xFFFFC000  }
0xb6: {  	[tilespmem:s24], [sflag:$0x2] =	stream.indirect.gather [hbm4b:s4+s23], $0x80, s26, s23, $0xb8;
	[tilespmem:$0x1F800] =	vst v63  }
0xb7: {  	_ =	swait.ge [sflag:s25], $0x4000  }
0xb8: {  	[sflag:s25] =	ssyncset.done $0x0  }
0xb9: {  	[sflag:s25] =	ssyncadd.s32 $0xFFFFC000  }
0xba: {  	[spmem:s1] =	stream.indirect.scatter.add.f32 [tilespmem:s20], [sflag:$0x3], $0x80, s29, s23, $0xb8;
	[tilespmem:$0x1F800] =	vst v63  }
0xbb: {  	_ =	swait.ge [sflag:s21], $0x4000  }
0xbc: {  	[sflag:s21] =	ssyncset.done $0x0  }
0xbd: {  	[sflag:s21] =	ssyncadd.s32 $0xFFFFC000  }
0xbe: {  	_ =	swait.ge [sflag:s28], $0x4000  }
0xbf: {  	[sflag:s28] =	ssyncset.done $0x0  }
0xc0: {  	[sflag:s28] =	ssyncadd.s32 $0xFFFFC000  }
0xc1: {  	[spmem:s1] =	stream.indirect.scatter.add.f32 [tilespmem:s24], [sflag:$0x3], $0x80, s30, s23, $0xb8;
	[tilespmem:$0x1F800] =	vst v63  }
0xc2: {  	_ =	swait.ge [sflag:s21], $0x4000  }
0xc3: {  	[sflag:s21] =	ssyncset.done $0x0  }
0xc4: {  	s0 =	simm.s32 $0x0;
	[sflag:s21] =	ssyncadd.s32 $0xFFFFC000  }
0xc5: {  	[tilespmem:s0], [sflag:$0x3] =	stream.linear.gather [hbm4b:s12+s0], $0x1C00, $0x38;
	[tilespmem:$0x1F800] =	vst v63  }
0xc6: {  	_ =	swait.ge [sflag:s21], $0x1C00  }
0xc7: {  	[sflag:s21] =	ssyncset.done $0x0  }
0xc8: {  	[sflag:s21] =	ssyncadd.s32 $0xFFFFE400  }
0xc9: {  	[tilespmem:s22], [sflag:$0x3] =	stream.linear.gather [hbm4b:s13+s0], $0x1C00, $0x38;
	[tilespmem:$0x1F800] =	vst v63  }
0xca: {  	_ =	swait.ge [sflag:s21], $0x1C00  }
0xcb: {  	[sflag:s21] =	ssyncset.done $0x0  }
0xcc: {  	[sflag:s21] =	ssyncadd.s32 $0xFFFFE400  }
0xcd: {  	[tilespmem:s20], [sflag:$0x1] =	stream.indirect.gather [hbm4b:s4+s23], $0x80, s0, s23, $0xb8;
	[tilespmem:$0x1F800] =	vst v63  }
0xce: {  	_ = 	snop  }
0xcf: {  	[tilespmem:s24], [sflag:$0x2] =	stream.indirect.gather [hbm4b:s4+s23], $0x80, s23, s23, $0xb8;
	[tilespmem:$0x1F800] =	vst v63  }
0xd0: {  	_ =	swait.ge [sflag:s25], $0x4000  }
0xd1: {  	[sflag:s25] =	ssyncset.done $0x0  }
0xd2: {  	s26 =	simm.s32 $0x1C00;
	[sflag:s25] =	ssyncadd.s32 $0xFFFFC000  }
0xd3: {  	[spmem:s1] =	stream.indirect.scatter.add.f32 [tilespmem:s20], [sflag:$0x3], $0x80, s26, s23, $0xb8;
	[tilespmem:$0x1F800] =	vst v63  }
0xd4: {  	_ =	swait.ge [sflag:s21], $0x4000  }
0xd5: {  	[sflag:s21] =	ssyncset.done $0x0  }
0xd6: {  	s10 =	simm.s32 $0x100;
	[sflag:s21] =	ssyncadd.s32 $0xFFFFC000  }
0xd7: {  	[tilespmem:s20], [sflag:$0x1] =	stream.indirect.gather [hbm4b:s4+s23], $0x80, s10, s23, $0xb8;
	[tilespmem:$0x1F800] =	vst v63  }
0xd8: {  	_ =	swait.ge [sflag:s28], $0x4000  }
0xd9: {  	[sflag:s28] =	ssyncset.done $0x0  }
0xda: {  	s26 =	simm.s32 $0x1C80;
	[sflag:s28] =	ssyncadd.s32 $0xFFFFC000  }
0xdb: {  	[spmem:s1] =	stream.indirect.scatter.add.f32 [tilespmem:s24], [sflag:$0x3], $0x80, s26, s23, $0xb8;
	[tilespmem:$0x1F800] =	vst v63  }
0xdc: {  	_ =	swait.ge [sflag:s21], $0x4000  }
0xdd: {  	[sflag:s21] =	ssyncset.done $0x0  }
0xde: {  	s0 =	simm.s32 $0x400;
	s26 =	simm.s32 $0x180;
	[sflag:s21] =	ssyncadd.s32 $0xFFFFC000  }
.LBB2_7:
0xdf: {  	[tilespmem:s24], [sflag:$0x2] =	stream.indirect.gather [hbm4b:s4+s23], $0x80, s26, s23, $0xb8;
	[tilespmem:$0x1F800] =	vst v63  }
0xe0: {  	s10 =	smov.u32 s0  }
0xe1: {  	p1 =	sne.s32 s0, $0x6800;
	s0 =	sadd.s32 $0x400, s0;
	_ =	swait.ge [sflag:s25], $0x4000  }
0xe2: {  	s10 =	sshra.s32 s10, $0x2;
	[sflag:s25] =	ssyncset.done $0x0  }
0xe3: {  	s26 =	sadd.s32 $0x1C00, s10;
	[sflag:s25] =	ssyncadd.s32 $0xFFFFC000  }
0xe4: {  	[spmem:s1] =	stream.indirect.scatter.add.f32 [tilespmem:s20], [sflag:$0x3], $0x80, s26, s23, $0xb8;
	[tilespmem:$0x1F800] =	vst v63  }
0xe5: {  	_ =	swait.ge [sflag:s21], $0x4000  }
0xe6: {  	[sflag:s21] =	ssyncset.done $0x0  }
0xe7: {  	s26 =	sadd.s32 $0x100, s10;
	[sflag:s21] =	ssyncadd.s32 $0xFFFFC000  }
0xe8: {  	[tilespmem:s20], [sflag:$0x1] =	stream.indirect.gather [hbm4b:s4+s23], $0x80, s26, s23, $0xb8;
	[tilespmem:$0x1F800] =	vst v63  }
0xe9: {  	_ =	swait.ge [sflag:s28], $0x4000  }
0xea: {  	[sflag:s28] =	ssyncset.done $0x0  }
.Ltmp5:
0xeb: {  	s26 =	sadd.s32 $0x1C80, s10;
	[sflag:s28] =	ssyncadd.s32 $0xFFFFC000;
	(pc) =	sbr.rel @p1 .LBB2_7-.Ltmp5, $4  }
0xec: {  	[spmem:s1] =	stream.indirect.scatter.add.f32 [tilespmem:s24], [sflag:$0x3], $0x80, s26, s23, $0xb8;
	[tilespmem:$0x1F800] =	vst v63  }
0xed: {  	_ =	swait.ge [sflag:s21], $0x4000  }
0xee: {  	[sflag:s21] =	ssyncset.done $0x0  }
0xef: {  	s26 =	sadd.s32 $0x180, s10;
	[sflag:s21] =	ssyncadd.s32 $0xFFFFC000  }
0xf0: {  	[tilespmem:s24], [sflag:$0x2] =	stream.indirect.gather [hbm4b:s4+s23], $0x80, s26, s23, $0xb8;
	[tilespmem:$0x1F800] =	vst v63  }
0xf1: {  	_ =	swait.ge [sflag:s25], $0x4000  }
0xf2: {  	[sflag:s25] =	ssyncset.done $0x0  }
0xf3: {  	[sflag:s25] =	ssyncadd.s32 $0xFFFFC000  }
0xf4: {  	[spmem:s1] =	stream.indirect.scatter.add.f32 [tilespmem:s20], [sflag:$0x3], $0x80, s29, s23, $0xb8;
	[tilespmem:$0x1F800] =	vst v63  }
0xf5: {  	_ =	swait.ge [sflag:s21], $0x4000  }
0xf6: {  	[sflag:s21] =	ssyncset.done $0x0  }
0xf7: {  	[sflag:s21] =	ssyncadd.s32 $0xFFFFC000  }
0xf8: {  	_ =	swait.ge [sflag:s28], $0x4000  }
0xf9: {  	[sflag:s28] =	ssyncset.done $0x0  }
0xfa: {  	[sflag:s28] =	ssyncadd.s32 $0xFFFFC000  }
0xfb: {  	[spmem:s1] =	stream.indirect.scatter.add.f32 [tilespmem:s24], [sflag:$0x3], $0x80, s30, s23, $0xb8;
	[tilespmem:$0x1F800] =	vst v63  }
0xfc: {  	_ =	swait.ge [sflag:s21], $0x4000  }
0xfd: {  	[sflag:s21] =	ssyncset.done $0x0  }
0xfe: {  	s0 =	simm.s32 $0x0;
	[sflag:s21] =	ssyncadd.s32 $0xFFFFC000  }
0xff: {  	[tilespmem:s0], [sflag:$0x3] =	stream.linear.gather [hbm4b:s14+s0], $0x1400, $0x38;
	[tilespmem:$0x1F800] =	vst v63  }
0x100: {  	_ =	swait.ge [sflag:s21], $0x1400  }
0x101: {  	[sflag:s21] =	ssyncset.done $0x0  }
0x102: {  	[sflag:s21] =	ssyncadd.s32 $0xFFFFEC00  }
0x103: {  	[tilespmem:s22], [sflag:$0x3] =	stream.linear.gather [hbm4b:s15+s0], $0x1400, $0x38;
	[tilespmem:$0x1F800] =	vst v63  }
0x104: {  	_ =	swait.ge [sflag:s21], $0x1400  }
0x105: {  	[sflag:s21] =	ssyncset.done $0x0  }
0x106: {  	[sflag:s21] =	ssyncadd.s32 $0xFFFFEC00  }
0x107: {  	[tilespmem:s20], [sflag:$0x1] =	stream.indirect.gather [hbm4b:s4+s23], $0x80, s0, s23, $0xb8;
	[tilespmem:$0x1F800] =	vst v63  }
0x108: {  	_ = 	snop  }
0x109: {  	[tilespmem:s24], [sflag:$0x2] =	stream.indirect.gather [hbm4b:s4+s23], $0x80, s23, s23, $0xb8;
	[tilespmem:$0x1F800] =	vst v63  }
0x10a: {  	_ =	swait.ge [sflag:s25], $0x4000  }
0x10b: {  	[sflag:s25] =	ssyncset.done $0x0  }
0x10c: {  	s26 =	simm.s32 $0x1C00;
	[sflag:s25] =	ssyncadd.s32 $0xFFFFC000  }
0x10d: {  	[spmem:s1] =	stream.indirect.scatter.add.f32 [tilespmem:s20], [sflag:$0x3], $0x80, s26, s23, $0xb8;
	[tilespmem:$0x1F800] =	vst v63  }
0x10e: {  	_ =	swait.ge [sflag:s21], $0x4000  }
0x10f: {  	[sflag:s21] =	ssyncset.done $0x0  }
0x110: {  	s10 =	simm.s32 $0x100;
	[sflag:s21] =	ssyncadd.s32 $0xFFFFC000  }
0x111: {  	[tilespmem:s20], [sflag:$0x1] =	stream.indirect.gather [hbm4b:s4+s23], $0x80, s10, s23, $0xb8;
	[tilespmem:$0x1F800] =	vst v63  }
0x112: {  	_ =	swait.ge [sflag:s28], $0x4000  }
0x113: {  	p1 =	por $0x0, $0x0;
	[sflag:s28] =	ssyncset.done $0x0  }
.Ltmp6:
0x114: {  	s26 =	simm.s32 $0x1C80;
	[sflag:s28] =	ssyncadd.s32 $0xFFFFC000;
	(pc) =	sbr.rel @p1 .LBB2_10-.Ltmp6, $4  }
0x115: {  	[spmem:s1] =	stream.indirect.scatter.add.f32 [tilespmem:s24], [sflag:$0x3], $0x80, s26, s23, $0xb8;
	[tilespmem:$0x1F800] =	vst v63  }
0x116: {  	_ =	swait.ge [sflag:s21], $0x4000  }
0x117: {  	[sflag:s21] =	ssyncset.done $0x0  }
0x118: {  	s0 =	simm.s32 $0x400;
	s26 =	simm.s32 $0x180;
	[sflag:s21] =	ssyncadd.s32 $0xFFFFC000  }
.LBB2_9:
0x119: {  	[tilespmem:s24], [sflag:$0x2] =	stream.indirect.gather [hbm4b:s4+s23], $0x80, s26, s23, $0xb8;
	[tilespmem:$0x1F800] =	vst v63  }
0x11a: {  	s10 =	smov.u32 s0  }
0x11b: {  	p1 =	seq.s32 s0, $0x4800;
	s0 =	sadd.s32 $0x400, s0;
	_ =	swait.ge [sflag:s25], $0x4000  }
0x11c: {  	s10 =	sshra.s32 s10, $0x2;
	[sflag:s25] =	ssyncset.done $0x0  }
0x11d: {  	s26 =	sadd.s32 $0x1C00, s10;
	[sflag:s25] =	ssyncadd.s32 $0xFFFFC000  }
0x11e: {  	[spmem:s1] =	stream.indirect.scatter.add.f32 [tilespmem:s20], [sflag:$0x3], $0x80, s26, s23, $0xb8;
	[tilespmem:$0x1F800] =	vst v63  }
0x11f: {  	_ =	swait.ge [sflag:s21], $0x4000  }
0x120: {  	[sflag:s21] =	ssyncset.done $0x0  }
0x121: {  	s26 =	sadd.s32 $0x100, s10;
	[sflag:s21] =	ssyncadd.s32 $0xFFFFC000  }
0x122: {  	[tilespmem:s20], [sflag:$0x1] =	stream.indirect.gather [hbm4b:s4+s23], $0x80, s26, s23, $0xb8;
	[tilespmem:$0x1F800] =	vst v63  }
0x123: {  	_ =	swait.ge [sflag:s28], $0x4000  }
0x124: {  	[sflag:s28] =	ssyncset.done $0x0  }
.Ltmp7:
0x125: {  	s26 =	sadd.s32 $0x1C80, s10;
	[sflag:s28] =	ssyncadd.s32 $0xFFFFC000;
	(pc) =	sbr.rel @!p1 .LBB2_9-.Ltmp7, $4  }
0x126: {  	[spmem:s1] =	stream.indirect.scatter.add.f32 [tilespmem:s24], [sflag:$0x3], $0x80, s26, s23, $0xb8;
	[tilespmem:$0x1F800] =	vst v63  }
0x127: {  	_ =	swait.ge [sflag:s21], $0x4000  }
0x128: {  	[sflag:s21] =	ssyncset.done $0x0  }
0x129: {  	s26 =	sadd.s32 $0x180, s10;
	[sflag:s21] =	ssyncadd.s32 $0xFFFFC000  }
.LBB2_10:
.Ltmp8:
0x12a: {  	(pc) =	sbr.rel .LBB2_12-.Ltmp8, $3  }
0x12b: {  	_ =	sdelay $0x1  }
0x12c: {  	[tilespmem:s24], [sflag:$0x2] =	stream.indirect.gather [hbm4b:s4+s23], $0x80, s26, s23, $0xb8;
	[tilespmem:$0x1F800] =	vst v63  }
0x12d: {  	s0 =	simm.s32 $0x2F80;
	s26 =	simm.s32 $0x2F00  }
.LBB2_13:
0x12e: {  	_ =	sfence.sel $0x180000  }
0x12f: {  	[bflag:$0x0] =	sbarrier.arrive $0xFFFF  }
0x130: {  	_ =	strace $0x9000004D  }
0x131: {  	[bflag:$0x2] =	sbarrier.arrive $0xFFFF  }
0x132: {  	p0 =	sne.s32 s2, $0x0;
	s0 =	rddreg [dreg:$0x3]  }
0x133: {  	s0 =	sadd.s32 @!p0 $0x100000, s0  }
0x134: {  	[sflag:s0] =	ssyncadd.tile.s32 @!p0 $0x1;
	_ =	shalt  }
.Lfunc_end2:
_tile_overlayer_lowered:
.L_overlay_start_2:
0x135: {  	(tag) =	ssettag $0x2  }
0x136: {  	s0 =	rddreg [dreg:$0x0];
	s2 =	stileid.u32  }
0x137: {  	s1 =	rddreg [dreg:$0x1];
	p0 =	sne.s32 s2, $0x0  }
0x138: {  	s3 =	rddreg [dreg:$0x2];
	[bflag:$0x3] =	sbarrier.arrive $0xFFFF;
	s2 =	simm.s32 @!p0 $0x1C03  }
0x139: {  	[timem:s3], [sflag:s2] =	dma.local @!p0 [hbm:s0], s1  }
0x13a: {  	s0 =	simm.s32 @!p0 $0x3  }
0x13b: {  	_ =	swait.ge @!p0 [sflag:s0], s1  }
0x13c: {  	s1 =	ssub.s32 @!p0 $0x0, s1;
	[sflag:s0] =	ssyncset.done @!p0 $0x0  }
0x13d: {  	[sflag:s0] =	ssyncadd.s32 @!p0 s1  }
0x13e: {  	[bflag:$0x3] =	sbarrier.arrive $0xFFFF  }
0x13f: {  	_ =	shalt  }

// kernel: kernel.8.cloned.1.call-start
scs
__scs_entry_jumppad:
0x0: {  	(pc) =	sbr.rel $0x88, $3  }
0x1: {  	(tag) =	ssettag $0x0;
	lr =	simm.s32 $0x1  }
0x2: {  	[smem:$0x3F99] =	sst lr;
	_ =	strace $0xD0000000  }
0x3: {  	_ = 	snop  }
0x4: {  	_ = 	snop  }
0x5: {  	_ = 	snop  }
0x6: {  	_ = 	snop  }
0x7: {  	_ = 	snop  }
__scs_overlays_trampoline_lowered:
0x8: {  	[smem:$0x3FA8] =	sst s0  }
0x9: {  	[smem:$0x3FA9] =	sst s1  }
0xa: {  	[smem:$0x3FAA] =	sst s2  }
0xb: {  	[smem:$0x3FAB] =	sst s3  }
0xc: {  	[smem:$0x3FAC] =	sst s4  }
0xd: {  	[smem:$0x3FAD] =	sst s5  }
0xe: {  	[smem:$0x3FAE] =	sst s6  }
0xf: {  	[smem:$0x3FAF] =	sst s7  }
0x10: {  	[smem:$0x3FB0] =	sst s8  }
0x11: {  	[smem:$0x3FB1] =	sst s9;
	s0 =	simm.s32 @!p0 $0x0  }
0x12: {  	s1 =	sld [smem:$0x3F97];
	s0 =	simm.s32 @p0 $0x1  }
0x13: {  	[smem:$0x3FB2] =	sst s0;
	s0 =	simm.s32 @!p1 $0x0  }
0x14: {  	s2 =	sld [smem:$0x3F96];
	s0 =	simm.s32 @p1 $0x1  }
0x15: {  	[smem:$0x3FB3] =	sst s0;
	s0 =	simm.s32 @!p2 $0x0  }
0x16: {  	s3 =	sld [smem:$0x3FDB];
	s0 =	simm.s32 @p2 $0x1  }
0x17: {  	s4 =	simm.s32 $0x1BF5;
	[smem:$0x3FB5] =	sst s0  }
0x18: {  	s0 =	sld [smem:$0x3F98];
	_ =	swait.ge [sflag:s4], $0x0  }
0x19: {  	s7 =	sld [smem:$0x3F99]  }
0x1a: {  	s8 =	sadd.s32 $0xFFFFE003, lr  }
0x1b: {  	s9 =	sadd.s32 $0xFFFFFEF7, lr;
	s5 =	simm.s32 $0xFFFFFFFF;
	p2 =	slt.u32 s8, $0xFFFFF086  }
0x1c: {  	p1 =	slt.u32 s9, $0xF7A;
	s5 =	simm.s32 @!p2 $0x0  }
0x1d: {  	s5 =	simm.s32 @p1 $0x1;
	p0 =	seq.s32 s7, s2  }
0x1e: {  	s7 =	smul.u32 @!p0 $0xF7A, s2;
	p2 =	seq.s32 @!p0 s5, $0x0  }
0x1f: {  	s9 =	smul.u32 $0xF7A, s1;
	s8 =	simm.s32 @!p0 $0x1BF5;
	p2 =	por !p2, p0  }
0x20: {  	[sflag:s8] =	ssyncset.s32 @!p0 $0xFFFFF086;
	s6 =	sadd.s32 @!p0 s3, s7;
	s7 =	simm.s32 @!p0 $0x108  }
0x21: {  	s3 =	sadd.s32 s3, s9;
	s6 =	sadd.s32 @!p0 $0x88, s6;
	s7 =	simm.s32 @p2 $0x1082  }
0x22: {  	[simem:s7], [sflag:s8] =	dma.local @!p0 [hbm:s6], $0xF7A  }
0x23: {  	s9 =	sor.u32 $0xD0000000, s2;
	s6 =	simm.s32 $0x108;
	_ =	swait.ge @!p0 [sflag:s8], $0x0  }
0x24: {  	s3 =	sadd.s32 $0x88, s3;
	s6 =	simm.s32 @!p1 $0x1082;
	[sflag:s4] =	ssyncset.s32 $0xFFFFF086  }
0x25: {  	[simem:s6], [sflag:s4] =	dma.local [hbm:s3], $0xF7A  }
0x26: {  	[smem:$0x3F99] =	sst s1;
	(tag) =	ssettag s2;
	_ =	strace s9  }
0x27: {  	s1 =	sld [smem:$0x3FA9]  }
0x28: {  	s2 =	sld [smem:$0x3FAA]  }
0x29: {  	s4 =	sld [smem:$0x3FAC]  }
0x2a: {  	p0 =	seq.s32 s5, $0x0;
	s5 =	sld [smem:$0x3FAD]  }
0x2b: {  	s6 =	sld [smem:$0x3FAE]  }
0x2c: {  	s7 =	sld [smem:$0x3FAF]  }
0x2d: {  	s3 =	simm.s32 $0x108;
	s8 =	sld [smem:$0x3FB0]  }
0x2e: {  	s3 =	simm.s32 @!p0 $0x1082;
	s9 =	sld [smem:$0x3FB1]  }
0x2f: {  	lr =	sadd.s32 s0, s3;
	s0 =	sld [smem:$0x3FA8]  }
0x30: {  	s3 =	sld [smem:$0x3FAB]  }
0x31: {  	[smem:$0x3FB4] =	sst s10  }
0x32: {  	s10 =	sld [smem:$0x3FB2];
	_ =	sdelay $0x3  }
0x33: {  	p0 =	seq.s32 s10, $0x1;
	s10 =	sld [smem:$0x3FB4];
	_ =	sdelay $0x3  }
0x34: {  	[smem:$0x3FB4] =	sst s10  }
0x35: {  	s10 =	sld [smem:$0x3FB3];
	_ =	sdelay $0x3  }
0x36: {  	p1 =	seq.s32 s10, $0x1;
	s10 =	sld [smem:$0x3FB4];
	_ =	sdelay $0x3  }
0x37: {  	[smem:$0x3FB4] =	sst s10  }
0x38: {  	s10 =	sld [smem:$0x3FB5]  }
0x39: {  	_ = 	snop;
	(pc) =	sbr.ind lr, $3  }
0x3a: {  	_ = 	snop  }
0x3b: {  	_ = 	snop  }
0x3c: {  	p2 =	seq.s32 s10, $0x1;
	s10 =	sld [smem:$0x3FB4]  }
0x3d: {  	_ =	shalt  }
0x3e: {  	_ =	shalt  }
0x3f: {  	_ =	shalt  }
0x40: {  	_ =	shalt  }
0x41: {  	_ =	shalt  }
0x42: {  	_ =	shalt  }
0x43: {  	_ =	shalt  }
0x44: {  	_ =	shalt  }
0x45: {  	_ =	shalt  }
0x46: {  	_ =	shalt  }
0x47: {  	_ =	shalt  }
0x48: {  	_ =	shalt  }
0x49: {  	_ =	shalt  }
0x4a: {  	_ =	shalt  }
0x4b: {  	_ =	shalt  }
0x4c: {  	_ =	shalt  }
0x4d: {  	_ =	shalt  }
0x4e: {  	_ =	shalt  }
0x4f: {  	_ =	shalt  }
0x50: {  	_ =	shalt  }
0x51: {  	_ =	shalt  }
0x52: {  	_ =	shalt  }
0x53: {  	_ =	shalt  }
0x54: {  	_ =	shalt  }
0x55: {  	_ =	shalt  }
0x56: {  	_ =	shalt  }
0x57: {  	_ =	shalt  }
0x58: {  	_ =	shalt  }
0x59: {  	_ =	shalt  }
0x5a: {  	_ =	shalt  }
0x5b: {  	_ =	shalt  }
0x5c: {  	_ =	shalt  }
0x5d: {  	_ =	shalt  }
0x5e: {  	_ =	shalt  }
0x5f: {  	_ =	shalt  }
0x60: {  	_ =	shalt  }
0x61: {  	_ =	shalt  }
0x62: {  	_ =	shalt  }
0x63: {  	_ =	shalt  }
0x64: {  	_ =	shalt  }
0x65: {  	_ =	shalt  }
0x66: {  	_ =	shalt  }
0x67: {  	_ =	shalt  }
0x68: {  	_ =	shalt  }
0x69: {  	_ =	shalt  }
0x6a: {  	_ =	shalt  }
0x6b: {  	_ =	shalt  }
0x6c: {  	_ =	shalt  }
0x6d: {  	_ =	shalt  }
0x6e: {  	_ =	shalt  }
0x6f: {  	_ =	shalt  }
0x70: {  	_ =	shalt  }
0x71: {  	_ =	shalt  }
0x72: {  	_ =	shalt  }
0x73: {  	_ =	shalt  }
0x74: {  	_ =	shalt  }
0x75: {  	_ =	shalt  }
0x76: {  	_ =	shalt  }
0x77: {  	_ =	shalt  }
0x78: {  	_ =	shalt  }
0x79: {  	_ =	shalt  }
0x7a: {  	_ =	shalt  }
0x7b: {  	_ =	shalt  }
0x7c: {  	_ =	shalt  }
0x7d: {  	_ =	shalt  }
0x7e: {  	_ =	shalt  }
0x7f: {  	_ =	shalt  }
0x80: {  	_ =	shalt  }
0x81: {  	_ =	shalt  }
0x82: {  	_ =	shalt  }
0x83: {  	_ =	shalt  }
0x84: {  	_ =	shalt  }
0x85: {  	_ =	shalt  }
0x86: {  	_ =	shalt  }
0x87: {  	_ =	shalt  }
.Lfunc_end0:
.L_simem_size_0:
called_computation_lowered:
.L_overlay_start_0:
0x88: {  	s2 =	sld [smem:$0x3FD9]  }
0x89: {  	s3 =	sld [smem:$0x3FFE];
	_ =	sdelay $0x1  }
0x8a: {  	s1 =	srdreg.scid  }
0x8b: {  	s0 =	sand.u32 $0x1, s1  }
0x8c: {  	s14 =	sshll.u32 s0, $0xA;
	s2 =	sadd.s32 s3, s2  }
0x8d: {  	s2 =	sadd.s32 s2, s14  }
0x8e: {  	[smem:$0x3FC0] =	sst s2  }
0x8f: {  	_ = 	snop  }
0x90: {  	s2 =	sld [smem:$0x3FD0];
	_ =	sdelay $0x2  }
0x91: {  	s15 =	simm.s32 $0xA;
	s4 =	simm.s32 $0x10  }
0x92: {  	[smem:s4], [sflag:s15] =	dma.local [hbm:s2], $0x1  }
0x93: {  	_ =	swait.eq [sflag:s15], $0x1  }
0x94: {  	[sflag:s15] =	ssyncset.done $0x0  }
0x95: {  	[sflag:s15] =	ssyncadd.s32 $0xFFFFFFFF  }
0x96: {  	s16 =	sld [smem:$0x11];
	(tm) =	ssettm $0x1  }
0x97: {  	s17 =	sld [smem:$0x3FFB];
	_ =	sdelay $0x3  }
0x98: {  	_ =	strace s17  }
0x99: {  	s3 =	sld [smem:$0x3FFC];
	_ =	sdelay $0x3  }
0x9a: {  	_ =	strace s3  }
0x9b: {  	s3 =	sld [smem:$0x3FFD];
	_ =	sdelay $0x3  }
0x9c: {  	_ =	strace s3  }
0x9d: {  	_ =	strace $0x8FFFFFFF  }
0x9e: {  	s18 =	sld [smem:$0x3FDB];
	_ =	sdelay $0x1  }
0x9f: {  	s19 =	simm.s32 $_scs_section_size  }
0xa0: {  	s5 =	simm.s32 $_size__tile_overlayer_lowered;
	s6 =	simm.s32 $_tile_overlayer_lowered  }
0xa1: {  	s22 =	simm.s32 $0x1BFF;
	s21 =	sshll.u32 s6, $0x1;
	s3 =	sadd.s32 s19, s18  }
0xa2: {  	s7 =	simm.s32 $0x0;
	s20 =	sshll.u32 s5, $0x1;
	s5 =	sadd.s32 s21, s3  }
0xa3: {  	[timem:s7], [sflag:s22] =	dma.local [hbm:s5], s20  }
0xa4: {  	_ =	swait.ge [sflag:s22], s20  }
0xa5: {  	s4 =	ssub.s32 $0x0, s20;
	[sflag:s22] =	ssyncset.done $0x0  }
0xa6: {  	[sflag:s22] =	ssyncadd.s32 s4;
	_ =	sdelay $0x1  }
0xa7: {  	s23 =	simm.s32 $0x1B8B  }
0xa8: {  	_ =	swait.ge [sflag:s23], $0x1  }
0xa9: {  	[sflag:s23] =	ssyncset.done $0x0  }
0xaa: {  	s25 =	simm.s32 $0x1B8E;
	s24 =	sld [smem:$0x3FFE];
	[sflag:s23] =	ssyncadd.s32 $0xFFFFFFFF  }
0xab: {  	s26 =	simm.s32 $execute0_lowered;
	[smem:$0x3FD2] =	sst s25  }
0xac: {  	s5 =	sshll.u32 s26, $0x1;
	_ =	strace $0x80000046;
	[dreg:$0x1] =	wrdreg $0xFFFFFFFF  }
0xad: {  	s28 =	simm.s32 $_size_execute0_lowered;
	s3 =	sadd.s32 s3, s5;
	[dreg:$0x0] =	wrdreg $0x0  }
0xae: {  	s5 =	sshll.u32 s28, $0x1;
	[dreg:$0x2] =	wrdreg s3  }
0xaf: {  	[dreg:$0x3] =	wrdreg s5  }
0xb0: {  	[dreg:$0x4] =	wrdreg $0xC0  }
0xb1: {  	_ =	task [dreg:s7], $0x5FFFF  }
0xb2: {  	[dreg:$0x1] =	wrdreg $0xFFFFFFFF  }
0xb3: {  	[dreg:$0x0] =	wrdreg $0x60  }
0xb4: {  	[dreg:$0x2] =	wrdreg s24  }
0xb5: {  	[dreg:$0x3] =	wrdreg s16  }
0xb6: {  	[dreg:$0x4] =	wrdreg $0x2B000  }
0xb7: {  	[dreg:$0x5] =	wrdreg $0x9  }
0xb8: {  	_ =	task.clear_ibuf [dreg:s7], $0x6FFFF;
	_ =	strace $0x90000046  }
0xb9: {  	s29 =	simm.s32 $0x9;
	_ =	strace $0x80000048  }
0xba: {  	_ =	swait.ge [sflag:s29], $0x1  }
0xbb: {  	[sflag:s29] =	ssyncadd.s32 $0xFFFFFFFF  }
0xbc: {  	_ =	strace $0x90000048  }
0xbd: {  	_ =	sfence  }
0xbe: {  	s30 =	sld [smem:$0x0];
	_ =	sdelay $0x2  }
0xbf: {  	s31 =	sshll.u32 s1, $0xD;
	s1 =	sshrl.u32 s1, $0x2  }
0xc0: {  	s3 =	sand.u32 $0x4000, s31;
	s1 =	sadd.s32 s1, s30  }
0xc1: {  	s0 =	sor.u32 s3, s0;
	s1 =	sshll.u32 s1, $0x11  }
0xc2: {  	s0 =	sor.u32 s1, s0  }
0xc3: {  	s0 =	sadd.s32 $0x8F2B, s0  }
0xc4: {  	[sflag:s0] =	ssyncadd.remote.s32 $0x1  }
0xc5: {  	_ =	sfence.sel $0xFFFF  }
0xc6: {  	[dreg:$0x0] =	wrdreg $0xFFFFFFFF;
	(pc) =	sbr.abs _section_cstart, $3  }
0xc7: {  	[dreg:$0x1] =	wrdreg $0xFFFFFFFF  }
0xc8: {  	_ =	task.clear_ibuf [dreg:s7], $0x2FFFF;
	_ =	strace $0x9FFFFFFF  }
0xc9: {  	(tm) =	ssettm $0x7FFFFFFF  }
tec
execute0_lowered:
.L_overlay_start_1:
0x0: {  	(tag) =	ssettag $0x1  }
0x1: {  	s4 =	rddreg [dreg:$0x0];
	s1 =	srdreg.scid  }
0x2: {  	s0 =	stileid.u32;
	s6 =	rddreg [dreg:$0x1]  }
0x3: {  	s2 =	rddreg [dreg:$0x2];
	s3 =	simm.s32 $0x0;
	s11 =	simm.s32 $0x2800  }
0x4: {  	s14 =	simm.s32 $0x20;
	s15 =	simm.s32 $0x10;
	s16 =	simm.s32 $0x0  }
0x5: {  	s5 =	sand.u32 $0x1, s1;
	s1 =	rddreg [dreg:$0x3];
	s8 =	smul.u32 $0xA00, s0  }
0x6: {  	s28 =	sshll.u32 s0, $0x1;
	[smem:$0x7FF] =	sst s3;
	s10 =	smul.u32 $0x500, s0  }
0x7: {  	s12 =	sshll.u32 s0, $0x6;
	s7 =	sor.u32 s5, s28;
	_ =	strace $0x80000047  }
0x8: {  	s9 =	ssub.s32 $0x2, s5;
	s5 =	sshll.u32 s5, $0x7;
	s12 =	sor.u32 $0x1C01, s12  }
0x9: {  	s7 =	smul.u32 $0x500, s7;
	s29 =	sshrl.u32 s9, $0x1;
	s8 =	sshrl.u32 s8, $0x2  }
0xa: {  	s30 =	sor.u32 s5, s10;
	s10 =	simm.s32 $0x80;
	s5 =	sadd.s32 s8, s2  }
0xb: {  	s31 =	sshrl.u32 s30, $0x3;
	s8 =	simm.s32 $0x1;
	s4 =	sadd.s32 s7, s4  }
0xc: {  	s7 =	ssub.s32 s9, s29;
	s6 =	sadd.s32 s6, s31;
	s9 =	simm.s32 $0x2880  }
0xd: {  	v0 =	vimm.f32 $1.000000000e+00;
	v1 =	vimm.f32 $0.0e+00;
	s13 =	sshrl.u32 s5, $0x3;
	s4 =	sadd.s32 $0x3A00, s4;
	s7 =	smax.u32 s7, $0x1  }
.LBB2_1:
0xe: {  	[tilespmem:s3], [sflag:$0x1] =	stream.linear.gather [hbm4b:s4+s3], $0x2800, $0x38;
	[tilespmem:$0x2D80] =	vst v63  }
0xf: {  	_ =	swait.ge [sflag:s8], $0x2800  }
0x10: {  	[sflag:s8] =	ssyncset.done $0x0  }
0x11: {  	[sflag:s8] =	ssyncadd.s32 $0xFFFFD800  }
0x12: {  	[tilespmem:$0x2800] =	vst v0  }
0x13: {  	[tilespmem:$0x2810] =	vst v0  }
0x14: {  	[tilespmem:$0x2820] =	vst v0  }
0x15: {  	[tilespmem:$0x2830] =	vst v0  }
0x16: {  	[tilespmem:$0x2840] =	vst v0  }
0x17: {  	[tilespmem:$0x2850] =	vst v0  }
0x18: {  	[tilespmem:$0x2860] =	vst v0  }
0x19: {  	[tilespmem:$0x2870] =	vst v0  }
0x1a: {  	[tilespmem:$0x2880] =	vst v1  }
0x1b: {  	[tilespmem:$0x2890] =	vst v1  }
0x1c: {  	[tilespmem:$0x28A0] =	vst v1  }
0x1d: {  	[tilespmem:$0x28B0] =	vst v1  }
0x1e: {  	[tilespmem:$0x28C0] =	vst v1  }
0x1f: {  	[tilespmem:$0x28D0] =	vst v1  }
0x20: {  	[tilespmem:$0x28E0] =	vst v1  }
0x21: {  	[tilespmem:$0x28F0] =	vst v1  }
0x22: {  	[tilespmem:$0x2900] =	vst v1  }
0x23: {  	[tilespmem:$0x2910] =	vst v1  }
0x24: {  	[tilespmem:$0x2920] =	vst v1  }
0x25: {  	[tilespmem:$0x2930] =	vst v1  }
0x26: {  	[tilespmem:$0x2940] =	vst v1  }
0x27: {  	[tilespmem:$0x2950] =	vst v1  }
0x28: {  	[tilespmem:$0x2960] =	vst v1  }
0x29: {  	[tilespmem:$0x2970] =	vst v1  }
0x2a: {  	[tilespmem:$0x2980] =	vst v1  }
0x2b: {  	[tilespmem:$0x2990] =	vst v1  }
0x2c: {  	[tilespmem:$0x29A0] =	vst v1  }
0x2d: {  	[tilespmem:$0x29B0] =	vst v1  }
0x2e: {  	[tilespmem:$0x29C0] =	vst v1  }
0x2f: {  	[tilespmem:$0x29D0] =	vst v1  }
0x30: {  	[tilespmem:$0x29E0] =	vst v1  }
0x31: {  	[tilespmem:$0x29F0] =	vst v1  }
0x32: {  	[tilespmem:$0x2A00] =	vst v1  }
0x33: {  	[tilespmem:$0x2A10] =	vst v1  }
0x34: {  	[tilespmem:$0x2A20] =	vst v1  }
0x35: {  	[tilespmem:$0x2A30] =	vst v1  }
0x36: {  	[tilespmem:$0x2A40] =	vst v1  }
0x37: {  	[tilespmem:$0x2A50] =	vst v1  }
0x38: {  	[tilespmem:$0x2A60] =	vst v1  }
0x39: {  	[tilespmem:$0x2A70] =	vst v1  }
0x3a: {  	[tilespmem:$0x2A80] =	vst v1  }
0x3b: {  	[tilespmem:$0x2A90] =	vst v1  }
0x3c: {  	[tilespmem:$0x2AA0] =	vst v1  }
0x3d: {  	[tilespmem:$0x2AB0] =	vst v1  }
0x3e: {  	[tilespmem:$0x2AC0] =	vst v1  }
0x3f: {  	[tilespmem:$0x2AD0] =	vst v1  }
0x40: {  	[tilespmem:$0x2AE0] =	vst v1  }
0x41: {  	[tilespmem:$0x2AF0] =	vst v1  }
0x42: {  	[spmem:s5] =	stream.linear.scatter [tilespmem:s9], [sflag:$0x1], $0x280, $0x38;
	[tilespmem:$0x2D80] =	vst v63  }
0x43: {  	_ =	swait.ge [sflag:s8], $0x280  }
0x44: {  	[sflag:s8] =	ssyncset.done $0x0  }
0x45: {  	[sflag:s8] =	ssyncadd.s32 $0xFFFFFD80  }
0x46: {  	s17 =	simm.s32 $0x0;
	[bflag:$0x0] =	sbarrier.arrive $0xFFFF  }
0x47: {  	[spmem:s2] =	stream.indirect.scatter.add.f32 [tilespmem:s11], [sflag:$0x1], $0x1, s17, s10, $0xb8;
	[tilespmem:$0x2D80] =	vst v63  }
0x48: {  	_ =	swait.ge [sflag:s8], $0x80  }
0x49: {  	s17 =	simm.s32 $0x200;
	[sflag:s8] =	ssyncset.done $0x0  }
.LBB2_2:
0x4a: {  	s18 =	sshra.s32 s17, $0x2;
	[sflag:s8] =	ssyncadd.s32 $0xFFFFFF80;
	p0 =	sne.s32 s17, $0x9E00  }
0x4b: {  	[spmem:s2] =	stream.indirect.scatter.add.f32 [tilespmem:s11], [sflag:$0x1], $0x1, s18, s10, $0xb8;
	[tilespmem:$0x2D80] =	vst v63  }
.Ltmp0:
0x4c: {  	_ = 	snop;
	(pc) =	sbr.rel @p0 .LBB2_2-.Ltmp0, $4  }
0x4d: {  	_ = 	snop  }
0x4e: {  	s17 =	sadd.s32 $0x200, s17  }
0x4f: {  	_ =	swait.ge [sflag:s8], $0x80  }
0x50: {  	[sflag:s8] =	ssyncset.done $0x0  }
0x51: {  	s16 =	sadd.s32 $0x1, s16  }
0x52: {  	[sflag:s8] =	ssyncadd.s32 $0xFFFFFF80;
	p0 =	sne.s32 s16, s7  }
.Ltmp1:
0x53: {  	[bflag:$0x0] =	sbarrier.arrive $0xFFFF;
	(pc) =	sbr.rel @p0 .LBB2_1-.Ltmp1, $4  }
0x54: {  	[hbm:s6@s14], [sflag:s12] =	dma.strided [spmem:s13@s15], $0x50, s8, $0x10   }
0x55: {  	_ =	swait.ge [sflag:s8], $0x50  }
0x56: {  	[sflag:s8] =	ssyncset.done $0x0  }
0x57: {  	[sflag:s8] =	ssyncadd.s32 $0xFFFFFFB0  }
0x58: {  	_ =	sfence.sel $0x180000  }
0x59: {  	[bflag:$0x0] =	sbarrier.arrive $0xFFFF  }
0x5a: {  	p0 =	sne.s32 s0, $0x0;
	_ =	strace $0x90000047  }
0x5b: {  	s0 =	sadd.s32 @!p0 $0x100000, s1;
	[bflag:$0x2] =	sbarrier.arrive $0xFFFF  }
0x5c: {  	[sflag:s0] =	ssyncadd.tile.s32 @!p0 $0x1;
	_ =	shalt  }
.Lfunc_end2:
_tile_overlayer_lowered:
.L_overlay_start_2:
0x5d: {  	(tag) =	ssettag $0x2  }
0x5e: {  	s0 =	rddreg [dreg:$0x0];
	s2 =	stileid.u32  }
0x5f: {  	s1 =	rddreg [dreg:$0x1];
	p0 =	sne.s32 s2, $0x0  }
0x60: {  	s3 =	rddreg [dreg:$0x2];
	[bflag:$0x3] =	sbarrier.arrive $0xFFFF;
	s2 =	simm.s32 @!p0 $0x1C01  }
0x61: {  	[timem:s3], [sflag:s2] =	dma.local @!p0 [hbm:s0], s1  }
0x62: {  	s0 =	simm.s32 @!p0 $0x1  }
0x63: {  	_ =	swait.ge @!p0 [sflag:s0], s1  }
0x64: {  	s1 =	ssub.s32 @!p0 $0x0, s1;
	[sflag:s0] =	ssyncset.done @!p0 $0x0  }
0x65: {  	[sflag:s0] =	ssyncadd.s32 @!p0 s1  }
0x66: {  	[bflag:$0x3] =	sbarrier.arrive $0xFFFF  }
0x67: {  	_ =	shalt  }

</sc_bundles>
